<compile_context>
chip_gen: v7x
topology: tpu7x:2x2x1
jax: 0.10.2.dev20260603
libtpu: 0.0.44.dev20260713+nightly
codegen_flags: <defaults>
</compile_context>

<pallas_src>
import functools

import jax
import jax.numpy as jnp
from jax import lax
from jax.experimental import pallas as pl
from jax.experimental.pallas import tpu as pltpu
from jax.experimental.pallas import tpu_sc as plsc

_B = 16384
_D = 32
_V = 100000
_VP = _V * _D // 128
_NP = 4
_RB = 4
_OB = 2




@functools.cache
def _build():
    info = plsc.get_sparse_core_info()
    nw = info.num_cores * info.num_subcores
    bpw = _B // nw
    nc = info.num_cores
    chunk = bpw // _NP
    mesh = plsc.VectorSubcoreMesh(core_axis_name="c", subcore_axis_name="s")

    @functools.partial(
        pl.kernel,
        mesh=mesh,
        compiler_params=pltpu.CompilerParams(use_tc_tiling_on_sc=True,
                                             needs_layout_passes=False),
        out_type=jax.ShapeDtypeStruct((_B, 2 * _D), jnp.float32),
        scratch_types=[
            pltpu.VMEM((bpw,), jnp.int32),
            pltpu.VMEM((bpw,), jnp.int32),
            pltpu.VMEM((bpw,), jnp.int32),
            pltpu.VMEM((8, _D), jnp.float32),
            *[pltpu.VMEM((chunk, 128), jnp.float32) for _ in range(_RB)],
            *[pltpu.VMEM((chunk, 2 * _D), jnp.float32) for _ in range(_OB)],
            *[pltpu.SemaphoreType.DMA for _ in range(_RB + _OB)],
        ],
    )
    def lookup_kernel(sid_hbm, cid_hbm, semb_hbm, packed_hbm, out_hbm,
                      sidx_v, cidx_v, ci4_v, stab_v, *bufs):
        crows = bufs[:_RB]
        outs = bufs[_RB:_RB + _OB]
        gsems = bufs[_RB + _OB:2 * _RB + _OB]
        osems = bufs[2 * _RB + _OB:]
        wid = lax.axis_index("s") * nc + lax.axis_index("c")
        base = wid * bpw
        pltpu.sync_copy(sid_hbm.at[pl.ds(base, bpw)], sidx_v)
        pltpu.sync_copy(cid_hbm.at[pl.ds(base, bpw)], cidx_v)
        pltpu.sync_copy(semb_hbm, stab_v)
        for g in range(bpw // 16):
            sl = pl.ds(g * 16, 16)
            ci4_v[sl] = lax.shift_right_logical(cidx_v[sl], 2)

        lanes = lax.iota(jnp.int32, 16)

        def fire_gather(p):
            return pltpu.async_copy(
                packed_hbm.at[ci4_v.at[pl.ds(p * chunk, chunk)]],
                crows[p % _RB].at[:], gsems[p % _RB])

        def make_assemble(p):
            crow_v, out_v = crows[p % _RB], outs[p % _OB]

            def assemble(g, _):
                loc16 = g * 16 + lanes
                rows16 = p * chunk + loc16
                sid16 = plsc.load_gather(sidx_v, [rows16])
                cid16 = plsc.load_gather(cidx_v, [rows16])
                ccol = (cid16 & 3) * _D
                for d in range(_D):
                    dskew = (lanes + d) & (_D - 1)
                    sval = plsc.load_gather(stab_v, [sid16, dskew])
                    plsc.store_scatter(out_v, [loc16, dskew], sval)
                    cval = plsc.load_gather(crow_v, [loc16, ccol + dskew])
                    plsc.store_scatter(out_v, [loc16, dskew + _D], cval)
                return _
            return assemble

        gcps = {p: fire_gather(p) for p in range(_RB)}
        ocps = {}
        for p in range(_NP):
            gcps[p].wait()
            if p - _OB in ocps:
                ocps[p - _OB].wait()
            lax.fori_loop(0, chunk // 16, make_assemble(p), 0)
            ocps[p] = pltpu.async_copy(
                outs[p % _OB], out_hbm.at[pl.ds(base + p * chunk, chunk)],
                osems[p % _OB])
            if p + _RB < _NP:
                gcps[p + _RB] = fire_gather(p + _RB)
        for p in range(max(0, _NP - _OB), _NP):
            ocps[p].wait()

    return lookup_kernel


def kernel(strategy_id, cause_index, strategy_emb, cause_emb):
    packed = cause_emb.reshape(_VP, 128)
    return _build()(strategy_id.astype(jnp.int32),
                    cause_index.astype(jnp.int32),
                    strategy_emb, packed)

# --- scband reference (transcript-rebuilt; emitter-appended) ---
"""Pipeline reference for scband-action-embedder-11957188952510 (READ-ONLY COPY).

The authoritative reference and input builder live on the scoring server;
editing this copy changes nothing except your own understanding.
"""

import jax, jax.numpy as jnp
import numpy as np

NUM_STRATEGIES = 8
NUM_CAUSES = 100000
STRATEGY_EMB_DIM = 32
CAUSE_EMB_DIM = 32
BATCH = 16384


def setup_inputs(seed: int = 0) -> dict:
    key = jax.random.key(seed)
    k1, k2, k3, k4 = jax.random.split(key, 4)
    strategy_id = jax.random.randint(k1, (BATCH,), 0, NUM_STRATEGIES, dtype=jnp.int64 if jax.config.jax_enable_x64 else jnp.int32)
    cause_index = jax.random.randint(k2, (BATCH,), 0, NUM_CAUSES, dtype=jnp.int64 if jax.config.jax_enable_x64 else jnp.int32)
    strategy_emb = jax.random.normal(k3, (NUM_STRATEGIES, STRATEGY_EMB_DIM), dtype=jnp.float32)
    cause_emb = jax.random.normal(k4, (NUM_CAUSES, CAUSE_EMB_DIM), dtype=jnp.float32)
    return {
        "strategy_id": strategy_id,
        "cause_index": cause_index,
        "strategy_emb": strategy_emb,
        "cause_emb": cause_emb,
    }


def reference(strategy_id, cause_index, strategy_emb, cause_emb):
    # Faithful (vectorized) translation of ActionEmbedder.forward:
    # psi(sigma, c_i) = concat(strategy_emb[sigma], cause_emb[c_i])
    s_vec = jnp.take(strategy_emb, strategy_id, axis=0)  # [B, 32]
    c_vec = jnp.take(cause_emb, cause_index, axis=0)     # [B, 32]
    return jnp.concatenate([s_vec, c_vec], axis=-1)      # [B, 64]

if __name__ == "__main__":
    import jax
    _d = setup_inputs()
    print(jax.jit(kernel)(*tuple(_d.values())))

</pallas_src>

<mosaic_0001>
#map = affine_map<(d0, d1) -> (0)>
#map1 = affine_map<(d0, d1) -> (0, 0)>
module attributes {stable_mosaic.version = 14 : i64} {
  func.func @lookup_kernel(%arg0: i32, %arg1: i32, %arg2: memref<16384xi32, #tpu.memory_space<hbm>>, %arg3: memref<16384xi32, #tpu.memory_space<hbm>>, %arg4: memref<8x32xf32, #tpu.memory_space<hbm>>, %arg5: memref<25000x128xf32, #tpu.memory_space<hbm>>, %arg6: memref<16384x64xf32, #tpu.memory_space<hbm>>, %arg7: memref<512xi32, #tpu.memory_space<vmem>>, %arg8: memref<512xi32, #tpu.memory_space<vmem>>, %arg9: memref<512xi32, #tpu.memory_space<vmem>>, %arg10: memref<8x32xf32, #tpu.memory_space<vmem>>, %arg11: memref<128x128xf32, #tpu.memory_space<vmem>>, %arg12: memref<128x128xf32, #tpu.memory_space<vmem>>, %arg13: memref<128x128xf32, #tpu.memory_space<vmem>>, %arg14: memref<128x128xf32, #tpu.memory_space<vmem>>, %arg15: memref<128x64xf32, #tpu.memory_space<vmem>>, %arg16: memref<128x64xf32, #tpu.memory_space<vmem>>, %arg17: memref<!tpu.dma_semaphore, #tpu.memory_space<semaphore_mem>>, %arg18: memref<!tpu.dma_semaphore, #tpu.memory_space<semaphore_mem>>, %arg19: memref<!tpu.dma_semaphore, #tpu.memory_space<semaphore_mem>>, %arg20: memref<!tpu.dma_semaphore, #tpu.memory_space<semaphore_mem>>, %arg21: memref<!tpu.dma_semaphore, #tpu.memory_space<semaphore_mem>>, %arg22: memref<!tpu.dma_semaphore, #tpu.memory_space<semaphore_mem>>) attributes {dimension_semantics = [#tpu.dimension_semantics<core_parallel>, #tpu.dimension_semantics<subcore_parallel>], iteration_bounds = array<i64: 2, 16>, scalar_prefetch = 0 : i64, scratch_operands = 16 : i64, tpu.core_type = #tpu.core_type<sc_vector_subcore>, window_params = [{transform_indices = #map}, {transform_indices = #map}, {transform_indices = #map1}, {transform_indices = #map1}, {transform_indices = #map1}]} {
    %mul3A = arith.constant 2 : i32
    %mul3A_0 = arith.muli %arg1, %mul3A : i32
    %add3A = arith.addi %mul3A_0, %arg0 : i32
    %mul3A_1 = arith.constant 512 : i32
    %mul3A_2 = arith.muli %add3A, %mul3A_1 : i32
    "tpu.region"() ({
      %run_scoped3A = tpu.sem_alloc : memref<!tpu.dma_semaphore, #tpu.memory_space<semaphore_mem>>
      %dma_start3A_349 = tpu.memref_slice %arg2[%mul3A_2] : memref<16384xi32, #tpu.memory_space<hbm>> -> memref<512xi32, #tpu.memory_space<hbm>>
      %dma_start3A_350 = tpu.memref_slice %arg2[%mul3A_2] : memref<16384xi32, #tpu.memory_space<hbm>> -> memref<512xi32, #tpu.memory_space<hbm>>
      tpu.enqueue_dma source(%dma_start3A_350 : memref<512xi32, #tpu.memory_space<hbm>>) target(%arg7 : memref<512xi32, #tpu.memory_space<vmem>>) target_semaphore(%run_scoped3A : memref<!tpu.dma_semaphore, #tpu.memory_space<semaphore_mem>>)
      %dma_wait3A_351 = tpu.memref_slice %arg2[%mul3A_2] : memref<16384xi32, #tpu.memory_space<hbm>> -> memref<512xi32, #tpu.memory_space<hbm>>
      %dma_wait3A_352 = tpu.memref_slice %arg2[%mul3A_2] : memref<16384xi32, #tpu.memory_space<hbm>> -> memref<512xi32, #tpu.memory_space<hbm>>
      tpu.wait_dma2 semaphore(%run_scoped3A : memref<!tpu.dma_semaphore, #tpu.memory_space<semaphore_mem>>) src(%dma_wait3A_352 : memref<512xi32, #tpu.memory_space<hbm>>) dst(%arg7 : memref<512xi32, #tpu.memory_space<vmem>>)
      tpu.yield
    }) : () -> ()
    "tpu.region"() ({
      %run_scoped3A = tpu.sem_alloc : memref<!tpu.dma_semaphore, #tpu.memory_space<semaphore_mem>>
      %dma_start3A_349 = tpu.memref_slice %arg3[%mul3A_2] : memref<16384xi32, #tpu.memory_space<hbm>> -> memref<512xi32, #tpu.memory_space<hbm>>
      %dma_start3A_350 = tpu.memref_slice %arg3[%mul3A_2] : memref<16384xi32, #tpu.memory_space<hbm>> -> memref<512xi32, #tpu.memory_space<hbm>>
      tpu.enqueue_dma source(%dma_start3A_350 : memref<512xi32, #tpu.memory_space<hbm>>) target(%arg8 : memref<512xi32, #tpu.memory_space<vmem>>) target_semaphore(%run_scoped3A : memref<!tpu.dma_semaphore, #tpu.memory_space<semaphore_mem>>)
      %dma_wait3A_351 = tpu.memref_slice %arg3[%mul3A_2] : memref<16384xi32, #tpu.memory_space<hbm>> -> memref<512xi32, #tpu.memory_space<hbm>>
      %dma_wait3A_352 = tpu.memref_slice %arg3[%mul3A_2] : memref<16384xi32, #tpu.memory_space<hbm>> -> memref<512xi32, #tpu.memory_space<hbm>>
      tpu.wait_dma2 semaphore(%run_scoped3A : memref<!tpu.dma_semaphore, #tpu.memory_space<semaphore_mem>>) src(%dma_wait3A_352 : memref<512xi32, #tpu.memory_space<hbm>>) dst(%arg8 : memref<512xi32, #tpu.memory_space<vmem>>)
      tpu.yield
    }) : () -> ()
    "tpu.region"() ({
      %run_scoped3A = tpu.sem_alloc : memref<!tpu.dma_semaphore, #tpu.memory_space<semaphore_mem>>
      tpu.enqueue_dma source(%arg4 : memref<8x32xf32, #tpu.memory_space<hbm>>) target(%arg10 : memref<8x32xf32, #tpu.memory_space<vmem>>) target_semaphore(%run_scoped3A : memref<!tpu.dma_semaphore, #tpu.memory_space<semaphore_mem>>)
      tpu.wait_dma2 semaphore(%run_scoped3A : memref<!tpu.dma_semaphore, #tpu.memory_space<semaphore_mem>>) src(%arg4 : memref<8x32xf32, #tpu.memory_space<hbm>>) dst(%arg10 : memref<8x32xf32, #tpu.memory_space<vmem>>)
      tpu.yield
    }) : () -> ()
    %get3A = arith.constant 0 : index
    %get3A_3 = tpu.vector_load %arg8[%get3A] {strides = array<i32>} : memref<512xi32, #tpu.memory_space<vmem>>, vector<16xi32>,
    %shift_right_logical3A = arith.constant 2 : i32
    %shift_right_logical3A_4 = vector.broadcast %shift_right_logical3A : i32 to vector<16xi32>
    %shift_right_logical3A_5 = arith.shrui %get3A_3, %shift_right_logical3A_4 : vector<16xi32>
    %swap3A = arith.constant 0 : index
    %swap3A_6 = tpu.vector_load %arg9[%swap3A] {strides = array<i32>} : memref<512xi32, #tpu.memory_space<vmem>>, vector<16xi32>,
    tpu.vector_store %arg9[%swap3A], %shift_right_logical3A_5 {strides = array<i32>} : memref<512xi32, #tpu.memory_space<vmem>>, vector<16xi32>,
    %get3A_7 = arith.constant 16 : index
    %get3A_8 = tpu.vector_load %arg8[%get3A_7] {strides = array<i32>} : memref<512xi32, #tpu.memory_space<vmem>>, vector<16xi32>,
    %shift_right_logical3A_9 = arith.constant 2 : i32
    %shift_right_logical3A_10 = vector.broadcast %shift_right_logical3A_9 : i32 to vector<16xi32>
    %shift_right_logical3A_11 = arith.shrui %get3A_8, %shift_right_logical3A_10 : vector<16xi32>
    %swap3A_12 = arith.constant 16 : index
    %swap3A_13 = tpu.vector_load %arg9[%swap3A_12] {strides = array<i32>} : memref<512xi32, #tpu.memory_space<vmem>>, vector<16xi32>,
    tpu.vector_store %arg9[%swap3A_12], %shift_right_logical3A_11 {strides = array<i32>} : memref<512xi32, #tpu.memory_space<vmem>>, vector<16xi32>,
    %get3A_14 = arith.constant 32 : index
    %get3A_15 = tpu.vector_load %arg8[%get3A_14] {strides = array<i32>} : memref<512xi32, #tpu.memory_space<vmem>>, vector<16xi32>,
    %shift_right_logical3A_16 = arith.constant 2 : i32
    %shift_right_logical3A_17 = vector.broadcast %shift_right_logical3A_16 : i32 to vector<16xi32>
    %shift_right_logical3A_18 = arith.shrui %get3A_15, %shift_right_logical3A_17 : vector<16xi32>
    %swap3A_19 = arith.constant 32 : index
    %swap3A_20 = tpu.vector_load %arg9[%swap3A_19] {strides = array<i32>} : memref<512xi32, #tpu.memory_space<vmem>>, vector<16xi32>,
    tpu.vector_store %arg9[%swap3A_19], %shift_right_logical3A_18 {strides = array<i32>} : memref<512xi32, #tpu.memory_space<vmem>>, vector<16xi32>,
    %get3A_21 = arith.constant 48 : index
    %get3A_22 = tpu.vector_load %arg8[%get3A_21] {strides = array<i32>} : memref<512xi32, #tpu.memory_space<vmem>>, vector<16xi32>,
    %shift_right_logical3A_23 = arith.constant 2 : i32
    %shift_right_logical3A_24 = vector.broadcast %shift_right_logical3A_23 : i32 to vector<16xi32>
    %shift_right_logical3A_25 = arith.shrui %get3A_22, %shift_right_logical3A_24 : vector<16xi32>
    %swap3A_26 = arith.constant 48 : index
    %swap3A_27 = tpu.vector_load %arg9[%swap3A_26] {strides = array<i32>} : memref<512xi32, #tpu.memory_space<vmem>>, vector<16xi32>,
    tpu.vector_store %arg9[%swap3A_26], %shift_right_logical3A_25 {strides = array<i32>} : memref<512xi32, #tpu.memory_space<vmem>>, vector<16xi32>,
    %get3A_28 = arith.constant 64 : index
    %get3A_29 = tpu.vector_load %arg8[%get3A_28] {strides = array<i32>} : memref<512xi32, #tpu.memory_space<vmem>>, vector<16xi32>,
    %shift_right_logical3A_30 = arith.constant 2 : i32
    %shift_right_logical3A_31 = vector.broadcast %shift_right_logical3A_30 : i32 to vector<16xi32>
    %shift_right_logical3A_32 = arith.shrui %get3A_29, %shift_right_logical3A_31 : vector<16xi32>
    %swap3A_33 = arith.constant 64 : index
    %swap3A_34 = tpu.vector_load %arg9[%swap3A_33] {strides = array<i32>} : memref<512xi32, #tpu.memory_space<vmem>>, vector<16xi32>,
    tpu.vector_store %arg9[%swap3A_33], %shift_right_logical3A_32 {strides = array<i32>} : memref<512xi32, #tpu.memory_space<vmem>>, vector<16xi32>,
    %get3A_35 = arith.constant 80 : index
    %get3A_36 = tpu.vector_load %arg8[%get3A_35] {strides = array<i32>} : memref<512xi32, #tpu.memory_space<vmem>>, vector<16xi32>,
    %shift_right_logical3A_37 = arith.constant 2 : i32
    %shift_right_logical3A_38 = vector.broadcast %shift_right_logical3A_37 : i32 to vector<16xi32>
    %shift_right_logical3A_39 = arith.shrui %get3A_36, %shift_right_logical3A_38 : vector<16xi32>
    %swap3A_40 = arith.constant 80 : index
    %swap3A_41 = tpu.vector_load %arg9[%swap3A_40] {strides = array<i32>} : memref<512xi32, #tpu.memory_space<vmem>>, vector<16xi32>,
    tpu.vector_store %arg9[%swap3A_40], %shift_right_logical3A_39 {strides = array<i32>} : memref<512xi32, #tpu.memory_space<vmem>>, vector<16xi32>,
    %get3A_42 = arith.constant 96 : index
    %get3A_43 = tpu.vector_load %arg8[%get3A_42] {strides = array<i32>} : memref<512xi32, #tpu.memory_space<vmem>>, vector<16xi32>,
    %shift_right_logical3A_44 = arith.constant 2 : i32
    %shift_right_logical3A_45 = vector.broadcast %shift_right_logical3A_44 : i32 to vector<16xi32>
    %shift_right_logical3A_46 = arith.shrui %get3A_43, %shift_right_logical3A_45 : vector<16xi32>
    %swap3A_47 = arith.constant 96 : index
    %swap3A_48 = tpu.vector_load %arg9[%swap3A_47] {strides = array<i32>} : memref<512xi32, #tpu.memory_space<vmem>>, vector<16xi32>,
    tpu.vector_store %arg9[%swap3A_47], %shift_right_logical3A_46 {strides = array<i32>} : memref<512xi32, #tpu.memory_space<vmem>>, vector<16xi32>,
    %get3A_49 = arith.constant 112 : index
    %get3A_50 = tpu.vector_load %arg8[%get3A_49] {strides = array<i32>} : memref<512xi32, #tpu.memory_space<vmem>>, vector<16xi32>,
    %shift_right_logical3A_51 = arith.constant 2 : i32
    %shift_right_logical3A_52 = vector.broadcast %shift_right_logical3A_51 : i32 to vector<16xi32>
    %shift_right_logical3A_53 = arith.shrui %get3A_50, %shift_right_logical3A_52 : vector<16xi32>
    %swap3A_54 = arith.constant 112 : index
    %swap3A_55 = tpu.vector_load %arg9[%swap3A_54] {strides = array<i32>} : memref<512xi32, #tpu.memory_space<vmem>>, vector<16xi32>,
    tpu.vector_store %arg9[%swap3A_54], %shift_right_logical3A_53 {strides = array<i32>} : memref<512xi32, #tpu.memory_space<vmem>>, vector<16xi32>,
    %get3A_56 = arith.constant 128 : index
    %get3A_57 = tpu.vector_load %arg8[%get3A_56] {strides = array<i32>} : memref<512xi32, #tpu.memory_space<vmem>>, vector<16xi32>,
    %shift_right_logical3A_58 = arith.constant 2 : i32
    %shift_right_logical3A_59 = vector.broadcast %shift_right_logical3A_58 : i32 to vector<16xi32>
    %shift_right_logical3A_60 = arith.shrui %get3A_57, %shift_right_logical3A_59 : vector<16xi32>
    %swap3A_61 = arith.constant 128 : index
    %swap3A_62 = tpu.vector_load %arg9[%swap3A_61] {strides = array<i32>} : memref<512xi32, #tpu.memory_space<vmem>>, vector<16xi32>,
    tpu.vector_store %arg9[%swap3A_61], %shift_right_logical3A_60 {strides = array<i32>} : memref<512xi32, #tpu.memory_space<vmem>>, vector<16xi32>,
    %get3A_63 = arith.constant 144 : index
    %get3A_64 = tpu.vector_load %arg8[%get3A_63] {strides = array<i32>} : memref<512xi32, #tpu.memory_space<vmem>>, vector<16xi32>,
    %shift_right_logical3A_65 = arith.constant 2 : i32
    %shift_right_logical3A_66 = vector.broadcast %shift_right_logical3A_65 : i32 to vector<16xi32>
    %shift_right_logical3A_67 = arith.shrui %get3A_64, %shift_right_logical3A_66 : vector<16xi32>
    %swap3A_68 = arith.constant 144 : index
    %swap3A_69 = tpu.vector_load %arg9[%swap3A_68] {strides = array<i32>} : memref<512xi32, #tpu.memory_space<vmem>>, vector<16xi32>,
    tpu.vector_store %arg9[%swap3A_68], %shift_right_logical3A_67 {strides = array<i32>} : memref<512xi32, #tpu.memory_space<vmem>>, vector<16xi32>,
    %get3A_70 = arith.constant 160 : index
    %get3A_71 = tpu.vector_load %arg8[%get3A_70] {strides = array<i32>} : memref<512xi32, #tpu.memory_space<vmem>>, vector<16xi32>,
    %shift_right_logical3A_72 = arith.constant 2 : i32
    %shift_right_logical3A_73 = vector.broadcast %shift_right_logical3A_72 : i32 to vector<16xi32>
    %shift_right_logical3A_74 = arith.shrui %get3A_71, %shift_right_logical3A_73 : vector<16xi32>
    %swap3A_75 = arith.constant 160 : index
    %swap3A_76 = tpu.vector_load %arg9[%swap3A_75] {strides = array<i32>} : memref<512xi32, #tpu.memory_space<vmem>>, vector<16xi32>,
    tpu.vector_store %arg9[%swap3A_75], %shift_right_logical3A_74 {strides = array<i32>} : memref<512xi32, #tpu.memory_space<vmem>>, vector<16xi32>,
    %get3A_77 = arith.constant 176 : index
    %get3A_78 = tpu.vector_load %arg8[%get3A_77] {strides = array<i32>} : memref<512xi32, #tpu.memory_space<vmem>>, vector<16xi32>,
    %shift_right_logical3A_79 = arith.constant 2 : i32
    %shift_right_logical3A_80 = vector.broadcast %shift_right_logical3A_79 : i32 to vector<16xi32>
    %shift_right_logical3A_81 = arith.shrui %get3A_78, %shift_right_logical3A_80 : vector<16xi32>
    %swap3A_82 = arith.constant 176 : index
    %swap3A_83 = tpu.vector_load %arg9[%swap3A_82] {strides = array<i32>} : memref<512xi32, #tpu.memory_space<vmem>>, vector<16xi32>,
    tpu.vector_store %arg9[%swap3A_82], %shift_right_logical3A_81 {strides = array<i32>} : memref<512xi32, #tpu.memory_space<vmem>>, vector<16xi32>,
    %get3A_84 = arith.constant 192 : index
    %get3A_85 = tpu.vector_load %arg8[%get3A_84] {strides = array<i32>} : memref<512xi32, #tpu.memory_space<vmem>>, vector<16xi32>,
    %shift_right_logical3A_86 = arith.constant 2 : i32
    %shift_right_logical3A_87 = vector.broadcast %shift_right_logical3A_86 : i32 to vector<16xi32>
    %shift_right_logical3A_88 = arith.shrui %get3A_85, %shift_right_logical3A_87 : vector<16xi32>
    %swap3A_89 = arith.constant 192 : index
    %swap3A_90 = tpu.vector_load %arg9[%swap3A_89] {strides = array<i32>} : memref<512xi32, #tpu.memory_space<vmem>>, vector<16xi32>,
    tpu.vector_store %arg9[%swap3A_89], %shift_right_logical3A_88 {strides = array<i32>} : memref<512xi32, #tpu.memory_space<vmem>>, vector<16xi32>,
    %get3A_91 = arith.constant 208 : index
    %get3A_92 = tpu.vector_load %arg8[%get3A_91] {strides = array<i32>} : memref<512xi32, #tpu.memory_space<vmem>>, vector<16xi32>,
    %shift_right_logical3A_93 = arith.constant 2 : i32
    %shift_right_logical3A_94 = vector.broadcast %shift_right_logical3A_93 : i32 to vector<16xi32>
    %shift_right_logical3A_95 = arith.shrui %get3A_92, %shift_right_logical3A_94 : vector<16xi32>
    %swap3A_96 = arith.constant 208 : index
    %swap3A_97 = tpu.vector_load %arg9[%swap3A_96] {strides = array<i32>} : memref<512xi32, #tpu.memory_space<vmem>>, vector<16xi32>,
    tpu.vector_store %arg9[%swap3A_96], %shift_right_logical3A_95 {strides = array<i32>} : memref<512xi32, #tpu.memory_space<vmem>>, vector<16xi32>,
    %get3A_98 = arith.constant 224 : index
    %get3A_99 = tpu.vector_load %arg8[%get3A_98] {strides = array<i32>} : memref<512xi32, #tpu.memory_space<vmem>>, vector<16xi32>,
    %shift_right_logical3A_100 = arith.constant 2 : i32
    %shift_right_logical3A_101 = vector.broadcast %shift_right_logical3A_100 : i32 to vector<16xi32>
    %shift_right_logical3A_102 = arith.shrui %get3A_99, %shift_right_logical3A_101 : vector<16xi32>
    %swap3A_103 = arith.constant 224 : index
    %swap3A_104 = tpu.vector_load %arg9[%swap3A_103] {strides = array<i32>} : memref<512xi32, #tpu.memory_space<vmem>>, vector<16xi32>,
    tpu.vector_store %arg9[%swap3A_103], %shift_right_logical3A_102 {strides = array<i32>} : memref<512xi32, #tpu.memory_space<vmem>>, vector<16xi32>,
    %get3A_105 = arith.constant 240 : index
    %get3A_106 = tpu.vector_load %arg8[%get3A_105] {strides = array<i32>} : memref<512xi32, #tpu.memory_space<vmem>>, vector<16xi32>,
    %shift_right_logical3A_107 = arith.constant 2 : i32
    %shift_right_logical3A_108 = vector.broadcast %shift_right_logical3A_107 : i32 to vector<16xi32>
    %shift_right_logical3A_109 = arith.shrui %get3A_106, %shift_right_logical3A_108 : vector<16xi32>
    %swap3A_110 = arith.constant 240 : index
    %swap3A_111 = tpu.vector_load %arg9[%swap3A_110] {strides = array<i32>} : memref<512xi32, #tpu.memory_space<vmem>>, vector<16xi32>,
    tpu.vector_store %arg9[%swap3A_110], %shift_right_logical3A_109 {strides = array<i32>} : memref<512xi32, #tpu.memory_space<vmem>>, vector<16xi32>,
    %get3A_112 = arith.constant 256 : index
    %get3A_113 = tpu.vector_load %arg8[%get3A_112] {strides = array<i32>} : memref<512xi32, #tpu.memory_space<vmem>>, vector<16xi32>,
    %shift_right_logical3A_114 = arith.constant 2 : i32
    %shift_right_logical3A_115 = vector.broadcast %shift_right_logical3A_114 : i32 to vector<16xi32>
    %shift_right_logical3A_116 = arith.shrui %get3A_113, %shift_right_logical3A_115 : vector<16xi32>
    %swap3A_117 = arith.constant 256 : index
    %swap3A_118 = tpu.vector_load %arg9[%swap3A_117] {strides = array<i32>} : memref<512xi32, #tpu.memory_space<vmem>>, vector<16xi32>,
    tpu.vector_store %arg9[%swap3A_117], %shift_right_logical3A_116 {strides = array<i32>} : memref<512xi32, #tpu.memory_space<vmem>>, vector<16xi32>,
    %get3A_119 = arith.constant 272 : index
    %get3A_120 = tpu.vector_load %arg8[%get3A_119] {strides = array<i32>} : memref<512xi32, #tpu.memory_space<vmem>>, vector<16xi32>,
    %shift_right_logical3A_121 = arith.constant 2 : i32
    %shift_right_logical3A_122 = vector.broadcast %shift_right_logical3A_121 : i32 to vector<16xi32>
    %shift_right_logical3A_123 = arith.shrui %get3A_120, %shift_right_logical3A_122 : vector<16xi32>
    %swap3A_124 = arith.constant 272 : index
    %swap3A_125 = tpu.vector_load %arg9[%swap3A_124] {strides = array<i32>} : memref<512xi32, #tpu.memory_space<vmem>>, vector<16xi32>,
    tpu.vector_store %arg9[%swap3A_124], %shift_right_logical3A_123 {strides = array<i32>} : memref<512xi32, #tpu.memory_space<vmem>>, vector<16xi32>,
    %get3A_126 = arith.constant 288 : index
    %get3A_127 = tpu.vector_load %arg8[%get3A_126] {strides = array<i32>} : memref<512xi32, #tpu.memory_space<vmem>>, vector<16xi32>,
    %shift_right_logical3A_128 = arith.constant 2 : i32
    %shift_right_logical3A_129 = vector.broadcast %shift_right_logical3A_128 : i32 to vector<16xi32>
    %shift_right_logical3A_130 = arith.shrui %get3A_127, %shift_right_logical3A_129 : vector<16xi32>
    %swap3A_131 = arith.constant 288 : index
    %swap3A_132 = tpu.vector_load %arg9[%swap3A_131] {strides = array<i32>} : memref<512xi32, #tpu.memory_space<vmem>>, vector<16xi32>,
    tpu.vector_store %arg9[%swap3A_131], %shift_right_logical3A_130 {strides = array<i32>} : memref<512xi32, #tpu.memory_space<vmem>>, vector<16xi32>,
    %get3A_133 = arith.constant 304 : index
    %get3A_134 = tpu.vector_load %arg8[%get3A_133] {strides = array<i32>} : memref<512xi32, #tpu.memory_space<vmem>>, vector<16xi32>,
    %shift_right_logical3A_135 = arith.constant 2 : i32
    %shift_right_logical3A_136 = vector.broadcast %shift_right_logical3A_135 : i32 to vector<16xi32>
    %shift_right_logical3A_137 = arith.shrui %get3A_134, %shift_right_logical3A_136 : vector<16xi32>
    %swap3A_138 = arith.constant 304 : index
    %swap3A_139 = tpu.vector_load %arg9[%swap3A_138] {strides = array<i32>} : memref<512xi32, #tpu.memory_space<vmem>>, vector<16xi32>,
    tpu.vector_store %arg9[%swap3A_138], %shift_right_logical3A_137 {strides = array<i32>} : memref<512xi32, #tpu.memory_space<vmem>>, vector<16xi32>,
    %get3A_140 = arith.constant 320 : index
    %get3A_141 = tpu.vector_load %arg8[%get3A_140] {strides = array<i32>} : memref<512xi32, #tpu.memory_space<vmem>>, vector<16xi32>,
    %shift_right_logical3A_142 = arith.constant 2 : i32
    %shift_right_logical3A_143 = vector.broadcast %shift_right_logical3A_142 : i32 to vector<16xi32>
    %shift_right_logical3A_144 = arith.shrui %get3A_141, %shift_right_logical3A_143 : vector<16xi32>
    %swap3A_145 = arith.constant 320 : index
    %swap3A_146 = tpu.vector_load %arg9[%swap3A_145] {strides = array<i32>} : memref<512xi32, #tpu.memory_space<vmem>>, vector<16xi32>,
    tpu.vector_store %arg9[%swap3A_145], %shift_right_logical3A_144 {strides = array<i32>} : memref<512xi32, #tpu.memory_space<vmem>>, vector<16xi32>,
    %get3A_147 = arith.constant 336 : index
    %get3A_148 = tpu.vector_load %arg8[%get3A_147] {strides = array<i32>} : memref<512xi32, #tpu.memory_space<vmem>>, vector<16xi32>,
    %shift_right_logical3A_149 = arith.constant 2 : i32
    %shift_right_logical3A_150 = vector.broadcast %shift_right_logical3A_149 : i32 to vector<16xi32>
    %shift_right_logical3A_151 = arith.shrui %get3A_148, %shift_right_logical3A_150 : vector<16xi32>
    %swap3A_152 = arith.constant 336 : index
    %swap3A_153 = tpu.vector_load %arg9[%swap3A_152] {strides = array<i32>} : memref<512xi32, #tpu.memory_space<vmem>>, vector<16xi32>,
    tpu.vector_store %arg9[%swap3A_152], %shift_right_logical3A_151 {strides = array<i32>} : memref<512xi32, #tpu.memory_space<vmem>>, vector<16xi32>,
    %get3A_154 = arith.constant 352 : index
    %get3A_155 = tpu.vector_load %arg8[%get3A_154] {strides = array<i32>} : memref<512xi32, #tpu.memory_space<vmem>>, vector<16xi32>,
    %shift_right_logical3A_156 = arith.constant 2 : i32
    %shift_right_logical3A_157 = vector.broadcast %shift_right_logical3A_156 : i32 to vector<16xi32>
    %shift_right_logical3A_158 = arith.shrui %get3A_155, %shift_right_logical3A_157 : vector<16xi32>
    %swap3A_159 = arith.constant 352 : index
    %swap3A_160 = tpu.vector_load %arg9[%swap3A_159] {strides = array<i32>} : memref<512xi32, #tpu.memory_space<vmem>>, vector<16xi32>,
    tpu.vector_store %arg9[%swap3A_159], %shift_right_logical3A_158 {strides = array<i32>} : memref<512xi32, #tpu.memory_space<vmem>>, vector<16xi32>,
    %get3A_161 = arith.constant 368 : index
    %get3A_162 = tpu.vector_load %arg8[%get3A_161] {strides = array<i32>} : memref<512xi32, #tpu.memory_space<vmem>>, vector<16xi32>,
    %shift_right_logical3A_163 = arith.constant 2 : i32
    %shift_right_logical3A_164 = vector.broadcast %shift_right_logical3A_163 : i32 to vector<16xi32>
    %shift_right_logical3A_165 = arith.shrui %get3A_162, %shift_right_logical3A_164 : vector<16xi32>
    %swap3A_166 = arith.constant 368 : index
    %swap3A_167 = tpu.vector_load %arg9[%swap3A_166] {strides = array<i32>} : memref<512xi32, #tpu.memory_space<vmem>>, vector<16xi32>,
    tpu.vector_store %arg9[%swap3A_166], %shift_right_logical3A_165 {strides = array<i32>} : memref<512xi32, #tpu.memory_space<vmem>>, vector<16xi32>,
    %get3A_168 = arith.constant 384 : index
    %get3A_169 = tpu.vector_load %arg8[%get3A_168] {strides = array<i32>} : memref<512xi32, #tpu.memory_space<vmem>>, vector<16xi32>,
    %shift_right_logical3A_170 = arith.constant 2 : i32
    %shift_right_logical3A_171 = vector.broadcast %shift_right_logical3A_170 : i32 to vector<16xi32>
    %shift_right_logical3A_172 = arith.shrui %get3A_169, %shift_right_logical3A_171 : vector<16xi32>
    %swap3A_173 = arith.constant 384 : index
    %swap3A_174 = tpu.vector_load %arg9[%swap3A_173] {strides = array<i32>} : memref<512xi32, #tpu.memory_space<vmem>>, vector<16xi32>,
    tpu.vector_store %arg9[%swap3A_173], %shift_right_logical3A_172 {strides = array<i32>} : memref<512xi32, #tpu.memory_space<vmem>>, vector<16xi32>,
    %get3A_175 = arith.constant 400 : index
    %get3A_176 = tpu.vector_load %arg8[%get3A_175] {strides = array<i32>} : memref<512xi32, #tpu.memory_space<vmem>>, vector<16xi32>,
    %shift_right_logical3A_177 = arith.constant 2 : i32
    %shift_right_logical3A_178 = vector.broadcast %shift_right_logical3A_177 : i32 to vector<16xi32>
    %shift_right_logical3A_179 = arith.shrui %get3A_176, %shift_right_logical3A_178 : vector<16xi32>
    %swap3A_180 = arith.constant 400 : index
    %swap3A_181 = tpu.vector_load %arg9[%swap3A_180] {strides = array<i32>} : memref<512xi32, #tpu.memory_space<vmem>>, vector<16xi32>,
    tpu.vector_store %arg9[%swap3A_180], %shift_right_logical3A_179 {strides = array<i32>} : memref<512xi32, #tpu.memory_space<vmem>>, vector<16xi32>,
    %get3A_182 = arith.constant 416 : index
    %get3A_183 = tpu.vector_load %arg8[%get3A_182] {strides = array<i32>} : memref<512xi32, #tpu.memory_space<vmem>>, vector<16xi32>,
    %shift_right_logical3A_184 = arith.constant 2 : i32
    %shift_right_logical3A_185 = vector.broadcast %shift_right_logical3A_184 : i32 to vector<16xi32>
    %shift_right_logical3A_186 = arith.shrui %get3A_183, %shift_right_logical3A_185 : vector<16xi32>
    %swap3A_187 = arith.constant 416 : index
    %swap3A_188 = tpu.vector_load %arg9[%swap3A_187] {strides = array<i32>} : memref<512xi32, #tpu.memory_space<vmem>>, vector<16xi32>,
    tpu.vector_store %arg9[%swap3A_187], %shift_right_logical3A_186 {strides = array<i32>} : memref<512xi32, #tpu.memory_space<vmem>>, vector<16xi32>,
    %get3A_189 = arith.constant 432 : index
    %get3A_190 = tpu.vector_load %arg8[%get3A_189] {strides = array<i32>} : memref<512xi32, #tpu.memory_space<vmem>>, vector<16xi32>,
    %shift_right_logical3A_191 = arith.constant 2 : i32
    %shift_right_logical3A_192 = vector.broadcast %shift_right_logical3A_191 : i32 to vector<16xi32>
    %shift_right_logical3A_193 = arith.shrui %get3A_190, %shift_right_logical3A_192 : vector<16xi32>
    %swap3A_194 = arith.constant 432 : index
    %swap3A_195 = tpu.vector_load %arg9[%swap3A_194] {strides = array<i32>} : memref<512xi32, #tpu.memory_space<vmem>>, vector<16xi32>,
    tpu.vector_store %arg9[%swap3A_194], %shift_right_logical3A_193 {strides = array<i32>} : memref<512xi32, #tpu.memory_space<vmem>>, vector<16xi32>,
    %get3A_196 = arith.constant 448 : index
    %get3A_197 = tpu.vector_load %arg8[%get3A_196] {strides = array<i32>} : memref<512xi32, #tpu.memory_space<vmem>>, vector<16xi32>,
    %shift_right_logical3A_198 = arith.constant 2 : i32
    %shift_right_logical3A_199 = vector.broadcast %shift_right_logical3A_198 : i32 to vector<16xi32>
    %shift_right_logical3A_200 = arith.shrui %get3A_197, %shift_right_logical3A_199 : vector<16xi32>
    %swap3A_201 = arith.constant 448 : index
    %swap3A_202 = tpu.vector_load %arg9[%swap3A_201] {strides = array<i32>} : memref<512xi32, #tpu.memory_space<vmem>>, vector<16xi32>,
    tpu.vector_store %arg9[%swap3A_201], %shift_right_logical3A_200 {strides = array<i32>} : memref<512xi32, #tpu.memory_space<vmem>>, vector<16xi32>,
    %get3A_203 = arith.constant 464 : index
    %get3A_204 = tpu.vector_load %arg8[%get3A_203] {strides = array<i32>} : memref<512xi32, #tpu.memory_space<vmem>>, vector<16xi32>,
    %shift_right_logical3A_205 = arith.constant 2 : i32
    %shift_right_logical3A_206 = vector.broadcast %shift_right_logical3A_205 : i32 to vector<16xi32>
    %shift_right_logical3A_207 = arith.shrui %get3A_204, %shift_right_logical3A_206 : vector<16xi32>
    %swap3A_208 = arith.constant 464 : index
    %swap3A_209 = tpu.vector_load %arg9[%swap3A_208] {strides = array<i32>} : memref<512xi32, #tpu.memory_space<vmem>>, vector<16xi32>,
    tpu.vector_store %arg9[%swap3A_208], %shift_right_logical3A_207 {strides = array<i32>} : memref<512xi32, #tpu.memory_space<vmem>>, vector<16xi32>,
    %get3A_210 = arith.constant 480 : index
    %get3A_211 = tpu.vector_load %arg8[%get3A_210] {strides = array<i32>} : memref<512xi32, #tpu.memory_space<vmem>>, vector<16xi32>,
    %shift_right_logical3A_212 = arith.constant 2 : i32
    %shift_right_logical3A_213 = vector.broadcast %shift_right_logical3A_212 : i32 to vector<16xi32>
    %shift_right_logical3A_214 = arith.shrui %get3A_211, %shift_right_logical3A_213 : vector<16xi32>
    %swap3A_215 = arith.constant 480 : index
    %swap3A_216 = tpu.vector_load %arg9[%swap3A_215] {strides = array<i32>} : memref<512xi32, #tpu.memory_space<vmem>>, vector<16xi32>,
    tpu.vector_store %arg9[%swap3A_215], %shift_right_logical3A_214 {strides = array<i32>} : memref<512xi32, #tpu.memory_space<vmem>>, vector<16xi32>,
    %get3A_217 = arith.constant 496 : index
    %get3A_218 = tpu.vector_load %arg8[%get3A_217] {strides = array<i32>} : memref<512xi32, #tpu.memory_space<vmem>>, vector<16xi32>,
    %shift_right_logical3A_219 = arith.constant 2 : i32
    %shift_right_logical3A_220 = vector.broadcast %shift_right_logical3A_219 : i32 to vector<16xi32>
    %shift_right_logical3A_221 = arith.shrui %get3A_218, %shift_right_logical3A_220 : vector<16xi32>
    %swap3A_222 = arith.constant 496 : index
    %swap3A_223 = tpu.vector_load %arg9[%swap3A_222] {strides = array<i32>} : memref<512xi32, #tpu.memory_space<vmem>>, vector<16xi32>,
    tpu.vector_store %arg9[%swap3A_222], %shift_right_logical3A_221 {strides = array<i32>} : memref<512xi32, #tpu.memory_space<vmem>>, vector<16xi32>,
    %iota3A = tpu.iota {dimensions = array<i32: 0>} : vector<16xi32>
    %dma_start3A = arith.constant 0 : i32
    %dma_start3A_224 = arith.constant 0 : i32
    %dma_start3A_225 = tpu.memref_slice %arg11[%dma_start3A, %dma_start3A_224] : memref<128x128xf32, #tpu.memory_space<vmem>> -> memref<128x128xf32, #tpu.memory_space<vmem>>
    %dma_start3A_226 = arith.constant 0 : i32
    %dma_start3A_227 = tpu.memref_slice %arg9[%dma_start3A_226] : memref<512xi32, #tpu.memory_space<vmem>> -> memref<128xi32, #tpu.memory_space<vmem>>
    %dma_start3A_228 = arith.constant 0 : i32
    %dma_start3A_229 = arith.constant 0 : i32
    %dma_start3A_230 = tpu.memref_slice %arg5[%dma_start3A_228, %dma_start3A_229] : memref<25000x128xf32, #tpu.memory_space<hbm>> -> memref<25000x128xf32, #tpu.memory_space<hbm>>
    tpu.enqueue_indirect_dma source(%dma_start3A_230 : memref<25000x128xf32, #tpu.memory_space<hbm>>) target(%dma_start3A_225 : memref<128x128xf32, #tpu.memory_space<vmem>>) offsets(%dma_start3A_227 : memref<128xi32, #tpu.memory_space<vmem>>) semaphore(%arg17 : memref<!tpu.dma_semaphore, #tpu.memory_space<semaphore_mem>>)
    %dma_start3A_231 = arith.constant 0 : i32
    %dma_start3A_232 = arith.constant 0 : i32
    %dma_start3A_233 = tpu.memref_slice %arg12[%dma_start3A_231, %dma_start3A_232] : memref<128x128xf32, #tpu.memory_space<vmem>> -> memref<128x128xf32, #tpu.memory_space<vmem>>
    %dma_start3A_234 = arith.constant 128 : i32
    %dma_start3A_235 = tpu.memref_slice %arg9[%dma_start3A_234] : memref<512xi32, #tpu.memory_space<vmem>> -> memref<128xi32, #tpu.memory_space<vmem>>
    %dma_start3A_236 = arith.constant 0 : i32
    %dma_start3A_237 = arith.constant 0 : i32
    %dma_start3A_238 = tpu.memref_slice %arg5[%dma_start3A_236, %dma_start3A_237] : memref<25000x128xf32, #tpu.memory_space<hbm>> -> memref<25000x128xf32, #tpu.memory_space<hbm>>
    tpu.enqueue_indirect_dma source(%dma_start3A_238 : memref<25000x128xf32, #tpu.memory_space<hbm>>) target(%dma_start3A_233 : memref<128x128xf32, #tpu.memory_space<vmem>>) offsets(%dma_start3A_235 : memref<128xi32, #tpu.memory_space<vmem>>) semaphore(%arg18 : memref<!tpu.dma_semaphore, #tpu.memory_space<semaphore_mem>>)
    %dma_start3A_239 = arith.constant 0 : i32
    %dma_start3A_240 = arith.constant 0 : i32
    %dma_start3A_241 = tpu.memref_slice %arg13[%dma_start3A_239, %dma_start3A_240] : memref<128x128xf32, #tpu.memory_space<vmem>> -> memref<128x128xf32, #tpu.memory_space<vmem>>
    %dma_start3A_242 = arith.constant 256 : i32
    %dma_start3A_243 = tpu.memref_slice %arg9[%dma_start3A_242] : memref<512xi32, #tpu.memory_space<vmem>> -> memref<128xi32, #tpu.memory_space<vmem>>
    %dma_start3A_244 = arith.constant 0 : i32
    %dma_start3A_245 = arith.constant 0 : i32
    %dma_start3A_246 = tpu.memref_slice %arg5[%dma_start3A_244, %dma_start3A_245] : memref<25000x128xf32, #tpu.memory_space<hbm>> -> memref<25000x128xf32, #tpu.memory_space<hbm>>
    tpu.enqueue_indirect_dma source(%dma_start3A_246 : memref<25000x128xf32, #tpu.memory_space<hbm>>) target(%dma_start3A_241 : memref<128x128xf32, #tpu.memory_space<vmem>>) offsets(%dma_start3A_243 : memref<128xi32, #tpu.memory_space<vmem>>) semaphore(%arg19 : memref<!tpu.dma_semaphore, #tpu.memory_space<semaphore_mem>>)
    %dma_start3A_247 = arith.constant 0 : i32
    %dma_start3A_248 = arith.constant 0 : i32
    %dma_start3A_249 = tpu.memref_slice %arg14[%dma_start3A_247, %dma_start3A_248] : memref<128x128xf32, #tpu.memory_space<vmem>> -> memref<128x128xf32, #tpu.memory_space<vmem>>
    %dma_start3A_250 = arith.constant 384 : i32
    %dma_start3A_251 = tpu.memref_slice %arg9[%dma_start3A_250] : memref<512xi32, #tpu.memory_space<vmem>> -> memref<128xi32, #tpu.memory_space<vmem>>
    %dma_start3A_252 = arith.constant 0 : i32
    %dma_start3A_253 = arith.constant 0 : i32
    %dma_start3A_254 = tpu.memref_slice %arg5[%dma_start3A_252, %dma_start3A_253] : memref<25000x128xf32, #tpu.memory_space<hbm>> -> memref<25000x128xf32, #tpu.memory_space<hbm>>
    tpu.enqueue_indirect_dma source(%dma_start3A_254 : memref<25000x128xf32, #tpu.memory_space<hbm>>) target(%dma_start3A_249 : memref<128x128xf32, #tpu.memory_space<vmem>>) offsets(%dma_start3A_251 : memref<128xi32, #tpu.memory_space<vmem>>) semaphore(%arg20 : memref<!tpu.dma_semaphore, #tpu.memory_space<semaphore_mem>>)
    %dma_wait3A = arith.constant 0 : i32
    %dma_wait3A_255 = arith.constant 0 : i32
    %dma_wait3A_256 = tpu.memref_slice %arg11[%dma_wait3A, %dma_wait3A_255] : memref<128x128xf32, #tpu.memory_space<vmem>> -> memref<128x128xf32, #tpu.memory_space<vmem>>
    %dma_wait3A_257 = arith.constant 0 : i32
    %dma_wait3A_258 = tpu.memref_slice %arg9[%dma_wait3A_257] : memref<512xi32, #tpu.memory_space<vmem>> -> memref<128xi32, #tpu.memory_space<vmem>>
    %dma_wait3A_259 = arith.constant 0 : i32
    %dma_wait3A_260 = arith.constant 0 : i32
    %dma_wait3A_261 = tpu.memref_slice %arg5[%dma_wait3A_259, %dma_wait3A_260] : memref<25000x128xf32, #tpu.memory_space<hbm>> -> memref<25000x128xf32, #tpu.memory_space<hbm>>
    tpu.wait_indirect_dma semaphore(%arg17 : memref<!tpu.dma_semaphore, #tpu.memory_space<semaphore_mem>>) src(%dma_wait3A_261 : memref<25000x128xf32, #tpu.memory_space<hbm>>) dst(%dma_wait3A_256 : memref<128x128xf32, #tpu.memory_space<vmem>>)
    %scan3A = arith.constant 0 : i32
    %scan3A_262 = arith.constant 0 : i32
    %scan3A_263 = arith.constant 8 : i32
    %scan3A_264 = arith.addi %scan3A_262, %scan3A_263 : i32
    %scan3A_265 = arith.constant 1 : i32
    scf.for %scan3A_349 = %scan3A_262 to %scan3A_264 step %scan3A_265  : i32 {
      %mul3A_350 = arith.constant 16 : i32
      %mul3A_351 = arith.muli %scan3A_349, %mul3A_350 : i32
      %add3A_352 = vector.broadcast %mul3A_351 : i32 to vector<16xi32>
      %add3A_353 = arith.addi %add3A_352, %iota3A : vector<16xi32>
      %add3A_354 = arith.constant 0 : i32
      %add3A_355 = vector.broadcast %add3A_354 : i32 to vector<16xi32>
      %add3A_356 = arith.addi %add3A_355, %add3A_353 : vector<16xi32>
      %gather3A = tpu.vector_load_idx %arg7[%add3A_356] : memref<512xi32, #tpu.memory_space<vmem>>[vector<16xi32>], vector<16xi32>,
      %gather3A_357 = tpu.vector_load_idx %arg8[%add3A_356] : memref<512xi32, #tpu.memory_space<vmem>>[vector<16xi32>], vector<16xi32>,
      %and3A = arith.constant 3 : i32
      %and3A_358 = vector.broadcast %and3A : i32 to vector<16xi32>
      %and3A_359 = arith.andi %gather3A_357, %and3A_358 : vector<16xi32>
      %mul3A_360 = arith.constant 32 : i32
      %mul3A_361 = vector.broadcast %mul3A_360 : i32 to vector<16xi32>
      %mul3A_362 = arith.muli %and3A_359, %mul3A_361 : vector<16xi32>
      %add3A_363 = arith.constant 0 : i32
      %add3A_364 = vector.broadcast %add3A_363 : i32 to vector<16xi32>
      %add3A_365 = arith.addi %iota3A, %add3A_364 : vector<16xi32>
      %and3A_366 = arith.constant 31 : i32
      %and3A_367 = vector.broadcast %and3A_366 : i32 to vector<16xi32>
      %and3A_368 = arith.andi %add3A_365, %and3A_367 : vector<16xi32>
      %gather3A_369 = tpu.vector_load_idx %arg10[%gather3A, %and3A_368] : memref<8x32xf32, #tpu.memory_space<vmem>>[vector<16xi32>, vector<16xi32>], vector<16xf32>,
      tpu.vector_store_idx %arg15[%add3A_353, %and3A_368], %gather3A_369 : memref<128x64xf32, #tpu.memory_space<vmem>>[vector<16xi32>, vector<16xi32>], vector<16xf32>,
      %add3A_370 = arith.addi %mul3A_362, %and3A_368 : vector<16xi32>
      %gather3A_371 = tpu.vector_load_idx %arg11[%add3A_353, %add3A_370] : memref<128x128xf32, #tpu.memory_space<vmem>>[vector<16xi32>, vector<16xi32>], vector<16xf32>,
      %add3A_372 = arith.constant 32 : i32
      %add3A_373 = vector.broadcast %add3A_372 : i32 to vector<16xi32>
      %add3A_374 = arith.addi %and3A_368, %add3A_373 : vector<16xi32>
      tpu.vector_store_idx %arg15[%add3A_353, %add3A_374], %gather3A_371 : memref<128x64xf32, #tpu.memory_space<vmem>>[vector<16xi32>, vector<16xi32>], vector<16xf32>,
      %add3A_375 = arith.constant 1 : i32
      %add3A_376 = vector.broadcast %add3A_375 : i32 to vector<16xi32>
      %add3A_377 = arith.addi %iota3A, %add3A_376 : vector<16xi32>
      %and3A_378 = arith.constant 31 : i32
      %and3A_379 = vector.broadcast %and3A_378 : i32 to vector<16xi32>
      %and3A_380 = arith.andi %add3A_377, %and3A_379 : vector<16xi32>
      %gather3A_381 = tpu.vector_load_idx %arg10[%gather3A, %and3A_380] : memref<8x32xf32, #tpu.memory_space<vmem>>[vector<16xi32>, vector<16xi32>], vector<16xf32>,
      tpu.vector_store_idx %arg15[%add3A_353, %and3A_380], %gather3A_381 : memref<128x64xf32, #tpu.memory_space<vmem>>[vector<16xi32>, vector<16xi32>], vector<16xf32>,
      %add3A_382 = arith.addi %mul3A_362, %and3A_380 : vector<16xi32>
      %gather3A_383 = tpu.vector_load_idx %arg11[%add3A_353, %add3A_382] : memref<128x128xf32, #tpu.memory_space<vmem>>[vector<16xi32>, vector<16xi32>], vector<16xf32>,
      %add3A_384 = arith.constant 32 : i32
      %add3A_385 = vector.broadcast %add3A_384 : i32 to vector<16xi32>
      %add3A_386 = arith.addi %and3A_380, %add3A_385 : vector<16xi32>
      tpu.vector_store_idx %arg15[%add3A_353, %add3A_386], %gather3A_383 : memref<128x64xf32, #tpu.memory_space<vmem>>[vector<16xi32>, vector<16xi32>], vector<16xf32>,
      %add3A_387 = arith.constant 2 : i32
      %add3A_388 = vector.broadcast %add3A_387 : i32 to vector<16xi32>
      %add3A_389 = arith.addi %iota3A, %add3A_388 : vector<16xi32>
      %and3A_390 = arith.constant 31 : i32
      %and3A_391 = vector.broadcast %and3A_390 : i32 to vector<16xi32>
      %and3A_392 = arith.andi %add3A_389, %and3A_391 : vector<16xi32>
      %gather3A_393 = tpu.vector_load_idx %arg10[%gather3A, %and3A_392] : memref<8x32xf32, #tpu.memory_space<vmem>>[vector<16xi32>, vector<16xi32>], vector<16xf32>,
      tpu.vector_store_idx %arg15[%add3A_353, %and3A_392], %gather3A_393 : memref<128x64xf32, #tpu.memory_space<vmem>>[vector<16xi32>, vector<16xi32>], vector<16xf32>,
      %add3A_394 = arith.addi %mul3A_362, %and3A_392 : vector<16xi32>
      %gather3A_395 = tpu.vector_load_idx %arg11[%add3A_353, %add3A_394] : memref<128x128xf32, #tpu.memory_space<vmem>>[vector<16xi32>, vector<16xi32>], vector<16xf32>,
      %add3A_396 = arith.constant 32 : i32
      %add3A_397 = vector.broadcast %add3A_396 : i32 to vector<16xi32>
      %add3A_398 = arith.addi %and3A_392, %add3A_397 : vector<16xi32>
      tpu.vector_store_idx %arg15[%add3A_353, %add3A_398], %gather3A_395 : memref<128x64xf32, #tpu.memory_space<vmem>>[vector<16xi32>, vector<16xi32>], vector<16xf32>,
      %add3A_399 = arith.constant 3 : i32
      %add3A_400 = vector.broadcast %add3A_399 : i32 to vector<16xi32>
      %add3A_401 = arith.addi %iota3A, %add3A_400 : vector<16xi32>
      %and3A_402 = arith.constant 31 : i32
      %and3A_403 = vector.broadcast %and3A_402 : i32 to vector<16xi32>
      %and3A_404 = arith.andi %add3A_401, %and3A_403 : vector<16xi32>
      %gather3A_405 = tpu.vector_load_idx %arg10[%gather3A, %and3A_404] : memref<8x32xf32, #tpu.memory_space<vmem>>[vector<16xi32>, vector<16xi32>], vector<16xf32>,
      tpu.vector_store_idx %arg15[%add3A_353, %and3A_404], %gather3A_405 : memref<128x64xf32, #tpu.memory_space<vmem>>[vector<16xi32>, vector<16xi32>], vector<16xf32>,
      %add3A_406 = arith.addi %mul3A_362, %and3A_404 : vector<16xi32>
      %gather3A_407 = tpu.vector_load_idx %arg11[%add3A_353, %add3A_406] : memref<128x128xf32, #tpu.memory_space<vmem>>[vector<16xi32>, vector<16xi32>], vector<16xf32>,
      %add3A_408 = arith.constant 32 : i32
      %add3A_409 = vector.broadcast %add3A_408 : i32 to vector<16xi32>
      %add3A_410 = arith.addi %and3A_404, %add3A_409 : vector<16xi32>
      tpu.vector_store_idx %arg15[%add3A_353, %add3A_410], %gather3A_407 : memref<128x64xf32, #tpu.memory_space<vmem>>[vector<16xi32>, vector<16xi32>], vector<16xf32>,
      %add3A_411 = arith.constant 4 : i32
      %add3A_412 = vector.broadcast %add3A_411 : i32 to vector<16xi32>
      %add3A_413 = arith.addi %iota3A, %add3A_412 : vector<16xi32>
      %and3A_414 = arith.constant 31 : i32
      %and3A_415 = vector.broadcast %and3A_414 : i32 to vector<16xi32>
      %and3A_416 = arith.andi %add3A_413, %and3A_415 : vector<16xi32>
      %gather3A_417 = tpu.vector_load_idx %arg10[%gather3A, %and3A_416] : memref<8x32xf32, #tpu.memory_space<vmem>>[vector<16xi32>, vector<16xi32>], vector<16xf32>,
      tpu.vector_store_idx %arg15[%add3A_353, %and3A_416], %gather3A_417 : memref<128x64xf32, #tpu.memory_space<vmem>>[vector<16xi32>, vector<16xi32>], vector<16xf32>,
      %add3A_418 = arith.addi %mul3A_362, %and3A_416 : vector<16xi32>
      %gather3A_419 = tpu.vector_load_idx %arg11[%add3A_353, %add3A_418] : memref<128x128xf32, #tpu.memory_space<vmem>>[vector<16xi32>, vector<16xi32>], vector<16xf32>,
      %add3A_420 = arith.constant 32 : i32
      %add3A_421 = vector.broadcast %add3A_420 : i32 to vector<16xi32>
      %add3A_422 = arith.addi %and3A_416, %add3A_421 : vector<16xi32>
      tpu.vector_store_idx %arg15[%add3A_353, %add3A_422], %gather3A_419 : memref<128x64xf32, #tpu.memory_space<vmem>>[vector<16xi32>, vector<16xi32>], vector<16xf32>,
      %add3A_423 = arith.constant 5 : i32
      %add3A_424 = vector.broadcast %add3A_423 : i32 to vector<16xi32>
      %add3A_425 = arith.addi %iota3A, %add3A_424 : vector<16xi32>
      %and3A_426 = arith.constant 31 : i32
      %and3A_427 = vector.broadcast %and3A_426 : i32 to vector<16xi32>
      %and3A_428 = arith.andi %add3A_425, %and3A_427 : vector<16xi32>
      %gather3A_429 = tpu.vector_load_idx %arg10[%gather3A, %and3A_428] : memref<8x32xf32, #tpu.memory_space<vmem>>[vector<16xi32>, vector<16xi32>], vector<16xf32>,
      tpu.vector_store_idx %arg15[%add3A_353, %and3A_428], %gather3A_429 : memref<128x64xf32, #tpu.memory_space<vmem>>[vector<16xi32>, vector<16xi32>], vector<16xf32>,
      %add3A_430 = arith.addi %mul3A_362, %and3A_428 : vector<16xi32>
      %gather3A_431 = tpu.vector_load_idx %arg11[%add3A_353, %add3A_430] : memref<128x128xf32, #tpu.memory_space<vmem>>[vector<16xi32>, vector<16xi32>], vector<16xf32>,
      %add3A_432 = arith.constant 32 : i32
      %add3A_433 = vector.broadcast %add3A_432 : i32 to vector<16xi32>
      %add3A_434 = arith.addi %and3A_428, %add3A_433 : vector<16xi32>
      tpu.vector_store_idx %arg15[%add3A_353, %add3A_434], %gather3A_431 : memref<128x64xf32, #tpu.memory_space<vmem>>[vector<16xi32>, vector<16xi32>], vector<16xf32>,
      %add3A_435 = arith.constant 6 : i32
      %add3A_436 = vector.broadcast %add3A_435 : i32 to vector<16xi32>
      %add3A_437 = arith.addi %iota3A, %add3A_436 : vector<16xi32>
      %and3A_438 = arith.constant 31 : i32
      %and3A_439 = vector.broadcast %and3A_438 : i32 to vector<16xi32>
      %and3A_440 = arith.andi %add3A_437, %and3A_439 : vector<16xi32>
      %gather3A_441 = tpu.vector_load_idx %arg10[%gather3A, %and3A_440] : memref<8x32xf32, #tpu.memory_space<vmem>>[vector<16xi32>, vector<16xi32>], vector<16xf32>,
      tpu.vector_store_idx %arg15[%add3A_353, %and3A_440], %gather3A_441 : memref<128x64xf32, #tpu.memory_space<vmem>>[vector<16xi32>, vector<16xi32>], vector<16xf32>,
      %add3A_442 = arith.addi %mul3A_362, %and3A_440 : vector<16xi32>
      %gather3A_443 = tpu.vector_load_idx %arg11[%add3A_353, %add3A_442] : memref<128x128xf32, #tpu.memory_space<vmem>>[vector<16xi32>, vector<16xi32>], vector<16xf32>,
      %add3A_444 = arith.constant 32 : i32
      %add3A_445 = vector.broadcast %add3A_444 : i32 to vector<16xi32>
      %add3A_446 = arith.addi %and3A_440, %add3A_445 : vector<16xi32>
      tpu.vector_store_idx %arg15[%add3A_353, %add3A_446], %gather3A_443 : memref<128x64xf32, #tpu.memory_space<vmem>>[vector<16xi32>, vector<16xi32>], vector<16xf32>,
      %add3A_447 = arith.constant 7 : i32
      %add3A_448 = vector.broadcast %add3A_447 : i32 to vector<16xi32>
      %add3A_449 = arith.addi %iota3A, %add3A_448 : vector<16xi32>
      %and3A_450 = arith.constant 31 : i32
      %and3A_451 = vector.broadcast %and3A_450 : i32 to vector<16xi32>
      %and3A_452 = arith.andi %add3A_449, %and3A_451 : vector<16xi32>
      %gather3A_453 = tpu.vector_load_idx %arg10[%gather3A, %and3A_452] : memref<8x32xf32, #tpu.memory_space<vmem>>[vector<16xi32>, vector<16xi32>], vector<16xf32>,
      tpu.vector_store_idx %arg15[%add3A_353, %and3A_452], %gather3A_453 : memref<128x64xf32, #tpu.memory_space<vmem>>[vector<16xi32>, vector<16xi32>], vector<16xf32>,
      %add3A_454 = arith.addi %mul3A_362, %and3A_452 : vector<16xi32>
      %gather3A_455 = tpu.vector_load_idx %arg11[%add3A_353, %add3A_454] : memref<128x128xf32, #tpu.memory_space<vmem>>[vector<16xi32>, vector<16xi32>], vector<16xf32>,
      %add3A_456 = arith.constant 32 : i32
      %add3A_457 = vector.broadcast %add3A_456 : i32 to vector<16xi32>
      %add3A_458 = arith.addi %and3A_452, %add3A_457 : vector<16xi32>
      tpu.vector_store_idx %arg15[%add3A_353, %add3A_458], %gather3A_455 : memref<128x64xf32, #tpu.memory_space<vmem>>[vector<16xi32>, vector<16xi32>], vector<16xf32>,
      %add3A_459 = arith.constant 8 : i32
      %add3A_460 = vector.broadcast %add3A_459 : i32 to vector<16xi32>
      %add3A_461 = arith.addi %iota3A, %add3A_460 : vector<16xi32>
      %and3A_462 = arith.constant 31 : i32
      %and3A_463 = vector.broadcast %and3A_462 : i32 to vector<16xi32>
      %and3A_464 = arith.andi %add3A_461, %and3A_463 : vector<16xi32>
      %gather3A_465 = tpu.vector_load_idx %arg10[%gather3A, %and3A_464] : memref<8x32xf32, #tpu.memory_space<vmem>>[vector<16xi32>, vector<16xi32>], vector<16xf32>,
      tpu.vector_store_idx %arg15[%add3A_353, %and3A_464], %gather3A_465 : memref<128x64xf32, #tpu.memory_space<vmem>>[vector<16xi32>, vector<16xi32>], vector<16xf32>,
      %add3A_466 = arith.addi %mul3A_362, %and3A_464 : vector<16xi32>
      %gather3A_467 = tpu.vector_load_idx %arg11[%add3A_353, %add3A_466] : memref<128x128xf32, #tpu.memory_space<vmem>>[vector<16xi32>, vector<16xi32>], vector<16xf32>,
      %add3A_468 = arith.constant 32 : i32
      %add3A_469 = vector.broadcast %add3A_468 : i32 to vector<16xi32>
      %add3A_470 = arith.addi %and3A_464, %add3A_469 : vector<16xi32>
      tpu.vector_store_idx %arg15[%add3A_353, %add3A_470], %gather3A_467 : memref<128x64xf32, #tpu.memory_space<vmem>>[vector<16xi32>, vector<16xi32>], vector<16xf32>,
      %add3A_471 = arith.constant 9 : i32
      %add3A_472 = vector.broadcast %add3A_471 : i32 to vector<16xi32>
      %add3A_473 = arith.addi %iota3A, %add3A_472 : vector<16xi32>
      %and3A_474 = arith.constant 31 : i32
      %and3A_475 = vector.broadcast %and3A_474 : i32 to vector<16xi32>
      %and3A_476 = arith.andi %add3A_473, %and3A_475 : vector<16xi32>
      %gather3A_477 = tpu.vector_load_idx %arg10[%gather3A, %and3A_476] : memref<8x32xf32, #tpu.memory_space<vmem>>[vector<16xi32>, vector<16xi32>], vector<16xf32>,
      tpu.vector_store_idx %arg15[%add3A_353, %and3A_476], %gather3A_477 : memref<128x64xf32, #tpu.memory_space<vmem>>[vector<16xi32>, vector<16xi32>], vector<16xf32>,
      %add3A_478 = arith.addi %mul3A_362, %and3A_476 : vector<16xi32>
      %gather3A_479 = tpu.vector_load_idx %arg11[%add3A_353, %add3A_478] : memref<128x128xf32, #tpu.memory_space<vmem>>[vector<16xi32>, vector<16xi32>], vector<16xf32>,
      %add3A_480 = arith.constant 32 : i32
      %add3A_481 = vector.broadcast %add3A_480 : i32 to vector<16xi32>
      %add3A_482 = arith.addi %and3A_476, %add3A_481 : vector<16xi32>
      tpu.vector_store_idx %arg15[%add3A_353, %add3A_482], %gather3A_479 : memref<128x64xf32, #tpu.memory_space<vmem>>[vector<16xi32>, vector<16xi32>], vector<16xf32>,
      %add3A_483 = arith.constant 10 : i32
      %add3A_484 = vector.broadcast %add3A_483 : i32 to vector<16xi32>
      %add3A_485 = arith.addi %iota3A, %add3A_484 : vector<16xi32>
      %and3A_486 = arith.constant 31 : i32
      %and3A_487 = vector.broadcast %and3A_486 : i32 to vector<16xi32>
      %and3A_488 = arith.andi %add3A_485, %and3A_487 : vector<16xi32>
      %gather3A_489 = tpu.vector_load_idx %arg10[%gather3A, %and3A_488] : memref<8x32xf32, #tpu.memory_space<vmem>>[vector<16xi32>, vector<16xi32>], vector<16xf32>,
      tpu.vector_store_idx %arg15[%add3A_353, %and3A_488], %gather3A_489 : memref<128x64xf32, #tpu.memory_space<vmem>>[vector<16xi32>, vector<16xi32>], vector<16xf32>,
      %add3A_490 = arith.addi %mul3A_362, %and3A_488 : vector<16xi32>
      %gather3A_491 = tpu.vector_load_idx %arg11[%add3A_353, %add3A_490] : memref<128x128xf32, #tpu.memory_space<vmem>>[vector<16xi32>, vector<16xi32>], vector<16xf32>,
      %add3A_492 = arith.constant 32 : i32
      %add3A_493 = vector.broadcast %add3A_492 : i32 to vector<16xi32>
      %add3A_494 = arith.addi %and3A_488, %add3A_493 : vector<16xi32>
      tpu.vector_store_idx %arg15[%add3A_353, %add3A_494], %gather3A_491 : memref<128x64xf32, #tpu.memory_space<vmem>>[vector<16xi32>, vector<16xi32>], vector<16xf32>,
      %add3A_495 = arith.constant 11 : i32
      %add3A_496 = vector.broadcast %add3A_495 : i32 to vector<16xi32>
      %add3A_497 = arith.addi %iota3A, %add3A_496 : vector<16xi32>
      %and3A_498 = arith.constant 31 : i32
      %and3A_499 = vector.broadcast %and3A_498 : i32 to vector<16xi32>
      %and3A_500 = arith.andi %add3A_497, %and3A_499 : vector<16xi32>
      %gather3A_501 = tpu.vector_load_idx %arg10[%gather3A, %and3A_500] : memref<8x32xf32, #tpu.memory_space<vmem>>[vector<16xi32>, vector<16xi32>], vector<16xf32>,
      tpu.vector_store_idx %arg15[%add3A_353, %and3A_500], %gather3A_501 : memref<128x64xf32, #tpu.memory_space<vmem>>[vector<16xi32>, vector<16xi32>], vector<16xf32>,
      %add3A_502 = arith.addi %mul3A_362, %and3A_500 : vector<16xi32>
      %gather3A_503 = tpu.vector_load_idx %arg11[%add3A_353, %add3A_502] : memref<128x128xf32, #tpu.memory_space<vmem>>[vector<16xi32>, vector<16xi32>], vector<16xf32>,
      %add3A_504 = arith.constant 32 : i32
      %add3A_505 = vector.broadcast %add3A_504 : i32 to vector<16xi32>
      %add3A_506 = arith.addi %and3A_500, %add3A_505 : vector<16xi32>
      tpu.vector_store_idx %arg15[%add3A_353, %add3A_506], %gather3A_503 : memref<128x64xf32, #tpu.memory_space<vmem>>[vector<16xi32>, vector<16xi32>], vector<16xf32>,
      %add3A_507 = arith.constant 12 : i32
      %add3A_508 = vector.broadcast %add3A_507 : i32 to vector<16xi32>
      %add3A_509 = arith.addi %iota3A, %add3A_508 : vector<16xi32>
      %and3A_510 = arith.constant 31 : i32
      %and3A_511 = vector.broadcast %and3A_510 : i32 to vector<16xi32>
      %and3A_512 = arith.andi %add3A_509, %and3A_511 : vector<16xi32>
      %gather3A_513 = tpu.vector_load_idx %arg10[%gather3A, %and3A_512] : memref<8x32xf32, #tpu.memory_space<vmem>>[vector<16xi32>, vector<16xi32>], vector<16xf32>,
      tpu.vector_store_idx %arg15[%add3A_353, %and3A_512], %gather3A_513 : memref<128x64xf32, #tpu.memory_space<vmem>>[vector<16xi32>, vector<16xi32>], vector<16xf32>,
      %add3A_514 = arith.addi %mul3A_362, %and3A_512 : vector<16xi32>
      %gather3A_515 = tpu.vector_load_idx %arg11[%add3A_353, %add3A_514] : memref<128x128xf32, #tpu.memory_space<vmem>>[vector<16xi32>, vector<16xi32>], vector<16xf32>,
      %add3A_516 = arith.constant 32 : i32
      %add3A_517 = vector.broadcast %add3A_516 : i32 to vector<16xi32>
      %add3A_518 = arith.addi %and3A_512, %add3A_517 : vector<16xi32>
      tpu.vector_store_idx %arg15[%add3A_353, %add3A_518], %gather3A_515 : memref<128x64xf32, #tpu.memory_space<vmem>>[vector<16xi32>, vector<16xi32>], vector<16xf32>,
      %add3A_519 = arith.constant 13 : i32
      %add3A_520 = vector.broadcast %add3A_519 : i32 to vector<16xi32>
      %add3A_521 = arith.addi %iota3A, %add3A_520 : vector<16xi32>
      %and3A_522 = arith.constant 31 : i32
      %and3A_523 = vector.broadcast %and3A_522 : i32 to vector<16xi32>
      %and3A_524 = arith.andi %add3A_521, %and3A_523 : vector<16xi32>
      %gather3A_525 = tpu.vector_load_idx %arg10[%gather3A, %and3A_524] : memref<8x32xf32, #tpu.memory_space<vmem>>[vector<16xi32>, vector<16xi32>], vector<16xf32>,
      tpu.vector_store_idx %arg15[%add3A_353, %and3A_524], %gather3A_525 : memref<128x64xf32, #tpu.memory_space<vmem>>[vector<16xi32>, vector<16xi32>], vector<16xf32>,
      %add3A_526 = arith.addi %mul3A_362, %and3A_524 : vector<16xi32>
      %gather3A_527 = tpu.vector_load_idx %arg11[%add3A_353, %add3A_526] : memref<128x128xf32, #tpu.memory_space<vmem>>[vector<16xi32>, vector<16xi32>], vector<16xf32>,
      %add3A_528 = arith.constant 32 : i32
      %add3A_529 = vector.broadcast %add3A_528 : i32 to vector<16xi32>
      %add3A_530 = arith.addi %and3A_524, %add3A_529 : vector<16xi32>
      tpu.vector_store_idx %arg15[%add3A_353, %add3A_530], %gather3A_527 : memref<128x64xf32, #tpu.memory_space<vmem>>[vector<16xi32>, vector<16xi32>], vector<16xf32>,
      %add3A_531 = arith.constant 14 : i32
      %add3A_532 = vector.broadcast %add3A_531 : i32 to vector<16xi32>
      %add3A_533 = arith.addi %iota3A, %add3A_532 : vector<16xi32>
      %and3A_534 = arith.constant 31 : i32
      %and3A_535 = vector.broadcast %and3A_534 : i32 to vector<16xi32>
      %and3A_536 = arith.andi %add3A_533, %and3A_535 : vector<16xi32>
      %gather3A_537 = tpu.vector_load_idx %arg10[%gather3A, %and3A_536] : memref<8x32xf32, #tpu.memory_space<vmem>>[vector<16xi32>, vector<16xi32>], vector<16xf32>,
      tpu.vector_store_idx %arg15[%add3A_353, %and3A_536], %gather3A_537 : memref<128x64xf32, #tpu.memory_space<vmem>>[vector<16xi32>, vector<16xi32>], vector<16xf32>,
      %add3A_538 = arith.addi %mul3A_362, %and3A_536 : vector<16xi32>
      %gather3A_539 = tpu.vector_load_idx %arg11[%add3A_353, %add3A_538] : memref<128x128xf32, #tpu.memory_space<vmem>>[vector<16xi32>, vector<16xi32>], vector<16xf32>,
      %add3A_540 = arith.constant 32 : i32
      %add3A_541 = vector.broadcast %add3A_540 : i32 to vector<16xi32>
      %add3A_542 = arith.addi %and3A_536, %add3A_541 : vector<16xi32>
      tpu.vector_store_idx %arg15[%add3A_353, %add3A_542], %gather3A_539 : memref<128x64xf32, #tpu.memory_space<vmem>>[vector<16xi32>, vector<16xi32>], vector<16xf32>,
      %add3A_543 = arith.constant 15 : i32
      %add3A_544 = vector.broadcast %add3A_543 : i32 to vector<16xi32>
      %add3A_545 = arith.addi %iota3A, %add3A_544 : vector<16xi32>
      %and3A_546 = arith.constant 31 : i32
      %and3A_547 = vector.broadcast %and3A_546 : i32 to vector<16xi32>
      %and3A_548 = arith.andi %add3A_545, %and3A_547 : vector<16xi32>
      %gather3A_549 = tpu.vector_load_idx %arg10[%gather3A, %and3A_548] : memref<8x32xf32, #tpu.memory_space<vmem>>[vector<16xi32>, vector<16xi32>], vector<16xf32>,
      tpu.vector_store_idx %arg15[%add3A_353, %and3A_548], %gather3A_549 : memref<128x64xf32, #tpu.memory_space<vmem>>[vector<16xi32>, vector<16xi32>], vector<16xf32>,
      %add3A_550 = arith.addi %mul3A_362, %and3A_548 : vector<16xi32>
      %gather3A_551 = tpu.vector_load_idx %arg11[%add3A_353, %add3A_550] : memref<128x128xf32, #tpu.memory_space<vmem>>[vector<16xi32>, vector<16xi32>], vector<16xf32>,
      %add3A_552 = arith.constant 32 : i32
      %add3A_553 = vector.broadcast %add3A_552 : i32 to vector<16xi32>
      %add3A_554 = arith.addi %and3A_548, %add3A_553 : vector<16xi32>
      tpu.vector_store_idx %arg15[%add3A_353, %add3A_554], %gather3A_551 : memref<128x64xf32, #tpu.memory_space<vmem>>[vector<16xi32>, vector<16xi32>], vector<16xf32>,
      %add3A_555 = arith.constant 16 : i32
      %add3A_556 = vector.broadcast %add3A_555 : i32 to vector<16xi32>
      %add3A_557 = arith.addi %iota3A, %add3A_556 : vector<16xi32>
      %and3A_558 = arith.constant 31 : i32
      %and3A_559 = vector.broadcast %and3A_558 : i32 to vector<16xi32>
      %and3A_560 = arith.andi %add3A_557, %and3A_559 : vector<16xi32>
      %gather3A_561 = tpu.vector_load_idx %arg10[%gather3A, %and3A_560] : memref<8x32xf32, #tpu.memory_space<vmem>>[vector<16xi32>, vector<16xi32>], vector<16xf32>,
      tpu.vector_store_idx %arg15[%add3A_353, %and3A_560], %gather3A_561 : memref<128x64xf32, #tpu.memory_space<vmem>>[vector<16xi32>, vector<16xi32>], vector<16xf32>,
      %add3A_562 = arith.addi %mul3A_362, %and3A_560 : vector<16xi32>
      %gather3A_563 = tpu.vector_load_idx %arg11[%add3A_353, %add3A_562] : memref<128x128xf32, #tpu.memory_space<vmem>>[vector<16xi32>, vector<16xi32>], vector<16xf32>,
      %add3A_564 = arith.constant 32 : i32
      %add3A_565 = vector.broadcast %add3A_564 : i32 to vector<16xi32>
      %add3A_566 = arith.addi %and3A_560, %add3A_565 : vector<16xi32>
      tpu.vector_store_idx %arg15[%add3A_353, %add3A_566], %gather3A_563 : memref<128x64xf32, #tpu.memory_space<vmem>>[vector<16xi32>, vector<16xi32>], vector<16xf32>,
      %add3A_567 = arith.constant 17 : i32
      %add3A_568 = vector.broadcast %add3A_567 : i32 to vector<16xi32>
      %add3A_569 = arith.addi %iota3A, %add3A_568 : vector<16xi32>
      %and3A_570 = arith.constant 31 : i32
      %and3A_571 = vector.broadcast %and3A_570 : i32 to vector<16xi32>
      %and3A_572 = arith.andi %add3A_569, %and3A_571 : vector<16xi32>
      %gather3A_573 = tpu.vector_load_idx %arg10[%gather3A, %and3A_572] : memref<8x32xf32, #tpu.memory_space<vmem>>[vector<16xi32>, vector<16xi32>], vector<16xf32>,
      tpu.vector_store_idx %arg15[%add3A_353, %and3A_572], %gather3A_573 : memref<128x64xf32, #tpu.memory_space<vmem>>[vector<16xi32>, vector<16xi32>], vector<16xf32>,
      %add3A_574 = arith.addi %mul3A_362, %and3A_572 : vector<16xi32>
      %gather3A_575 = tpu.vector_load_idx %arg11[%add3A_353, %add3A_574] : memref<128x128xf32, #tpu.memory_space<vmem>>[vector<16xi32>, vector<16xi32>], vector<16xf32>,
      %add3A_576 = arith.constant 32 : i32
      %add3A_577 = vector.broadcast %add3A_576 : i32 to vector<16xi32>
      %add3A_578 = arith.addi %and3A_572, %add3A_577 : vector<16xi32>
      tpu.vector_store_idx %arg15[%add3A_353, %add3A_578], %gather3A_575 : memref<128x64xf32, #tpu.memory_space<vmem>>[vector<16xi32>, vector<16xi32>], vector<16xf32>,
      %add3A_579 = arith.constant 18 : i32
      %add3A_580 = vector.broadcast %add3A_579 : i32 to vector<16xi32>
      %add3A_581 = arith.addi %iota3A, %add3A_580 : vector<16xi32>
      %and3A_582 = arith.constant 31 : i32
      %and3A_583 = vector.broadcast %and3A_582 : i32 to vector<16xi32>
      %and3A_584 = arith.andi %add3A_581, %and3A_583 : vector<16xi32>
      %gather3A_585 = tpu.vector_load_idx %arg10[%gather3A, %and3A_584] : memref<8x32xf32, #tpu.memory_space<vmem>>[vector<16xi32>, vector<16xi32>], vector<16xf32>,
      tpu.vector_store_idx %arg15[%add3A_353, %and3A_584], %gather3A_585 : memref<128x64xf32, #tpu.memory_space<vmem>>[vector<16xi32>, vector<16xi32>], vector<16xf32>,
      %add3A_586 = arith.addi %mul3A_362, %and3A_584 : vector<16xi32>
      %gather3A_587 = tpu.vector_load_idx %arg11[%add3A_353, %add3A_586] : memref<128x128xf32, #tpu.memory_space<vmem>>[vector<16xi32>, vector<16xi32>], vector<16xf32>,
      %add3A_588 = arith.constant 32 : i32
      %add3A_589 = vector.broadcast %add3A_588 : i32 to vector<16xi32>
      %add3A_590 = arith.addi %and3A_584, %add3A_589 : vector<16xi32>
      tpu.vector_store_idx %arg15[%add3A_353, %add3A_590], %gather3A_587 : memref<128x64xf32, #tpu.memory_space<vmem>>[vector<16xi32>, vector<16xi32>], vector<16xf32>,
      %add3A_591 = arith.constant 19 : i32
      %add3A_592 = vector.broadcast %add3A_591 : i32 to vector<16xi32>
      %add3A_593 = arith.addi %iota3A, %add3A_592 : vector<16xi32>
      %and3A_594 = arith.constant 31 : i32
      %and3A_595 = vector.broadcast %and3A_594 : i32 to vector<16xi32>
      %and3A_596 = arith.andi %add3A_593, %and3A_595 : vector<16xi32>
      %gather3A_597 = tpu.vector_load_idx %arg10[%gather3A, %and3A_596] : memref<8x32xf32, #tpu.memory_space<vmem>>[vector<16xi32>, vector<16xi32>], vector<16xf32>,
      tpu.vector_store_idx %arg15[%add3A_353, %and3A_596], %gather3A_597 : memref<128x64xf32, #tpu.memory_space<vmem>>[vector<16xi32>, vector<16xi32>], vector<16xf32>,
      %add3A_598 = arith.addi %mul3A_362, %and3A_596 : vector<16xi32>
      %gather3A_599 = tpu.vector_load_idx %arg11[%add3A_353, %add3A_598] : memref<128x128xf32, #tpu.memory_space<vmem>>[vector<16xi32>, vector<16xi32>], vector<16xf32>,
      %add3A_600 = arith.constant 32 : i32
      %add3A_601 = vector.broadcast %add3A_600 : i32 to vector<16xi32>
      %add3A_602 = arith.addi %and3A_596, %add3A_601 : vector<16xi32>
      tpu.vector_store_idx %arg15[%add3A_353, %add3A_602], %gather3A_599 : memref<128x64xf32, #tpu.memory_space<vmem>>[vector<16xi32>, vector<16xi32>], vector<16xf32>,
      %add3A_603 = arith.constant 20 : i32
      %add3A_604 = vector.broadcast %add3A_603 : i32 to vector<16xi32>
      %add3A_605 = arith.addi %iota3A, %add3A_604 : vector<16xi32>
      %and3A_606 = arith.constant 31 : i32
      %and3A_607 = vector.broadcast %and3A_606 : i32 to vector<16xi32>
      %and3A_608 = arith.andi %add3A_605, %and3A_607 : vector<16xi32>
      %gather3A_609 = tpu.vector_load_idx %arg10[%gather3A, %and3A_608] : memref<8x32xf32, #tpu.memory_space<vmem>>[vector<16xi32>, vector<16xi32>], vector<16xf32>,
      tpu.vector_store_idx %arg15[%add3A_353, %and3A_608], %gather3A_609 : memref<128x64xf32, #tpu.memory_space<vmem>>[vector<16xi32>, vector<16xi32>], vector<16xf32>,
      %add3A_610 = arith.addi %mul3A_362, %and3A_608 : vector<16xi32>
      %gather3A_611 = tpu.vector_load_idx %arg11[%add3A_353, %add3A_610] : memref<128x128xf32, #tpu.memory_space<vmem>>[vector<16xi32>, vector<16xi32>], vector<16xf32>,
      %add3A_612 = arith.constant 32 : i32
      %add3A_613 = vector.broadcast %add3A_612 : i32 to vector<16xi32>
      %add3A_614 = arith.addi %and3A_608, %add3A_613 : vector<16xi32>
      tpu.vector_store_idx %arg15[%add3A_353, %add3A_614], %gather3A_611 : memref<128x64xf32, #tpu.memory_space<vmem>>[vector<16xi32>, vector<16xi32>], vector<16xf32>,
      %add3A_615 = arith.constant 21 : i32
      %add3A_616 = vector.broadcast %add3A_615 : i32 to vector<16xi32>
      %add3A_617 = arith.addi %iota3A, %add3A_616 : vector<16xi32>
      %and3A_618 = arith.constant 31 : i32
      %and3A_619 = vector.broadcast %and3A_618 : i32 to vector<16xi32>
      %and3A_620 = arith.andi %add3A_617, %and3A_619 : vector<16xi32>
      %gather3A_621 = tpu.vector_load_idx %arg10[%gather3A, %and3A_620] : memref<8x32xf32, #tpu.memory_space<vmem>>[vector<16xi32>, vector<16xi32>], vector<16xf32>,
      tpu.vector_store_idx %arg15[%add3A_353, %and3A_620], %gather3A_621 : memref<128x64xf32, #tpu.memory_space<vmem>>[vector<16xi32>, vector<16xi32>], vector<16xf32>,
      %add3A_622 = arith.addi %mul3A_362, %and3A_620 : vector<16xi32>
      %gather3A_623 = tpu.vector_load_idx %arg11[%add3A_353, %add3A_622] : memref<128x128xf32, #tpu.memory_space<vmem>>[vector<16xi32>, vector<16xi32>], vector<16xf32>,
      %add3A_624 = arith.constant 32 : i32
      %add3A_625 = vector.broadcast %add3A_624 : i32 to vector<16xi32>
      %add3A_626 = arith.addi %and3A_620, %add3A_625 : vector<16xi32>
      tpu.vector_store_idx %arg15[%add3A_353, %add3A_626], %gather3A_623 : memref<128x64xf32, #tpu.memory_space<vmem>>[vector<16xi32>, vector<16xi32>], vector<16xf32>,
      %add3A_627 = arith.constant 22 : i32
      %add3A_628 = vector.broadcast %add3A_627 : i32 to vector<16xi32>
      %add3A_629 = arith.addi %iota3A, %add3A_628 : vector<16xi32>
      %and3A_630 = arith.constant 31 : i32
      %and3A_631 = vector.broadcast %and3A_630 : i32 to vector<16xi32>
      %and3A_632 = arith.andi %add3A_629, %and3A_631 : vector<16xi32>
      %gather3A_633 = tpu.vector_load_idx %arg10[%gather3A, %and3A_632] : memref<8x32xf32, #tpu.memory_space<vmem>>[vector<16xi32>, vector<16xi32>], vector<16xf32>,
      tpu.vector_store_idx %arg15[%add3A_353, %and3A_632], %gather3A_633 : memref<128x64xf32, #tpu.memory_space<vmem>>[vector<16xi32>, vector<16xi32>], vector<16xf32>,
      %add3A_634 = arith.addi %mul3A_362, %and3A_632 : vector<16xi32>
      %gather3A_635 = tpu.vector_load_idx %arg11[%add3A_353, %add3A_634] : memref<128x128xf32, #tpu.memory_space<vmem>>[vector<16xi32>, vector<16xi32>], vector<16xf32>,
      %add3A_636 = arith.constant 32 : i32
      %add3A_637 = vector.broadcast %add3A_636 : i32 to vector<16xi32>
      %add3A_638 = arith.addi %and3A_632, %add3A_637 : vector<16xi32>
      tpu.vector_store_idx %arg15[%add3A_353, %add3A_638], %gather3A_635 : memref<128x64xf32, #tpu.memory_space<vmem>>[vector<16xi32>, vector<16xi32>], vector<16xf32>,
      %add3A_639 = arith.constant 23 : i32
      %add3A_640 = vector.broadcast %add3A_639 : i32 to vector<16xi32>
      %add3A_641 = arith.addi %iota3A, %add3A_640 : vector<16xi32>
      %and3A_642 = arith.constant 31 : i32
      %and3A_643 = vector.broadcast %and3A_642 : i32 to vector<16xi32>
      %and3A_644 = arith.andi %add3A_641, %and3A_643 : vector<16xi32>
      %gather3A_645 = tpu.vector_load_idx %arg10[%gather3A, %and3A_644] : memref<8x32xf32, #tpu.memory_space<vmem>>[vector<16xi32>, vector<16xi32>], vector<16xf32>,
      tpu.vector_store_idx %arg15[%add3A_353, %and3A_644], %gather3A_645 : memref<128x64xf32, #tpu.memory_space<vmem>>[vector<16xi32>, vector<16xi32>], vector<16xf32>,
      %add3A_646 = arith.addi %mul3A_362, %and3A_644 : vector<16xi32>
      %gather3A_647 = tpu.vector_load_idx %arg11[%add3A_353, %add3A_646] : memref<128x128xf32, #tpu.memory_space<vmem>>[vector<16xi32>, vector<16xi32>], vector<16xf32>,
      %add3A_648 = arith.constant 32 : i32
      %add3A_649 = vector.broadcast %add3A_648 : i32 to vector<16xi32>
      %add3A_650 = arith.addi %and3A_644, %add3A_649 : vector<16xi32>
      tpu.vector_store_idx %arg15[%add3A_353, %add3A_650], %gather3A_647 : memref<128x64xf32, #tpu.memory_space<vmem>>[vector<16xi32>, vector<16xi32>], vector<16xf32>,
      %add3A_651 = arith.constant 24 : i32
      %add3A_652 = vector.broadcast %add3A_651 : i32 to vector<16xi32>
      %add3A_653 = arith.addi %iota3A, %add3A_652 : vector<16xi32>
      %and3A_654 = arith.constant 31 : i32
      %and3A_655 = vector.broadcast %and3A_654 : i32 to vector<16xi32>
      %and3A_656 = arith.andi %add3A_653, %and3A_655 : vector<16xi32>
      %gather3A_657 = tpu.vector_load_idx %arg10[%gather3A, %and3A_656] : memref<8x32xf32, #tpu.memory_space<vmem>>[vector<16xi32>, vector<16xi32>], vector<16xf32>,
      tpu.vector_store_idx %arg15[%add3A_353, %and3A_656], %gather3A_657 : memref<128x64xf32, #tpu.memory_space<vmem>>[vector<16xi32>, vector<16xi32>], vector<16xf32>,
      %add3A_658 = arith.addi %mul3A_362, %and3A_656 : vector<16xi32>
      %gather3A_659 = tpu.vector_load_idx %arg11[%add3A_353, %add3A_658] : memref<128x128xf32, #tpu.memory_space<vmem>>[vector<16xi32>, vector<16xi32>], vector<16xf32>,
      %add3A_660 = arith.constant 32 : i32
      %add3A_661 = vector.broadcast %add3A_660 : i32 to vector<16xi32>
      %add3A_662 = arith.addi %and3A_656, %add3A_661 : vector<16xi32>
      tpu.vector_store_idx %arg15[%add3A_353, %add3A_662], %gather3A_659 : memref<128x64xf32, #tpu.memory_space<vmem>>[vector<16xi32>, vector<16xi32>], vector<16xf32>,
      %add3A_663 = arith.constant 25 : i32
      %add3A_664 = vector.broadcast %add3A_663 : i32 to vector<16xi32>
      %add3A_665 = arith.addi %iota3A, %add3A_664 : vector<16xi32>
      %and3A_666 = arith.constant 31 : i32
      %and3A_667 = vector.broadcast %and3A_666 : i32 to vector<16xi32>
      %and3A_668 = arith.andi %add3A_665, %and3A_667 : vector<16xi32>
      %gather3A_669 = tpu.vector_load_idx %arg10[%gather3A, %and3A_668] : memref<8x32xf32, #tpu.memory_space<vmem>>[vector<16xi32>, vector<16xi32>], vector<16xf32>,
      tpu.vector_store_idx %arg15[%add3A_353, %and3A_668], %gather3A_669 : memref<128x64xf32, #tpu.memory_space<vmem>>[vector<16xi32>, vector<16xi32>], vector<16xf32>,
      %add3A_670 = arith.addi %mul3A_362, %and3A_668 : vector<16xi32>
      %gather3A_671 = tpu.vector_load_idx %arg11[%add3A_353, %add3A_670] : memref<128x128xf32, #tpu.memory_space<vmem>>[vector<16xi32>, vector<16xi32>], vector<16xf32>,
      %add3A_672 = arith.constant 32 : i32
      %add3A_673 = vector.broadcast %add3A_672 : i32 to vector<16xi32>
      %add3A_674 = arith.addi %and3A_668, %add3A_673 : vector<16xi32>
      tpu.vector_store_idx %arg15[%add3A_353, %add3A_674], %gather3A_671 : memref<128x64xf32, #tpu.memory_space<vmem>>[vector<16xi32>, vector<16xi32>], vector<16xf32>,
      %add3A_675 = arith.constant 26 : i32
      %add3A_676 = vector.broadcast %add3A_675 : i32 to vector<16xi32>
      %add3A_677 = arith.addi %iota3A, %add3A_676 : vector<16xi32>
      %and3A_678 = arith.constant 31 : i32
      %and3A_679 = vector.broadcast %and3A_678 : i32 to vector<16xi32>
      %and3A_680 = arith.andi %add3A_677, %and3A_679 : vector<16xi32>
      %gather3A_681 = tpu.vector_load_idx %arg10[%gather3A, %and3A_680] : memref<8x32xf32, #tpu.memory_space<vmem>>[vector<16xi32>, vector<16xi32>], vector<16xf32>,
      tpu.vector_store_idx %arg15[%add3A_353, %and3A_680], %gather3A_681 : memref<128x64xf32, #tpu.memory_space<vmem>>[vector<16xi32>, vector<16xi32>], vector<16xf32>,
      %add3A_682 = arith.addi %mul3A_362, %and3A_680 : vector<16xi32>
      %gather3A_683 = tpu.vector_load_idx %arg11[%add3A_353, %add3A_682] : memref<128x128xf32, #tpu.memory_space<vmem>>[vector<16xi32>, vector<16xi32>], vector<16xf32>,
      %add3A_684 = arith.constant 32 : i32
      %add3A_685 = vector.broadcast %add3A_684 : i32 to vector<16xi32>
      %add3A_686 = arith.addi %and3A_680, %add3A_685 : vector<16xi32>
      tpu.vector_store_idx %arg15[%add3A_353, %add3A_686], %gather3A_683 : memref<128x64xf32, #tpu.memory_space<vmem>>[vector<16xi32>, vector<16xi32>], vector<16xf32>,
      %add3A_687 = arith.constant 27 : i32
      %add3A_688 = vector.broadcast %add3A_687 : i32 to vector<16xi32>
      %add3A_689 = arith.addi %iota3A, %add3A_688 : vector<16xi32>
      %and3A_690 = arith.constant 31 : i32
      %and3A_691 = vector.broadcast %and3A_690 : i32 to vector<16xi32>
      %and3A_692 = arith.andi %add3A_689, %and3A_691 : vector<16xi32>
      %gather3A_693 = tpu.vector_load_idx %arg10[%gather3A, %and3A_692] : memref<8x32xf32, #tpu.memory_space<vmem>>[vector<16xi32>, vector<16xi32>], vector<16xf32>,
      tpu.vector_store_idx %arg15[%add3A_353, %and3A_692], %gather3A_693 : memref<128x64xf32, #tpu.memory_space<vmem>>[vector<16xi32>, vector<16xi32>], vector<16xf32>,
      %add3A_694 = arith.addi %mul3A_362, %and3A_692 : vector<16xi32>
      %gather3A_695 = tpu.vector_load_idx %arg11[%add3A_353, %add3A_694] : memref<128x128xf32, #tpu.memory_space<vmem>>[vector<16xi32>, vector<16xi32>], vector<16xf32>,
      %add3A_696 = arith.constant 32 : i32
      %add3A_697 = vector.broadcast %add3A_696 : i32 to vector<16xi32>
      %add3A_698 = arith.addi %and3A_692, %add3A_697 : vector<16xi32>
      tpu.vector_store_idx %arg15[%add3A_353, %add3A_698], %gather3A_695 : memref<128x64xf32, #tpu.memory_space<vmem>>[vector<16xi32>, vector<16xi32>], vector<16xf32>,
      %add3A_699 = arith.constant 28 : i32
      %add3A_700 = vector.broadcast %add3A_699 : i32 to vector<16xi32>
      %add3A_701 = arith.addi %iota3A, %add3A_700 : vector<16xi32>
      %and3A_702 = arith.constant 31 : i32
      %and3A_703 = vector.broadcast %and3A_702 : i32 to vector<16xi32>
      %and3A_704 = arith.andi %add3A_701, %and3A_703 : vector<16xi32>
      %gather3A_705 = tpu.vector_load_idx %arg10[%gather3A, %and3A_704] : memref<8x32xf32, #tpu.memory_space<vmem>>[vector<16xi32>, vector<16xi32>], vector<16xf32>,
      tpu.vector_store_idx %arg15[%add3A_353, %and3A_704], %gather3A_705 : memref<128x64xf32, #tpu.memory_space<vmem>>[vector<16xi32>, vector<16xi32>], vector<16xf32>,
      %add3A_706 = arith.addi %mul3A_362, %and3A_704 : vector<16xi32>
      %gather3A_707 = tpu.vector_load_idx %arg11[%add3A_353, %add3A_706] : memref<128x128xf32, #tpu.memory_space<vmem>>[vector<16xi32>, vector<16xi32>], vector<16xf32>,
      %add3A_708 = arith.constant 32 : i32
      %add3A_709 = vector.broadcast %add3A_708 : i32 to vector<16xi32>
      %add3A_710 = arith.addi %and3A_704, %add3A_709 : vector<16xi32>
      tpu.vector_store_idx %arg15[%add3A_353, %add3A_710], %gather3A_707 : memref<128x64xf32, #tpu.memory_space<vmem>>[vector<16xi32>, vector<16xi32>], vector<16xf32>,
      %add3A_711 = arith.constant 29 : i32
      %add3A_712 = vector.broadcast %add3A_711 : i32 to vector<16xi32>
      %add3A_713 = arith.addi %iota3A, %add3A_712 : vector<16xi32>
      %and3A_714 = arith.constant 31 : i32
      %and3A_715 = vector.broadcast %and3A_714 : i32 to vector<16xi32>
      %and3A_716 = arith.andi %add3A_713, %and3A_715 : vector<16xi32>
      %gather3A_717 = tpu.vector_load_idx %arg10[%gather3A, %and3A_716] : memref<8x32xf32, #tpu.memory_space<vmem>>[vector<16xi32>, vector<16xi32>], vector<16xf32>,
      tpu.vector_store_idx %arg15[%add3A_353, %and3A_716], %gather3A_717 : memref<128x64xf32, #tpu.memory_space<vmem>>[vector<16xi32>, vector<16xi32>], vector<16xf32>,
      %add3A_718 = arith.addi %mul3A_362, %and3A_716 : vector<16xi32>
      %gather3A_719 = tpu.vector_load_idx %arg11[%add3A_353, %add3A_718] : memref<128x128xf32, #tpu.memory_space<vmem>>[vector<16xi32>, vector<16xi32>], vector<16xf32>,
      %add3A_720 = arith.constant 32 : i32
      %add3A_721 = vector.broadcast %add3A_720 : i32 to vector<16xi32>
      %add3A_722 = arith.addi %and3A_716, %add3A_721 : vector<16xi32>
      tpu.vector_store_idx %arg15[%add3A_353, %add3A_722], %gather3A_719 : memref<128x64xf32, #tpu.memory_space<vmem>>[vector<16xi32>, vector<16xi32>], vector<16xf32>,
      %add3A_723 = arith.constant 30 : i32
      %add3A_724 = vector.broadcast %add3A_723 : i32 to vector<16xi32>
      %add3A_725 = arith.addi %iota3A, %add3A_724 : vector<16xi32>
      %and3A_726 = arith.constant 31 : i32
      %and3A_727 = vector.broadcast %and3A_726 : i32 to vector<16xi32>
      %and3A_728 = arith.andi %add3A_725, %and3A_727 : vector<16xi32>
      %gather3A_729 = tpu.vector_load_idx %arg10[%gather3A, %and3A_728] : memref<8x32xf32, #tpu.memory_space<vmem>>[vector<16xi32>, vector<16xi32>], vector<16xf32>,
      tpu.vector_store_idx %arg15[%add3A_353, %and3A_728], %gather3A_729 : memref<128x64xf32, #tpu.memory_space<vmem>>[vector<16xi32>, vector<16xi32>], vector<16xf32>,
      %add3A_730 = arith.addi %mul3A_362, %and3A_728 : vector<16xi32>
      %gather3A_731 = tpu.vector_load_idx %arg11[%add3A_353, %add3A_730] : memref<128x128xf32, #tpu.memory_space<vmem>>[vector<16xi32>, vector<16xi32>], vector<16xf32>,
      %add3A_732 = arith.constant 32 : i32
      %add3A_733 = vector.broadcast %add3A_732 : i32 to vector<16xi32>
      %add3A_734 = arith.addi %and3A_728, %add3A_733 : vector<16xi32>
      tpu.vector_store_idx %arg15[%add3A_353, %add3A_734], %gather3A_731 : memref<128x64xf32, #tpu.memory_space<vmem>>[vector<16xi32>, vector<16xi32>], vector<16xf32>,
      %add3A_735 = arith.constant 31 : i32
      %add3A_736 = vector.broadcast %add3A_735 : i32 to vector<16xi32>
      %add3A_737 = arith.addi %iota3A, %add3A_736 : vector<16xi32>
      %and3A_738 = arith.constant 31 : i32
      %and3A_739 = vector.broadcast %and3A_738 : i32 to vector<16xi32>
      %and3A_740 = arith.andi %add3A_737, %and3A_739 : vector<16xi32>
      %gather3A_741 = tpu.vector_load_idx %arg10[%gather3A, %and3A_740] : memref<8x32xf32, #tpu.memory_space<vmem>>[vector<16xi32>, vector<16xi32>], vector<16xf32>,
      tpu.vector_store_idx %arg15[%add3A_353, %and3A_740], %gather3A_741 : memref<128x64xf32, #tpu.memory_space<vmem>>[vector<16xi32>, vector<16xi32>], vector<16xf32>,
      %add3A_742 = arith.addi %mul3A_362, %and3A_740 : vector<16xi32>
      %gather3A_743 = tpu.vector_load_idx %arg11[%add3A_353, %add3A_742] : memref<128x128xf32, #tpu.memory_space<vmem>>[vector<16xi32>, vector<16xi32>], vector<16xf32>,
      %add3A_744 = arith.constant 32 : i32
      %add3A_745 = vector.broadcast %add3A_744 : i32 to vector<16xi32>
      %add3A_746 = arith.addi %and3A_740, %add3A_745 : vector<16xi32>
      tpu.vector_store_idx %arg15[%add3A_353, %add3A_746], %gather3A_743 : memref<128x64xf32, #tpu.memory_space<vmem>>[vector<16xi32>, vector<16xi32>], vector<16xf32>,
    }
    %scan3A_266 = arith.constant 8 : i32
    %add3A_267 = arith.constant 0 : i32
    %add3A_268 = arith.addi %mul3A_2, %add3A_267 : i32
    %dma_start3A_269 = arith.constant 0 : i32
    %dma_start3A_270 = tpu.memref_slice %arg6[%add3A_268, %dma_start3A_269] : memref<16384x64xf32, #tpu.memory_space<hbm>> -> memref<128x64xf32, #tpu.memory_space<hbm>>
    %dma_start3A_271 = arith.constant 0 : i32
    %dma_start3A_272 = tpu.memref_slice %arg6[%add3A_268, %dma_start3A_271] : memref<16384x64xf32, #tpu.memory_space<hbm>> -> memref<128x64xf32, #tpu.memory_space<hbm>>
    tpu.enqueue_dma source(%arg15 : memref<128x64xf32, #tpu.memory_space<vmem>>) target(%dma_start3A_272 : memref<128x64xf32, #tpu.memory_space<hbm>>) target_semaphore(%arg21 : memref<!tpu.dma_semaphore, #tpu.memory_space<semaphore_mem>>)
    %dma_wait3A_273 = arith.constant 0 : i32
    %dma_wait3A_274 = arith.constant 0 : i32
    %dma_wait3A_275 = tpu.memref_slice %arg12[%dma_wait3A_273, %dma_wait3A_274] : memref<128x128xf32, #tpu.memory_space<vmem>> -> memref<128x128xf32, #tpu.memory_space<vmem>>
    %dma_wait3A_276 = arith.constant 128 : i32
    %dma_wait3A_277 = tpu.memref_slice %arg9[%dma_wait3A_276] : memref<512xi32, #tpu.memory_space<vmem>> -> memref<128xi32, #tpu.memory_space<vmem>>
    %dma_wait3A_278 = arith.constant 0 : i32
    %dma_wait3A_279 = arith.constant 0 : i32
    %dma_wait3A_280 = tpu.memref_slice %arg5[%dma_wait3A_278, %dma_wait3A_279] : memref<25000x128xf32, #tpu.memory_space<hbm>> -> memref<25000x128xf32, #tpu.memory_space<hbm>>
    tpu.wait_indirect_dma semaphore(%arg18 : memref<!tpu.dma_semaphore, #tpu.memory_space<semaphore_mem>>) src(%dma_wait3A_280 : memref<25000x128xf32, #tpu.memory_space<hbm>>) dst(%dma_wait3A_275 : memref<128x128xf32, #tpu.memory_space<vmem>>)
    %scan3A_281 = arith.constant 0 : i32
    %scan3A_282 = arith.constant 0 : i32
    %scan3A_283 = arith.constant 8 : i32
    %scan3A_284 = arith.addi %scan3A_282, %scan3A_283 : i32
    %scan3A_285 = arith.constant 1 : i32
    scf.for %scan3A_349 = %scan3A_282 to %scan3A_284 step %scan3A_285  : i32 {
      %mul3A_350 = arith.constant 16 : i32
      %mul3A_351 = arith.muli %scan3A_349, %mul3A_350 : i32
      %add3A_352 = vector.broadcast %mul3A_351 : i32 to vector<16xi32>
      %add3A_353 = arith.addi %add3A_352, %iota3A : vector<16xi32>
      %add3A_354 = arith.constant 128 : i32
      %add3A_355 = vector.broadcast %add3A_354 : i32 to vector<16xi32>
      %add3A_356 = arith.addi %add3A_355, %add3A_353 : vector<16xi32>
      %gather3A = tpu.vector_load_idx %arg7[%add3A_356] : memref<512xi32, #tpu.memory_space<vmem>>[vector<16xi32>], vector<16xi32>,
      %gather3A_357 = tpu.vector_load_idx %arg8[%add3A_356] : memref<512xi32, #tpu.memory_space<vmem>>[vector<16xi32>], vector<16xi32>,
      %and3A = arith.constant 3 : i32
      %and3A_358 = vector.broadcast %and3A : i32 to vector<16xi32>
      %and3A_359 = arith.andi %gather3A_357, %and3A_358 : vector<16xi32>
      %mul3A_360 = arith.constant 32 : i32
      %mul3A_361 = vector.broadcast %mul3A_360 : i32 to vector<16xi32>
      %mul3A_362 = arith.muli %and3A_359, %mul3A_361 : vector<16xi32>
      %add3A_363 = arith.constant 0 : i32
      %add3A_364 = vector.broadcast %add3A_363 : i32 to vector<16xi32>
      %add3A_365 = arith.addi %iota3A, %add3A_364 : vector<16xi32>
      %and3A_366 = arith.constant 31 : i32
      %and3A_367 = vector.broadcast %and3A_366 : i32 to vector<16xi32>
      %and3A_368 = arith.andi %add3A_365, %and3A_367 : vector<16xi32>
      %gather3A_369 = tpu.vector_load_idx %arg10[%gather3A, %and3A_368] : memref<8x32xf32, #tpu.memory_space<vmem>>[vector<16xi32>, vector<16xi32>], vector<16xf32>,
      tpu.vector_store_idx %arg16[%add3A_353, %and3A_368], %gather3A_369 : memref<128x64xf32, #tpu.memory_space<vmem>>[vector<16xi32>, vector<16xi32>], vector<16xf32>,
      %add3A_370 = arith.addi %mul3A_362, %and3A_368 : vector<16xi32>
      %gather3A_371 = tpu.vector_load_idx %arg12[%add3A_353, %add3A_370] : memref<128x128xf32, #tpu.memory_space<vmem>>[vector<16xi32>, vector<16xi32>], vector<16xf32>,
      %add3A_372 = arith.constant 32 : i32
      %add3A_373 = vector.broadcast %add3A_372 : i32 to vector<16xi32>
      %add3A_374 = arith.addi %and3A_368, %add3A_373 : vector<16xi32>
      tpu.vector_store_idx %arg16[%add3A_353, %add3A_374], %gather3A_371 : memref<128x64xf32, #tpu.memory_space<vmem>>[vector<16xi32>, vector<16xi32>], vector<16xf32>,
      %add3A_375 = arith.constant 1 : i32
      %add3A_376 = vector.broadcast %add3A_375 : i32 to vector<16xi32>
      %add3A_377 = arith.addi %iota3A, %add3A_376 : vector<16xi32>
      %and3A_378 = arith.constant 31 : i32
      %and3A_379 = vector.broadcast %and3A_378 : i32 to vector<16xi32>
      %and3A_380 = arith.andi %add3A_377, %and3A_379 : vector<16xi32>
      %gather3A_381 = tpu.vector_load_idx %arg10[%gather3A, %and3A_380] : memref<8x32xf32, #tpu.memory_space<vmem>>[vector<16xi32>, vector<16xi32>], vector<16xf32>,
      tpu.vector_store_idx %arg16[%add3A_353, %and3A_380], %gather3A_381 : memref<128x64xf32, #tpu.memory_space<vmem>>[vector<16xi32>, vector<16xi32>], vector<16xf32>,
      %add3A_382 = arith.addi %mul3A_362, %and3A_380 : vector<16xi32>
      %gather3A_383 = tpu.vector_load_idx %arg12[%add3A_353, %add3A_382] : memref<128x128xf32, #tpu.memory_space<vmem>>[vector<16xi32>, vector<16xi32>], vector<16xf32>,
      %add3A_384 = arith.constant 32 : i32
      %add3A_385 = vector.broadcast %add3A_384 : i32 to vector<16xi32>
      %add3A_386 = arith.addi %and3A_380, %add3A_385 : vector<16xi32>
      tpu.vector_store_idx %arg16[%add3A_353, %add3A_386], %gather3A_383 : memref<128x64xf32, #tpu.memory_space<vmem>>[vector<16xi32>, vector<16xi32>], vector<16xf32>,
      %add3A_387 = arith.constant 2 : i32
      %add3A_388 = vector.broadcast %add3A_387 : i32 to vector<16xi32>
      %add3A_389 = arith.addi %iota3A, %add3A_388 : vector<16xi32>
      %and3A_390 = arith.constant 31 : i32
      %and3A_391 = vector.broadcast %and3A_390 : i32 to vector<16xi32>
      %and3A_392 = arith.andi %add3A_389, %and3A_391 : vector<16xi32>
      %gather3A_393 = tpu.vector_load_idx %arg10[%gather3A, %and3A_392] : memref<8x32xf32, #tpu.memory_space<vmem>>[vector<16xi32>, vector<16xi32>], vector<16xf32>,
      tpu.vector_store_idx %arg16[%add3A_353, %and3A_392], %gather3A_393 : memref<128x64xf32, #tpu.memory_space<vmem>>[vector<16xi32>, vector<16xi32>], vector<16xf32>,
      %add3A_394 = arith.addi %mul3A_362, %and3A_392 : vector<16xi32>
      %gather3A_395 = tpu.vector_load_idx %arg12[%add3A_353, %add3A_394] : memref<128x128xf32, #tpu.memory_space<vmem>>[vector<16xi32>, vector<16xi32>], vector<16xf32>,
      %add3A_396 = arith.constant 32 : i32
      %add3A_397 = vector.broadcast %add3A_396 : i32 to vector<16xi32>
      %add3A_398 = arith.addi %and3A_392, %add3A_397 : vector<16xi32>
      tpu.vector_store_idx %arg16[%add3A_353, %add3A_398], %gather3A_395 : memref<128x64xf32, #tpu.memory_space<vmem>>[vector<16xi32>, vector<16xi32>], vector<16xf32>,
      %add3A_399 = arith.constant 3 : i32
      %add3A_400 = vector.broadcast %add3A_399 : i32 to vector<16xi32>
      %add3A_401 = arith.addi %iota3A, %add3A_400 : vector<16xi32>
      %and3A_402 = arith.constant 31 : i32
      %and3A_403 = vector.broadcast %and3A_402 : i32 to vector<16xi32>
      %and3A_404 = arith.andi %add3A_401, %and3A_403 : vector<16xi32>
      %gather3A_405 = tpu.vector_load_idx %arg10[%gather3A, %and3A_404] : memref<8x32xf32, #tpu.memory_space<vmem>>[vector<16xi32>, vector<16xi32>], vector<16xf32>,
      tpu.vector_store_idx %arg16[%add3A_353, %and3A_404], %gather3A_405 : memref<128x64xf32, #tpu.memory_space<vmem>>[vector<16xi32>, vector<16xi32>], vector<16xf32>,
      %add3A_406 = arith.addi %mul3A_362, %and3A_404 : vector<16xi32>
      %gather3A_407 = tpu.vector_load_idx %arg12[%add3A_353, %add3A_406] : memref<128x128xf32, #tpu.memory_space<vmem>>[vector<16xi32>, vector<16xi32>], vector<16xf32>,
      %add3A_408 = arith.constant 32 : i32
      %add3A_409 = vector.broadcast %add3A_408 : i32 to vector<16xi32>
      %add3A_410 = arith.addi %and3A_404, %add3A_409 : vector<16xi32>
      tpu.vector_store_idx %arg16[%add3A_353, %add3A_410], %gather3A_407 : memref<128x64xf32, #tpu.memory_space<vmem>>[vector<16xi32>, vector<16xi32>], vector<16xf32>,
      %add3A_411 = arith.constant 4 : i32
      %add3A_412 = vector.broadcast %add3A_411 : i32 to vector<16xi32>
      %add3A_413 = arith.addi %iota3A, %add3A_412 : vector<16xi32>
      %and3A_414 = arith.constant 31 : i32
      %and3A_415 = vector.broadcast %and3A_414 : i32 to vector<16xi32>
      %and3A_416 = arith.andi %add3A_413, %and3A_415 : vector<16xi32>
      %gather3A_417 = tpu.vector_load_idx %arg10[%gather3A, %and3A_416] : memref<8x32xf32, #tpu.memory_space<vmem>>[vector<16xi32>, vector<16xi32>], vector<16xf32>,
      tpu.vector_store_idx %arg16[%add3A_353, %and3A_416], %gather3A_417 : memref<128x64xf32, #tpu.memory_space<vmem>>[vector<16xi32>, vector<16xi32>], vector<16xf32>,
      %add3A_418 = arith.addi %mul3A_362, %and3A_416 : vector<16xi32>
      %gather3A_419 = tpu.vector_load_idx %arg12[%add3A_353, %add3A_418] : memref<128x128xf32, #tpu.memory_space<vmem>>[vector<16xi32>, vector<16xi32>], vector<16xf32>,
      %add3A_420 = arith.constant 32 : i32
      %add3A_421 = vector.broadcast %add3A_420 : i32 to vector<16xi32>
      %add3A_422 = arith.addi %and3A_416, %add3A_421 : vector<16xi32>
      tpu.vector_store_idx %arg16[%add3A_353, %add3A_422], %gather3A_419 : memref<128x64xf32, #tpu.memory_space<vmem>>[vector<16xi32>, vector<16xi32>], vector<16xf32>,
      %add3A_423 = arith.constant 5 : i32
      %add3A_424 = vector.broadcast %add3A_423 : i32 to vector<16xi32>
      %add3A_425 = arith.addi %iota3A, %add3A_424 : vector<16xi32>
      %and3A_426 = arith.constant 31 : i32
      %and3A_427 = vector.broadcast %and3A_426 : i32 to vector<16xi32>
      %and3A_428 = arith.andi %add3A_425, %and3A_427 : vector<16xi32>
      %gather3A_429 = tpu.vector_load_idx %arg10[%gather3A, %and3A_428] : memref<8x32xf32, #tpu.memory_space<vmem>>[vector<16xi32>, vector<16xi32>], vector<16xf32>,
      tpu.vector_store_idx %arg16[%add3A_353, %and3A_428], %gather3A_429 : memref<128x64xf32, #tpu.memory_space<vmem>>[vector<16xi32>, vector<16xi32>], vector<16xf32>,
      %add3A_430 = arith.addi %mul3A_362, %and3A_428 : vector<16xi32>
      %gather3A_431 = tpu.vector_load_idx %arg12[%add3A_353, %add3A_430] : memref<128x128xf32, #tpu.memory_space<vmem>>[vector<16xi32>, vector<16xi32>], vector<16xf32>,
      %add3A_432 = arith.constant 32 : i32
      %add3A_433 = vector.broadcast %add3A_432 : i32 to vector<16xi32>
      %add3A_434 = arith.addi %and3A_428, %add3A_433 : vector<16xi32>
      tpu.vector_store_idx %arg16[%add3A_353, %add3A_434], %gather3A_431 : memref<128x64xf32, #tpu.memory_space<vmem>>[vector<16xi32>, vector<16xi32>], vector<16xf32>,
      %add3A_435 = arith.constant 6 : i32
      %add3A_436 = vector.broadcast %add3A_435 : i32 to vector<16xi32>
      %add3A_437 = arith.addi %iota3A, %add3A_436 : vector<16xi32>
      %and3A_438 = arith.constant 31 : i32
      %and3A_439 = vector.broadcast %and3A_438 : i32 to vector<16xi32>
      %and3A_440 = arith.andi %add3A_437, %and3A_439 : vector<16xi32>
      %gather3A_441 = tpu.vector_load_idx %arg10[%gather3A, %and3A_440] : memref<8x32xf32, #tpu.memory_space<vmem>>[vector<16xi32>, vector<16xi32>], vector<16xf32>,
      tpu.vector_store_idx %arg16[%add3A_353, %and3A_440], %gather3A_441 : memref<128x64xf32, #tpu.memory_space<vmem>>[vector<16xi32>, vector<16xi32>], vector<16xf32>,
      %add3A_442 = arith.addi %mul3A_362, %and3A_440 : vector<16xi32>
      %gather3A_443 = tpu.vector_load_idx %arg12[%add3A_353, %add3A_442] : memref<128x128xf32, #tpu.memory_space<vmem>>[vector<16xi32>, vector<16xi32>], vector<16xf32>,
      %add3A_444 = arith.constant 32 : i32
      %add3A_445 = vector.broadcast %add3A_444 : i32 to vector<16xi32>
      %add3A_446 = arith.addi %and3A_440, %add3A_445 : vector<16xi32>
      tpu.vector_store_idx %arg16[%add3A_353, %add3A_446], %gather3A_443 : memref<128x64xf32, #tpu.memory_space<vmem>>[vector<16xi32>, vector<16xi32>], vector<16xf32>,
      %add3A_447 = arith.constant 7 : i32
      %add3A_448 = vector.broadcast %add3A_447 : i32 to vector<16xi32>
      %add3A_449 = arith.addi %iota3A, %add3A_448 : vector<16xi32>
      %and3A_450 = arith.constant 31 : i32
      %and3A_451 = vector.broadcast %and3A_450 : i32 to vector<16xi32>
      %and3A_452 = arith.andi %add3A_449, %and3A_451 : vector<16xi32>
      %gather3A_453 = tpu.vector_load_idx %arg10[%gather3A, %and3A_452] : memref<8x32xf32, #tpu.memory_space<vmem>>[vector<16xi32>, vector<16xi32>], vector<16xf32>,
      tpu.vector_store_idx %arg16[%add3A_353, %and3A_452], %gather3A_453 : memref<128x64xf32, #tpu.memory_space<vmem>>[vector<16xi32>, vector<16xi32>], vector<16xf32>,
      %add3A_454 = arith.addi %mul3A_362, %and3A_452 : vector<16xi32>
      %gather3A_455 = tpu.vector_load_idx %arg12[%add3A_353, %add3A_454] : memref<128x128xf32, #tpu.memory_space<vmem>>[vector<16xi32>, vector<16xi32>], vector<16xf32>,
      %add3A_456 = arith.constant 32 : i32
      %add3A_457 = vector.broadcast %add3A_456 : i32 to vector<16xi32>
      %add3A_458 = arith.addi %and3A_452, %add3A_457 : vector<16xi32>
      tpu.vector_store_idx %arg16[%add3A_353, %add3A_458], %gather3A_455 : memref<128x64xf32, #tpu.memory_space<vmem>>[vector<16xi32>, vector<16xi32>], vector<16xf32>,
      %add3A_459 = arith.constant 8 : i32
      %add3A_460 = vector.broadcast %add3A_459 : i32 to vector<16xi32>
      %add3A_461 = arith.addi %iota3A, %add3A_460 : vector<16xi32>
      %and3A_462 = arith.constant 31 : i32
      %and3A_463 = vector.broadcast %and3A_462 : i32 to vector<16xi32>
      %and3A_464 = arith.andi %add3A_461, %and3A_463 : vector<16xi32>
      %gather3A_465 = tpu.vector_load_idx %arg10[%gather3A, %and3A_464] : memref<8x32xf32, #tpu.memory_space<vmem>>[vector<16xi32>, vector<16xi32>], vector<16xf32>,
      tpu.vector_store_idx %arg16[%add3A_353, %and3A_464], %gather3A_465 : memref<128x64xf32, #tpu.memory_space<vmem>>[vector<16xi32>, vector<16xi32>], vector<16xf32>,
      %add3A_466 = arith.addi %mul3A_362, %and3A_464 : vector<16xi32>
      %gather3A_467 = tpu.vector_load_idx %arg12[%add3A_353, %add3A_466] : memref<128x128xf32, #tpu.memory_space<vmem>>[vector<16xi32>, vector<16xi32>], vector<16xf32>,
      %add3A_468 = arith.constant 32 : i32
      %add3A_469 = vector.broadcast %add3A_468 : i32 to vector<16xi32>
      %add3A_470 = arith.addi %and3A_464, %add3A_469 : vector<16xi32>
      tpu.vector_store_idx %arg16[%add3A_353, %add3A_470], %gather3A_467 : memref<128x64xf32, #tpu.memory_space<vmem>>[vector<16xi32>, vector<16xi32>], vector<16xf32>,
      %add3A_471 = arith.constant 9 : i32
      %add3A_472 = vector.broadcast %add3A_471 : i32 to vector<16xi32>
      %add3A_473 = arith.addi %iota3A, %add3A_472 : vector<16xi32>
      %and3A_474 = arith.constant 31 : i32
      %and3A_475 = vector.broadcast %and3A_474 : i32 to vector<16xi32>
      %and3A_476 = arith.andi %add3A_473, %and3A_475 : vector<16xi32>
      %gather3A_477 = tpu.vector_load_idx %arg10[%gather3A, %and3A_476] : memref<8x32xf32, #tpu.memory_space<vmem>>[vector<16xi32>, vector<16xi32>], vector<16xf32>,
      tpu.vector_store_idx %arg16[%add3A_353, %and3A_476], %gather3A_477 : memref<128x64xf32, #tpu.memory_space<vmem>>[vector<16xi32>, vector<16xi32>], vector<16xf32>,
      %add3A_478 = arith.addi %mul3A_362, %and3A_476 : vector<16xi32>
      %gather3A_479 = tpu.vector_load_idx %arg12[%add3A_353, %add3A_478] : memref<128x128xf32, #tpu.memory_space<vmem>>[vector<16xi32>, vector<16xi32>], vector<16xf32>,
      %add3A_480 = arith.constant 32 : i32
      %add3A_481 = vector.broadcast %add3A_480 : i32 to vector<16xi32>
      %add3A_482 = arith.addi %and3A_476, %add3A_481 : vector<16xi32>
      tpu.vector_store_idx %arg16[%add3A_353, %add3A_482], %gather3A_479 : memref<128x64xf32, #tpu.memory_space<vmem>>[vector<16xi32>, vector<16xi32>], vector<16xf32>,
      %add3A_483 = arith.constant 10 : i32
      %add3A_484 = vector.broadcast %add3A_483 : i32 to vector<16xi32>
      %add3A_485 = arith.addi %iota3A, %add3A_484 : vector<16xi32>
      %and3A_486 = arith.constant 31 : i32
      %and3A_487 = vector.broadcast %and3A_486 : i32 to vector<16xi32>
      %and3A_488 = arith.andi %add3A_485, %and3A_487 : vector<16xi32>
      %gather3A_489 = tpu.vector_load_idx %arg10[%gather3A, %and3A_488] : memref<8x32xf32, #tpu.memory_space<vmem>>[vector<16xi32>, vector<16xi32>], vector<16xf32>,
      tpu.vector_store_idx %arg16[%add3A_353, %and3A_488], %gather3A_489 : memref<128x64xf32, #tpu.memory_space<vmem>>[vector<16xi32>, vector<16xi32>], vector<16xf32>,
      %add3A_490 = arith.addi %mul3A_362, %and3A_488 : vector<16xi32>
      %gather3A_491 = tpu.vector_load_idx %arg12[%add3A_353, %add3A_490] : memref<128x128xf32, #tpu.memory_space<vmem>>[vector<16xi32>, vector<16xi32>], vector<16xf32>,
      %add3A_492 = arith.constant 32 : i32
      %add3A_493 = vector.broadcast %add3A_492 : i32 to vector<16xi32>
      %add3A_494 = arith.addi %and3A_488, %add3A_493 : vector<16xi32>
      tpu.vector_store_idx %arg16[%add3A_353, %add3A_494], %gather3A_491 : memref<128x64xf32, #tpu.memory_space<vmem>>[vector<16xi32>, vector<16xi32>], vector<16xf32>,
      %add3A_495 = arith.constant 11 : i32
      %add3A_496 = vector.broadcast %add3A_495 : i32 to vector<16xi32>
      %add3A_497 = arith.addi %iota3A, %add3A_496 : vector<16xi32>
      %and3A_498 = arith.constant 31 : i32
      %and3A_499 = vector.broadcast %and3A_498 : i32 to vector<16xi32>
      %and3A_500 = arith.andi %add3A_497, %and3A_499 : vector<16xi32>
      %gather3A_501 = tpu.vector_load_idx %arg10[%gather3A, %and3A_500] : memref<8x32xf32, #tpu.memory_space<vmem>>[vector<16xi32>, vector<16xi32>], vector<16xf32>,
      tpu.vector_store_idx %arg16[%add3A_353, %and3A_500], %gather3A_501 : memref<128x64xf32, #tpu.memory_space<vmem>>[vector<16xi32>, vector<16xi32>], vector<16xf32>,
      %add3A_502 = arith.addi %mul3A_362, %and3A_500 : vector<16xi32>
      %gather3A_503 = tpu.vector_load_idx %arg12[%add3A_353, %add3A_502] : memref<128x128xf32, #tpu.memory_space<vmem>>[vector<16xi32>, vector<16xi32>], vector<16xf32>,
      %add3A_504 = arith.constant 32 : i32
      %add3A_505 = vector.broadcast %add3A_504 : i32 to vector<16xi32>
      %add3A_506 = arith.addi %and3A_500, %add3A_505 : vector<16xi32>
      tpu.vector_store_idx %arg16[%add3A_353, %add3A_506], %gather3A_503 : memref<128x64xf32, #tpu.memory_space<vmem>>[vector<16xi32>, vector<16xi32>], vector<16xf32>,
      %add3A_507 = arith.constant 12 : i32
      %add3A_508 = vector.broadcast %add3A_507 : i32 to vector<16xi32>
      %add3A_509 = arith.addi %iota3A, %add3A_508 : vector<16xi32>
      %and3A_510 = arith.constant 31 : i32
      %and3A_511 = vector.broadcast %and3A_510 : i32 to vector<16xi32>
      %and3A_512 = arith.andi %add3A_509, %and3A_511 : vector<16xi32>
      %gather3A_513 = tpu.vector_load_idx %arg10[%gather3A, %and3A_512] : memref<8x32xf32, #tpu.memory_space<vmem>>[vector<16xi32>, vector<16xi32>], vector<16xf32>,
      tpu.vector_store_idx %arg16[%add3A_353, %and3A_512], %gather3A_513 : memref<128x64xf32, #tpu.memory_space<vmem>>[vector<16xi32>, vector<16xi32>], vector<16xf32>,
      %add3A_514 = arith.addi %mul3A_362, %and3A_512 : vector<16xi32>
      %gather3A_515 = tpu.vector_load_idx %arg12[%add3A_353, %add3A_514] : memref<128x128xf32, #tpu.memory_space<vmem>>[vector<16xi32>, vector<16xi32>], vector<16xf32>,
      %add3A_516 = arith.constant 32 : i32
      %add3A_517 = vector.broadcast %add3A_516 : i32 to vector<16xi32>
      %add3A_518 = arith.addi %and3A_512, %add3A_517 : vector<16xi32>
      tpu.vector_store_idx %arg16[%add3A_353, %add3A_518], %gather3A_515 : memref<128x64xf32, #tpu.memory_space<vmem>>[vector<16xi32>, vector<16xi32>], vector<16xf32>,
      %add3A_519 = arith.constant 13 : i32
      %add3A_520 = vector.broadcast %add3A_519 : i32 to vector<16xi32>
      %add3A_521 = arith.addi %iota3A, %add3A_520 : vector<16xi32>
      %and3A_522 = arith.constant 31 : i32
      %and3A_523 = vector.broadcast %and3A_522 : i32 to vector<16xi32>
      %and3A_524 = arith.andi %add3A_521, %and3A_523 : vector<16xi32>
      %gather3A_525 = tpu.vector_load_idx %arg10[%gather3A, %and3A_524] : memref<8x32xf32, #tpu.memory_space<vmem>>[vector<16xi32>, vector<16xi32>], vector<16xf32>,
      tpu.vector_store_idx %arg16[%add3A_353, %and3A_524], %gather3A_525 : memref<128x64xf32, #tpu.memory_space<vmem>>[vector<16xi32>, vector<16xi32>], vector<16xf32>,
      %add3A_526 = arith.addi %mul3A_362, %and3A_524 : vector<16xi32>
      %gather3A_527 = tpu.vector_load_idx %arg12[%add3A_353, %add3A_526] : memref<128x128xf32, #tpu.memory_space<vmem>>[vector<16xi32>, vector<16xi32>], vector<16xf32>,
      %add3A_528 = arith.constant 32 : i32
      %add3A_529 = vector.broadcast %add3A_528 : i32 to vector<16xi32>
      %add3A_530 = arith.addi %and3A_524, %add3A_529 : vector<16xi32>
      tpu.vector_store_idx %arg16[%add3A_353, %add3A_530], %gather3A_527 : memref<128x64xf32, #tpu.memory_space<vmem>>[vector<16xi32>, vector<16xi32>], vector<16xf32>,
      %add3A_531 = arith.constant 14 : i32
      %add3A_532 = vector.broadcast %add3A_531 : i32 to vector<16xi32>
      %add3A_533 = arith.addi %iota3A, %add3A_532 : vector<16xi32>
      %and3A_534 = arith.constant 31 : i32
      %and3A_535 = vector.broadcast %and3A_534 : i32 to vector<16xi32>
      %and3A_536 = arith.andi %add3A_533, %and3A_535 : vector<16xi32>
      %gather3A_537 = tpu.vector_load_idx %arg10[%gather3A, %and3A_536] : memref<8x32xf32, #tpu.memory_space<vmem>>[vector<16xi32>, vector<16xi32>], vector<16xf32>,
      tpu.vector_store_idx %arg16[%add3A_353, %and3A_536], %gather3A_537 : memref<128x64xf32, #tpu.memory_space<vmem>>[vector<16xi32>, vector<16xi32>], vector<16xf32>,
      %add3A_538 = arith.addi %mul3A_362, %and3A_536 : vector<16xi32>
      %gather3A_539 = tpu.vector_load_idx %arg12[%add3A_353, %add3A_538] : memref<128x128xf32, #tpu.memory_space<vmem>>[vector<16xi32>, vector<16xi32>], vector<16xf32>,
      %add3A_540 = arith.constant 32 : i32
      %add3A_541 = vector.broadcast %add3A_540 : i32 to vector<16xi32>
      %add3A_542 = arith.addi %and3A_536, %add3A_541 : vector<16xi32>
      tpu.vector_store_idx %arg16[%add3A_353, %add3A_542], %gather3A_539 : memref<128x64xf32, #tpu.memory_space<vmem>>[vector<16xi32>, vector<16xi32>], vector<16xf32>,
      %add3A_543 = arith.constant 15 : i32
      %add3A_544 = vector.broadcast %add3A_543 : i32 to vector<16xi32>
      %add3A_545 = arith.addi %iota3A, %add3A_544 : vector<16xi32>
      %and3A_546 = arith.constant 31 : i32
      %and3A_547 = vector.broadcast %and3A_546 : i32 to vector<16xi32>
      %and3A_548 = arith.andi %add3A_545, %and3A_547 : vector<16xi32>
      %gather3A_549 = tpu.vector_load_idx %arg10[%gather3A, %and3A_548] : memref<8x32xf32, #tpu.memory_space<vmem>>[vector<16xi32>, vector<16xi32>], vector<16xf32>,
      tpu.vector_store_idx %arg16[%add3A_353, %and3A_548], %gather3A_549 : memref<128x64xf32, #tpu.memory_space<vmem>>[vector<16xi32>, vector<16xi32>], vector<16xf32>,
      %add3A_550 = arith.addi %mul3A_362, %and3A_548 : vector<16xi32>
      %gather3A_551 = tpu.vector_load_idx %arg12[%add3A_353, %add3A_550] : memref<128x128xf32, #tpu.memory_space<vmem>>[vector<16xi32>, vector<16xi32>], vector<16xf32>,
      %add3A_552 = arith.constant 32 : i32
      %add3A_553 = vector.broadcast %add3A_552 : i32 to vector<16xi32>
      %add3A_554 = arith.addi %and3A_548, %add3A_553 : vector<16xi32>
      tpu.vector_store_idx %arg16[%add3A_353, %add3A_554], %gather3A_551 : memref<128x64xf32, #tpu.memory_space<vmem>>[vector<16xi32>, vector<16xi32>], vector<16xf32>,
      %add3A_555 = arith.constant 16 : i32
      %add3A_556 = vector.broadcast %add3A_555 : i32 to vector<16xi32>
      %add3A_557 = arith.addi %iota3A, %add3A_556 : vector<16xi32>
      %and3A_558 = arith.constant 31 : i32
      %and3A_559 = vector.broadcast %and3A_558 : i32 to vector<16xi32>
      %and3A_560 = arith.andi %add3A_557, %and3A_559 : vector<16xi32>
      %gather3A_561 = tpu.vector_load_idx %arg10[%gather3A, %and3A_560] : memref<8x32xf32, #tpu.memory_space<vmem>>[vector<16xi32>, vector<16xi32>], vector<16xf32>,
      tpu.vector_store_idx %arg16[%add3A_353, %and3A_560], %gather3A_561 : memref<128x64xf32, #tpu.memory_space<vmem>>[vector<16xi32>, vector<16xi32>], vector<16xf32>,
      %add3A_562 = arith.addi %mul3A_362, %and3A_560 : vector<16xi32>
      %gather3A_563 = tpu.vector_load_idx %arg12[%add3A_353, %add3A_562] : memref<128x128xf32, #tpu.memory_space<vmem>>[vector<16xi32>, vector<16xi32>], vector<16xf32>,
      %add3A_564 = arith.constant 32 : i32
      %add3A_565 = vector.broadcast %add3A_564 : i32 to vector<16xi32>
      %add3A_566 = arith.addi %and3A_560, %add3A_565 : vector<16xi32>
      tpu.vector_store_idx %arg16[%add3A_353, %add3A_566], %gather3A_563 : memref<128x64xf32, #tpu.memory_space<vmem>>[vector<16xi32>, vector<16xi32>], vector<16xf32>,
      %add3A_567 = arith.constant 17 : i32
      %add3A_568 = vector.broadcast %add3A_567 : i32 to vector<16xi32>
      %add3A_569 = arith.addi %iota3A, %add3A_568 : vector<16xi32>
      %and3A_570 = arith.constant 31 : i32
      %and3A_571 = vector.broadcast %and3A_570 : i32 to vector<16xi32>
      %and3A_572 = arith.andi %add3A_569, %and3A_571 : vector<16xi32>
      %gather3A_573 = tpu.vector_load_idx %arg10[%gather3A, %and3A_572] : memref<8x32xf32, #tpu.memory_space<vmem>>[vector<16xi32>, vector<16xi32>], vector<16xf32>,
      tpu.vector_store_idx %arg16[%add3A_353, %and3A_572], %gather3A_573 : memref<128x64xf32, #tpu.memory_space<vmem>>[vector<16xi32>, vector<16xi32>], vector<16xf32>,
      %add3A_574 = arith.addi %mul3A_362, %and3A_572 : vector<16xi32>
      %gather3A_575 = tpu.vector_load_idx %arg12[%add3A_353, %add3A_574] : memref<128x128xf32, #tpu.memory_space<vmem>>[vector<16xi32>, vector<16xi32>], vector<16xf32>,
      %add3A_576 = arith.constant 32 : i32
      %add3A_577 = vector.broadcast %add3A_576 : i32 to vector<16xi32>
      %add3A_578 = arith.addi %and3A_572, %add3A_577 : vector<16xi32>
      tpu.vector_store_idx %arg16[%add3A_353, %add3A_578], %gather3A_575 : memref<128x64xf32, #tpu.memory_space<vmem>>[vector<16xi32>, vector<16xi32>], vector<16xf32>,
      %add3A_579 = arith.constant 18 : i32
      %add3A_580 = vector.broadcast %add3A_579 : i32 to vector<16xi32>
      %add3A_581 = arith.addi %iota3A, %add3A_580 : vector<16xi32>
      %and3A_582 = arith.constant 31 : i32
      %and3A_583 = vector.broadcast %and3A_582 : i32 to vector<16xi32>
      %and3A_584 = arith.andi %add3A_581, %and3A_583 : vector<16xi32>
      %gather3A_585 = tpu.vector_load_idx %arg10[%gather3A, %and3A_584] : memref<8x32xf32, #tpu.memory_space<vmem>>[vector<16xi32>, vector<16xi32>], vector<16xf32>,
      tpu.vector_store_idx %arg16[%add3A_353, %and3A_584], %gather3A_585 : memref<128x64xf32, #tpu.memory_space<vmem>>[vector<16xi32>, vector<16xi32>], vector<16xf32>,
      %add3A_586 = arith.addi %mul3A_362, %and3A_584 : vector<16xi32>
      %gather3A_587 = tpu.vector_load_idx %arg12[%add3A_353, %add3A_586] : memref<128x128xf32, #tpu.memory_space<vmem>>[vector<16xi32>, vector<16xi32>], vector<16xf32>,
      %add3A_588 = arith.constant 32 : i32
      %add3A_589 = vector.broadcast %add3A_588 : i32 to vector<16xi32>
      %add3A_590 = arith.addi %and3A_584, %add3A_589 : vector<16xi32>
      tpu.vector_store_idx %arg16[%add3A_353, %add3A_590], %gather3A_587 : memref<128x64xf32, #tpu.memory_space<vmem>>[vector<16xi32>, vector<16xi32>], vector<16xf32>,
      %add3A_591 = arith.constant 19 : i32
      %add3A_592 = vector.broadcast %add3A_591 : i32 to vector<16xi32>
      %add3A_593 = arith.addi %iota3A, %add3A_592 : vector<16xi32>
      %and3A_594 = arith.constant 31 : i32
      %and3A_595 = vector.broadcast %and3A_594 : i32 to vector<16xi32>
      %and3A_596 = arith.andi %add3A_593, %and3A_595 : vector<16xi32>
      %gather3A_597 = tpu.vector_load_idx %arg10[%gather3A, %and3A_596] : memref<8x32xf32, #tpu.memory_space<vmem>>[vector<16xi32>, vector<16xi32>], vector<16xf32>,
      tpu.vector_store_idx %arg16[%add3A_353, %and3A_596], %gather3A_597 : memref<128x64xf32, #tpu.memory_space<vmem>>[vector<16xi32>, vector<16xi32>], vector<16xf32>,
      %add3A_598 = arith.addi %mul3A_362, %and3A_596 : vector<16xi32>
      %gather3A_599 = tpu.vector_load_idx %arg12[%add3A_353, %add3A_598] : memref<128x128xf32, #tpu.memory_space<vmem>>[vector<16xi32>, vector<16xi32>], vector<16xf32>,
      %add3A_600 = arith.constant 32 : i32
      %add3A_601 = vector.broadcast %add3A_600 : i32 to vector<16xi32>
      %add3A_602 = arith.addi %and3A_596, %add3A_601 : vector<16xi32>
      tpu.vector_store_idx %arg16[%add3A_353, %add3A_602], %gather3A_599 : memref<128x64xf32, #tpu.memory_space<vmem>>[vector<16xi32>, vector<16xi32>], vector<16xf32>,
      %add3A_603 = arith.constant 20 : i32
      %add3A_604 = vector.broadcast %add3A_603 : i32 to vector<16xi32>
      %add3A_605 = arith.addi %iota3A, %add3A_604 : vector<16xi32>
      %and3A_606 = arith.constant 31 : i32
      %and3A_607 = vector.broadcast %and3A_606 : i32 to vector<16xi32>
      %and3A_608 = arith.andi %add3A_605, %and3A_607 : vector<16xi32>
      %gather3A_609 = tpu.vector_load_idx %arg10[%gather3A, %and3A_608] : memref<8x32xf32, #tpu.memory_space<vmem>>[vector<16xi32>, vector<16xi32>], vector<16xf32>,
      tpu.vector_store_idx %arg16[%add3A_353, %and3A_608], %gather3A_609 : memref<128x64xf32, #tpu.memory_space<vmem>>[vector<16xi32>, vector<16xi32>], vector<16xf32>,
      %add3A_610 = arith.addi %mul3A_362, %and3A_608 : vector<16xi32>
      %gather3A_611 = tpu.vector_load_idx %arg12[%add3A_353, %add3A_610] : memref<128x128xf32, #tpu.memory_space<vmem>>[vector<16xi32>, vector<16xi32>], vector<16xf32>,
      %add3A_612 = arith.constant 32 : i32
      %add3A_613 = vector.broadcast %add3A_612 : i32 to vector<16xi32>
      %add3A_614 = arith.addi %and3A_608, %add3A_613 : vector<16xi32>
      tpu.vector_store_idx %arg16[%add3A_353, %add3A_614], %gather3A_611 : memref<128x64xf32, #tpu.memory_space<vmem>>[vector<16xi32>, vector<16xi32>], vector<16xf32>,
      %add3A_615 = arith.constant 21 : i32
      %add3A_616 = vector.broadcast %add3A_615 : i32 to vector<16xi32>
      %add3A_617 = arith.addi %iota3A, %add3A_616 : vector<16xi32>
      %and3A_618 = arith.constant 31 : i32
      %and3A_619 = vector.broadcast %and3A_618 : i32 to vector<16xi32>
      %and3A_620 = arith.andi %add3A_617, %and3A_619 : vector<16xi32>
      %gather3A_621 = tpu.vector_load_idx %arg10[%gather3A, %and3A_620] : memref<8x32xf32, #tpu.memory_space<vmem>>[vector<16xi32>, vector<16xi32>], vector<16xf32>,
      tpu.vector_store_idx %arg16[%add3A_353, %and3A_620], %gather3A_621 : memref<128x64xf32, #tpu.memory_space<vmem>>[vector<16xi32>, vector<16xi32>], vector<16xf32>,
      %add3A_622 = arith.addi %mul3A_362, %and3A_620 : vector<16xi32>
      %gather3A_623 = tpu.vector_load_idx %arg12[%add3A_353, %add3A_622] : memref<128x128xf32, #tpu.memory_space<vmem>>[vector<16xi32>, vector<16xi32>], vector<16xf32>,
      %add3A_624 = arith.constant 32 : i32
      %add3A_625 = vector.broadcast %add3A_624 : i32 to vector<16xi32>
      %add3A_626 = arith.addi %and3A_620, %add3A_625 : vector<16xi32>
      tpu.vector_store_idx %arg16[%add3A_353, %add3A_626], %gather3A_623 : memref<128x64xf32, #tpu.memory_space<vmem>>[vector<16xi32>, vector<16xi32>], vector<16xf32>,
      %add3A_627 = arith.constant 22 : i32
      %add3A_628 = vector.broadcast %add3A_627 : i32 to vector<16xi32>
      %add3A_629 = arith.addi %iota3A, %add3A_628 : vector<16xi32>
      %and3A_630 = arith.constant 31 : i32
      %and3A_631 = vector.broadcast %and3A_630 : i32 to vector<16xi32>
      %and3A_632 = arith.andi %add3A_629, %and3A_631 : vector<16xi32>
      %gather3A_633 = tpu.vector_load_idx %arg10[%gather3A, %and3A_632] : memref<8x32xf32, #tpu.memory_space<vmem>>[vector<16xi32>, vector<16xi32>], vector<16xf32>,
      tpu.vector_store_idx %arg16[%add3A_353, %and3A_632], %gather3A_633 : memref<128x64xf32, #tpu.memory_space<vmem>>[vector<16xi32>, vector<16xi32>], vector<16xf32>,
      %add3A_634 = arith.addi %mul3A_362, %and3A_632 : vector<16xi32>
      %gather3A_635 = tpu.vector_load_idx %arg12[%add3A_353, %add3A_634] : memref<128x128xf32, #tpu.memory_space<vmem>>[vector<16xi32>, vector<16xi32>], vector<16xf32>,
      %add3A_636 = arith.constant 32 : i32
      %add3A_637 = vector.broadcast %add3A_636 : i32 to vector<16xi32>
      %add3A_638 = arith.addi %and3A_632, %add3A_637 : vector<16xi32>
      tpu.vector_store_idx %arg16[%add3A_353, %add3A_638], %gather3A_635 : memref<128x64xf32, #tpu.memory_space<vmem>>[vector<16xi32>, vector<16xi32>], vector<16xf32>,
      %add3A_639 = arith.constant 23 : i32
      %add3A_640 = vector.broadcast %add3A_639 : i32 to vector<16xi32>
      %add3A_641 = arith.addi %iota3A, %add3A_640 : vector<16xi32>
      %and3A_642 = arith.constant 31 : i32
      %and3A_643 = vector.broadcast %and3A_642 : i32 to vector<16xi32>
      %and3A_644 = arith.andi %add3A_641, %and3A_643 : vector<16xi32>
      %gather3A_645 = tpu.vector_load_idx %arg10[%gather3A, %and3A_644] : memref<8x32xf32, #tpu.memory_space<vmem>>[vector<16xi32>, vector<16xi32>], vector<16xf32>,
      tpu.vector_store_idx %arg16[%add3A_353, %and3A_644], %gather3A_645 : memref<128x64xf32, #tpu.memory_space<vmem>>[vector<16xi32>, vector<16xi32>], vector<16xf32>,
      %add3A_646 = arith.addi %mul3A_362, %and3A_644 : vector<16xi32>
      %gather3A_647 = tpu.vector_load_idx %arg12[%add3A_353, %add3A_646] : memref<128x128xf32, #tpu.memory_space<vmem>>[vector<16xi32>, vector<16xi32>], vector<16xf32>,
      %add3A_648 = arith.constant 32 : i32
      %add3A_649 = vector.broadcast %add3A_648 : i32 to vector<16xi32>
      %add3A_650 = arith.addi %and3A_644, %add3A_649 : vector<16xi32>
      tpu.vector_store_idx %arg16[%add3A_353, %add3A_650], %gather3A_647 : memref<128x64xf32, #tpu.memory_space<vmem>>[vector<16xi32>, vector<16xi32>], vector<16xf32>,
      %add3A_651 = arith.constant 24 : i32
      %add3A_652 = vector.broadcast %add3A_651 : i32 to vector<16xi32>
      %add3A_653 = arith.addi %iota3A, %add3A_652 : vector<16xi32>
      %and3A_654 = arith.constant 31 : i32
      %and3A_655 = vector.broadcast %and3A_654 : i32 to vector<16xi32>
      %and3A_656 = arith.andi %add3A_653, %and3A_655 : vector<16xi32>
      %gather3A_657 = tpu.vector_load_idx %arg10[%gather3A, %and3A_656] : memref<8x32xf32, #tpu.memory_space<vmem>>[vector<16xi32>, vector<16xi32>], vector<16xf32>,
      tpu.vector_store_idx %arg16[%add3A_353, %and3A_656], %gather3A_657 : memref<128x64xf32, #tpu.memory_space<vmem>>[vector<16xi32>, vector<16xi32>], vector<16xf32>,
      %add3A_658 = arith.addi %mul3A_362, %and3A_656 : vector<16xi32>
      %gather3A_659 = tpu.vector_load_idx %arg12[%add3A_353, %add3A_658] : memref<128x128xf32, #tpu.memory_space<vmem>>[vector<16xi32>, vector<16xi32>], vector<16xf32>,
      %add3A_660 = arith.constant 32 : i32
      %add3A_661 = vector.broadcast %add3A_660 : i32 to vector<16xi32>
      %add3A_662 = arith.addi %and3A_656, %add3A_661 : vector<16xi32>
      tpu.vector_store_idx %arg16[%add3A_353, %add3A_662], %gather3A_659 : memref<128x64xf32, #tpu.memory_space<vmem>>[vector<16xi32>, vector<16xi32>], vector<16xf32>,
      %add3A_663 = arith.constant 25 : i32
      %add3A_664 = vector.broadcast %add3A_663 : i32 to vector<16xi32>
      %add3A_665 = arith.addi %iota3A, %add3A_664 : vector<16xi32>
      %and3A_666 = arith.constant 31 : i32
      %and3A_667 = vector.broadcast %and3A_666 : i32 to vector<16xi32>
      %and3A_668 = arith.andi %add3A_665, %and3A_667 : vector<16xi32>
      %gather3A_669 = tpu.vector_load_idx %arg10[%gather3A, %and3A_668] : memref<8x32xf32, #tpu.memory_space<vmem>>[vector<16xi32>, vector<16xi32>], vector<16xf32>,
      tpu.vector_store_idx %arg16[%add3A_353, %and3A_668], %gather3A_669 : memref<128x64xf32, #tpu.memory_space<vmem>>[vector<16xi32>, vector<16xi32>], vector<16xf32>,
      %add3A_670 = arith.addi %mul3A_362, %and3A_668 : vector<16xi32>
      %gather3A_671 = tpu.vector_load_idx %arg12[%add3A_353, %add3A_670] : memref<128x128xf32, #tpu.memory_space<vmem>>[vector<16xi32>, vector<16xi32>], vector<16xf32>,
      %add3A_672 = arith.constant 32 : i32
      %add3A_673 = vector.broadcast %add3A_672 : i32 to vector<16xi32>
      %add3A_674 = arith.addi %and3A_668, %add3A_673 : vector<16xi32>
      tpu.vector_store_idx %arg16[%add3A_353, %add3A_674], %gather3A_671 : memref<128x64xf32, #tpu.memory_space<vmem>>[vector<16xi32>, vector<16xi32>], vector<16xf32>,
      %add3A_675 = arith.constant 26 : i32
      %add3A_676 = vector.broadcast %add3A_675 : i32 to vector<16xi32>
      %add3A_677 = arith.addi %iota3A, %add3A_676 : vector<16xi32>
      %and3A_678 = arith.constant 31 : i32
      %and3A_679 = vector.broadcast %and3A_678 : i32 to vector<16xi32>
      %and3A_680 = arith.andi %add3A_677, %and3A_679 : vector<16xi32>
      %gather3A_681 = tpu.vector_load_idx %arg10[%gather3A, %and3A_680] : memref<8x32xf32, #tpu.memory_space<vmem>>[vector<16xi32>, vector<16xi32>], vector<16xf32>,
      tpu.vector_store_idx %arg16[%add3A_353, %and3A_680], %gather3A_681 : memref<128x64xf32, #tpu.memory_space<vmem>>[vector<16xi32>, vector<16xi32>], vector<16xf32>,
      %add3A_682 = arith.addi %mul3A_362, %and3A_680 : vector<16xi32>
      %gather3A_683 = tpu.vector_load_idx %arg12[%add3A_353, %add3A_682] : memref<128x128xf32, #tpu.memory_space<vmem>>[vector<16xi32>, vector<16xi32>], vector<16xf32>,
      %add3A_684 = arith.constant 32 : i32
      %add3A_685 = vector.broadcast %add3A_684 : i32 to vector<16xi32>
      %add3A_686 = arith.addi %and3A_680, %add3A_685 : vector<16xi32>
      tpu.vector_store_idx %arg16[%add3A_353, %add3A_686], %gather3A_683 : memref<128x64xf32, #tpu.memory_space<vmem>>[vector<16xi32>, vector<16xi32>], vector<16xf32>,
      %add3A_687 = arith.constant 27 : i32
      %add3A_688 = vector.broadcast %add3A_687 : i32 to vector<16xi32>
      %add3A_689 = arith.addi %iota3A, %add3A_688 : vector<16xi32>
      %and3A_690 = arith.constant 31 : i32
      %and3A_691 = vector.broadcast %and3A_690 : i32 to vector<16xi32>
      %and3A_692 = arith.andi %add3A_689, %and3A_691 : vector<16xi32>
      %gather3A_693 = tpu.vector_load_idx %arg10[%gather3A, %and3A_692] : memref<8x32xf32, #tpu.memory_space<vmem>>[vector<16xi32>, vector<16xi32>], vector<16xf32>,
      tpu.vector_store_idx %arg16[%add3A_353, %and3A_692], %gather3A_693 : memref<128x64xf32, #tpu.memory_space<vmem>>[vector<16xi32>, vector<16xi32>], vector<16xf32>,
      %add3A_694 = arith.addi %mul3A_362, %and3A_692 : vector<16xi32>
      %gather3A_695 = tpu.vector_load_idx %arg12[%add3A_353, %add3A_694] : memref<128x128xf32, #tpu.memory_space<vmem>>[vector<16xi32>, vector<16xi32>], vector<16xf32>,
      %add3A_696 = arith.constant 32 : i32
      %add3A_697 = vector.broadcast %add3A_696 : i32 to vector<16xi32>
      %add3A_698 = arith.addi %and3A_692, %add3A_697 : vector<16xi32>
      tpu.vector_store_idx %arg16[%add3A_353, %add3A_698], %gather3A_695 : memref<128x64xf32, #tpu.memory_space<vmem>>[vector<16xi32>, vector<16xi32>], vector<16xf32>,
      %add3A_699 = arith.constant 28 : i32
      %add3A_700 = vector.broadcast %add3A_699 : i32 to vector<16xi32>
      %add3A_701 = arith.addi %iota3A, %add3A_700 : vector<16xi32>
      %and3A_702 = arith.constant 31 : i32
      %and3A_703 = vector.broadcast %and3A_702 : i32 to vector<16xi32>
      %and3A_704 = arith.andi %add3A_701, %and3A_703 : vector<16xi32>
      %gather3A_705 = tpu.vector_load_idx %arg10[%gather3A, %and3A_704] : memref<8x32xf32, #tpu.memory_space<vmem>>[vector<16xi32>, vector<16xi32>], vector<16xf32>,
      tpu.vector_store_idx %arg16[%add3A_353, %and3A_704], %gather3A_705 : memref<128x64xf32, #tpu.memory_space<vmem>>[vector<16xi32>, vector<16xi32>], vector<16xf32>,
      %add3A_706 = arith.addi %mul3A_362, %and3A_704 : vector<16xi32>
      %gather3A_707 = tpu.vector_load_idx %arg12[%add3A_353, %add3A_706] : memref<128x128xf32, #tpu.memory_space<vmem>>[vector<16xi32>, vector<16xi32>], vector<16xf32>,
      %add3A_708 = arith.constant 32 : i32
      %add3A_709 = vector.broadcast %add3A_708 : i32 to vector<16xi32>
      %add3A_710 = arith.addi %and3A_704, %add3A_709 : vector<16xi32>
      tpu.vector_store_idx %arg16[%add3A_353, %add3A_710], %gather3A_707 : memref<128x64xf32, #tpu.memory_space<vmem>>[vector<16xi32>, vector<16xi32>], vector<16xf32>,
      %add3A_711 = arith.constant 29 : i32
      %add3A_712 = vector.broadcast %add3A_711 : i32 to vector<16xi32>
      %add3A_713 = arith.addi %iota3A, %add3A_712 : vector<16xi32>
      %and3A_714 = arith.constant 31 : i32
      %and3A_715 = vector.broadcast %and3A_714 : i32 to vector<16xi32>
      %and3A_716 = arith.andi %add3A_713, %and3A_715 : vector<16xi32>
      %gather3A_717 = tpu.vector_load_idx %arg10[%gather3A, %and3A_716] : memref<8x32xf32, #tpu.memory_space<vmem>>[vector<16xi32>, vector<16xi32>], vector<16xf32>,
      tpu.vector_store_idx %arg16[%add3A_353, %and3A_716], %gather3A_717 : memref<128x64xf32, #tpu.memory_space<vmem>>[vector<16xi32>, vector<16xi32>], vector<16xf32>,
      %add3A_718 = arith.addi %mul3A_362, %and3A_716 : vector<16xi32>
      %gather3A_719 = tpu.vector_load_idx %arg12[%add3A_353, %add3A_718] : memref<128x128xf32, #tpu.memory_space<vmem>>[vector<16xi32>, vector<16xi32>], vector<16xf32>,
      %add3A_720 = arith.constant 32 : i32
      %add3A_721 = vector.broadcast %add3A_720 : i32 to vector<16xi32>
      %add3A_722 = arith.addi %and3A_716, %add3A_721 : vector<16xi32>
      tpu.vector_store_idx %arg16[%add3A_353, %add3A_722], %gather3A_719 : memref<128x64xf32, #tpu.memory_space<vmem>>[vector<16xi32>, vector<16xi32>], vector<16xf32>,
      %add3A_723 = arith.constant 30 : i32
      %add3A_724 = vector.broadcast %add3A_723 : i32 to vector<16xi32>
      %add3A_725 = arith.addi %iota3A, %add3A_724 : vector<16xi32>
      %and3A_726 = arith.constant 31 : i32
      %and3A_727 = vector.broadcast %and3A_726 : i32 to vector<16xi32>
      %and3A_728 = arith.andi %add3A_725, %and3A_727 : vector<16xi32>
      %gather3A_729 = tpu.vector_load_idx %arg10[%gather3A, %and3A_728] : memref<8x32xf32, #tpu.memory_space<vmem>>[vector<16xi32>, vector<16xi32>], vector<16xf32>,
      tpu.vector_store_idx %arg16[%add3A_353, %and3A_728], %gather3A_729 : memref<128x64xf32, #tpu.memory_space<vmem>>[vector<16xi32>, vector<16xi32>], vector<16xf32>,
      %add3A_730 = arith.addi %mul3A_362, %and3A_728 : vector<16xi32>
      %gather3A_731 = tpu.vector_load_idx %arg12[%add3A_353, %add3A_730] : memref<128x128xf32, #tpu.memory_space<vmem>>[vector<16xi32>, vector<16xi32>], vector<16xf32>,
      %add3A_732 = arith.constant 32 : i32
      %add3A_733 = vector.broadcast %add3A_732 : i32 to vector<16xi32>
      %add3A_734 = arith.addi %and3A_728, %add3A_733 : vector<16xi32>
      tpu.vector_store_idx %arg16[%add3A_353, %add3A_734], %gather3A_731 : memref<128x64xf32, #tpu.memory_space<vmem>>[vector<16xi32>, vector<16xi32>], vector<16xf32>,
      %add3A_735 = arith.constant 31 : i32
      %add3A_736 = vector.broadcast %add3A_735 : i32 to vector<16xi32>
      %add3A_737 = arith.addi %iota3A, %add3A_736 : vector<16xi32>
      %and3A_738 = arith.constant 31 : i32
      %and3A_739 = vector.broadcast %and3A_738 : i32 to vector<16xi32>
      %and3A_740 = arith.andi %add3A_737, %and3A_739 : vector<16xi32>
      %gather3A_741 = tpu.vector_load_idx %arg10[%gather3A, %and3A_740] : memref<8x32xf32, #tpu.memory_space<vmem>>[vector<16xi32>, vector<16xi32>], vector<16xf32>,
      tpu.vector_store_idx %arg16[%add3A_353, %and3A_740], %gather3A_741 : memref<128x64xf32, #tpu.memory_space<vmem>>[vector<16xi32>, vector<16xi32>], vector<16xf32>,
      %add3A_742 = arith.addi %mul3A_362, %and3A_740 : vector<16xi32>
      %gather3A_743 = tpu.vector_load_idx %arg12[%add3A_353, %add3A_742] : memref<128x128xf32, #tpu.memory_space<vmem>>[vector<16xi32>, vector<16xi32>], vector<16xf32>,
      %add3A_744 = arith.constant 32 : i32
      %add3A_745 = vector.broadcast %add3A_744 : i32 to vector<16xi32>
      %add3A_746 = arith.addi %and3A_740, %add3A_745 : vector<16xi32>
      tpu.vector_store_idx %arg16[%add3A_353, %add3A_746], %gather3A_743 : memref<128x64xf32, #tpu.memory_space<vmem>>[vector<16xi32>, vector<16xi32>], vector<16xf32>,
    }
    %scan3A_286 = arith.constant 8 : i32
    %add3A_287 = arith.constant 128 : i32
    %add3A_288 = arith.addi %mul3A_2, %add3A_287 : i32
    %dma_start3A_289 = arith.constant 0 : i32
    %dma_start3A_290 = tpu.memref_slice %arg6[%add3A_288, %dma_start3A_289] : memref<16384x64xf32, #tpu.memory_space<hbm>> -> memref<128x64xf32, #tpu.memory_space<hbm>>
    %dma_start3A_291 = arith.constant 0 : i32
    %dma_start3A_292 = tpu.memref_slice %arg6[%add3A_288, %dma_start3A_291] : memref<16384x64xf32, #tpu.memory_space<hbm>> -> memref<128x64xf32, #tpu.memory_space<hbm>>
    tpu.enqueue_dma source(%arg16 : memref<128x64xf32, #tpu.memory_space<vmem>>) target(%dma_start3A_292 : memref<128x64xf32, #tpu.memory_space<hbm>>) target_semaphore(%arg22 : memref<!tpu.dma_semaphore, #tpu.memory_space<semaphore_mem>>)
    %dma_wait3A_293 = arith.constant 0 : i32
    %dma_wait3A_294 = arith.constant 0 : i32
    %dma_wait3A_295 = tpu.memref_slice %arg13[%dma_wait3A_293, %dma_wait3A_294] : memref<128x128xf32, #tpu.memory_space<vmem>> -> memref<128x128xf32, #tpu.memory_space<vmem>>
    %dma_wait3A_296 = arith.constant 256 : i32
    %dma_wait3A_297 = tpu.memref_slice %arg9[%dma_wait3A_296] : memref<512xi32, #tpu.memory_space<vmem>> -> memref<128xi32, #tpu.memory_space<vmem>>
    %dma_wait3A_298 = arith.constant 0 : i32
    %dma_wait3A_299 = arith.constant 0 : i32
    %dma_wait3A_300 = tpu.memref_slice %arg5[%dma_wait3A_298, %dma_wait3A_299] : memref<25000x128xf32, #tpu.memory_space<hbm>> -> memref<25000x128xf32, #tpu.memory_space<hbm>>
    tpu.wait_indirect_dma semaphore(%arg19 : memref<!tpu.dma_semaphore, #tpu.memory_space<semaphore_mem>>) src(%dma_wait3A_300 : memref<25000x128xf32, #tpu.memory_space<hbm>>) dst(%dma_wait3A_295 : memref<128x128xf32, #tpu.memory_space<vmem>>)
    %dma_wait3A_301 = arith.constant 0 : i32
    %dma_wait3A_302 = tpu.memref_slice %arg6[%add3A_268, %dma_wait3A_301] : memref<16384x64xf32, #tpu.memory_space<hbm>> -> memref<128x64xf32, #tpu.memory_space<hbm>>
    %dma_wait3A_303 = arith.constant 0 : i32
    %dma_wait3A_304 = tpu.memref_slice %arg6[%add3A_268, %dma_wait3A_303] : memref<16384x64xf32, #tpu.memory_space<hbm>> -> memref<128x64xf32, #tpu.memory_space<hbm>>
    tpu.wait_dma2 semaphore(%arg21 : memref<!tpu.dma_semaphore, #tpu.memory_space<semaphore_mem>>) src(%arg15 : memref<128x64xf32, #tpu.memory_space<vmem>>) dst(%dma_wait3A_304 : memref<128x64xf32, #tpu.memory_space<hbm>>)
    %scan3A_305 = arith.constant 0 : i32
    %scan3A_306 = arith.constant 0 : i32
    %scan3A_307 = arith.constant 8 : i32
    %scan3A_308 = arith.addi %scan3A_306, %scan3A_307 : i32
    %scan3A_309 = arith.constant 1 : i32
    scf.for %scan3A_349 = %scan3A_306 to %scan3A_308 step %scan3A_309  : i32 {
      %mul3A_350 = arith.constant 16 : i32
      %mul3A_351 = arith.muli %scan3A_349, %mul3A_350 : i32
      %add3A_352 = vector.broadcast %mul3A_351 : i32 to vector<16xi32>
      %add3A_353 = arith.addi %add3A_352, %iota3A : vector<16xi32>
      %add3A_354 = arith.constant 256 : i32
      %add3A_355 = vector.broadcast %add3A_354 : i32 to vector<16xi32>
      %add3A_356 = arith.addi %add3A_355, %add3A_353 : vector<16xi32>
      %gather3A = tpu.vector_load_idx %arg7[%add3A_356] : memref<512xi32, #tpu.memory_space<vmem>>[vector<16xi32>], vector<16xi32>,
      %gather3A_357 = tpu.vector_load_idx %arg8[%add3A_356] : memref<512xi32, #tpu.memory_space<vmem>>[vector<16xi32>], vector<16xi32>,
      %and3A = arith.constant 3 : i32
      %and3A_358 = vector.broadcast %and3A : i32 to vector<16xi32>
      %and3A_359 = arith.andi %gather3A_357, %and3A_358 : vector<16xi32>
      %mul3A_360 = arith.constant 32 : i32
      %mul3A_361 = vector.broadcast %mul3A_360 : i32 to vector<16xi32>
      %mul3A_362 = arith.muli %and3A_359, %mul3A_361 : vector<16xi32>
      %add3A_363 = arith.constant 0 : i32
      %add3A_364 = vector.broadcast %add3A_363 : i32 to vector<16xi32>
      %add3A_365 = arith.addi %iota3A, %add3A_364 : vector<16xi32>
      %and3A_366 = arith.constant 31 : i32
      %and3A_367 = vector.broadcast %and3A_366 : i32 to vector<16xi32>
      %and3A_368 = arith.andi %add3A_365, %and3A_367 : vector<16xi32>
      %gather3A_369 = tpu.vector_load_idx %arg10[%gather3A, %and3A_368] : memref<8x32xf32, #tpu.memory_space<vmem>>[vector<16xi32>, vector<16xi32>], vector<16xf32>,
      tpu.vector_store_idx %arg15[%add3A_353, %and3A_368], %gather3A_369 : memref<128x64xf32, #tpu.memory_space<vmem>>[vector<16xi32>, vector<16xi32>], vector<16xf32>,
      %add3A_370 = arith.addi %mul3A_362, %and3A_368 : vector<16xi32>
      %gather3A_371 = tpu.vector_load_idx %arg13[%add3A_353, %add3A_370] : memref<128x128xf32, #tpu.memory_space<vmem>>[vector<16xi32>, vector<16xi32>], vector<16xf32>,
      %add3A_372 = arith.constant 32 : i32
      %add3A_373 = vector.broadcast %add3A_372 : i32 to vector<16xi32>
      %add3A_374 = arith.addi %and3A_368, %add3A_373 : vector<16xi32>
      tpu.vector_store_idx %arg15[%add3A_353, %add3A_374], %gather3A_371 : memref<128x64xf32, #tpu.memory_space<vmem>>[vector<16xi32>, vector<16xi32>], vector<16xf32>,
      %add3A_375 = arith.constant 1 : i32
      %add3A_376 = vector.broadcast %add3A_375 : i32 to vector<16xi32>
      %add3A_377 = arith.addi %iota3A, %add3A_376 : vector<16xi32>
      %and3A_378 = arith.constant 31 : i32
      %and3A_379 = vector.broadcast %and3A_378 : i32 to vector<16xi32>
      %and3A_380 = arith.andi %add3A_377, %and3A_379 : vector<16xi32>
      %gather3A_381 = tpu.vector_load_idx %arg10[%gather3A, %and3A_380] : memref<8x32xf32, #tpu.memory_space<vmem>>[vector<16xi32>, vector<16xi32>], vector<16xf32>,
      tpu.vector_store_idx %arg15[%add3A_353, %and3A_380], %gather3A_381 : memref<128x64xf32, #tpu.memory_space<vmem>>[vector<16xi32>, vector<16xi32>], vector<16xf32>,
      %add3A_382 = arith.addi %mul3A_362, %and3A_380 : vector<16xi32>
      %gather3A_383 = tpu.vector_load_idx %arg13[%add3A_353, %add3A_382] : memref<128x128xf32, #tpu.memory_space<vmem>>[vector<16xi32>, vector<16xi32>], vector<16xf32>,
      %add3A_384 = arith.constant 32 : i32
      %add3A_385 = vector.broadcast %add3A_384 : i32 to vector<16xi32>
      %add3A_386 = arith.addi %and3A_380, %add3A_385 : vector<16xi32>
      tpu.vector_store_idx %arg15[%add3A_353, %add3A_386], %gather3A_383 : memref<128x64xf32, #tpu.memory_space<vmem>>[vector<16xi32>, vector<16xi32>], vector<16xf32>,
      %add3A_387 = arith.constant 2 : i32
      %add3A_388 = vector.broadcast %add3A_387 : i32 to vector<16xi32>
      %add3A_389 = arith.addi %iota3A, %add3A_388 : vector<16xi32>
      %and3A_390 = arith.constant 31 : i32
      %and3A_391 = vector.broadcast %and3A_390 : i32 to vector<16xi32>
      %and3A_392 = arith.andi %add3A_389, %and3A_391 : vector<16xi32>
      %gather3A_393 = tpu.vector_load_idx %arg10[%gather3A, %and3A_392] : memref<8x32xf32, #tpu.memory_space<vmem>>[vector<16xi32>, vector<16xi32>], vector<16xf32>,
      tpu.vector_store_idx %arg15[%add3A_353, %and3A_392], %gather3A_393 : memref<128x64xf32, #tpu.memory_space<vmem>>[vector<16xi32>, vector<16xi32>], vector<16xf32>,
      %add3A_394 = arith.addi %mul3A_362, %and3A_392 : vector<16xi32>
      %gather3A_395 = tpu.vector_load_idx %arg13[%add3A_353, %add3A_394] : memref<128x128xf32, #tpu.memory_space<vmem>>[vector<16xi32>, vector<16xi32>], vector<16xf32>,
      %add3A_396 = arith.constant 32 : i32
      %add3A_397 = vector.broadcast %add3A_396 : i32 to vector<16xi32>
      %add3A_398 = arith.addi %and3A_392, %add3A_397 : vector<16xi32>
      tpu.vector_store_idx %arg15[%add3A_353, %add3A_398], %gather3A_395 : memref<128x64xf32, #tpu.memory_space<vmem>>[vector<16xi32>, vector<16xi32>], vector<16xf32>,
      %add3A_399 = arith.constant 3 : i32
      %add3A_400 = vector.broadcast %add3A_399 : i32 to vector<16xi32>
      %add3A_401 = arith.addi %iota3A, %add3A_400 : vector<16xi32>
      %and3A_402 = arith.constant 31 : i32
      %and3A_403 = vector.broadcast %and3A_402 : i32 to vector<16xi32>
      %and3A_404 = arith.andi %add3A_401, %and3A_403 : vector<16xi32>
      %gather3A_405 = tpu.vector_load_idx %arg10[%gather3A, %and3A_404] : memref<8x32xf32, #tpu.memory_space<vmem>>[vector<16xi32>, vector<16xi32>], vector<16xf32>,
      tpu.vector_store_idx %arg15[%add3A_353, %and3A_404], %gather3A_405 : memref<128x64xf32, #tpu.memory_space<vmem>>[vector<16xi32>, vector<16xi32>], vector<16xf32>,
      %add3A_406 = arith.addi %mul3A_362, %and3A_404 : vector<16xi32>
      %gather3A_407 = tpu.vector_load_idx %arg13[%add3A_353, %add3A_406] : memref<128x128xf32, #tpu.memory_space<vmem>>[vector<16xi32>, vector<16xi32>], vector<16xf32>,
      %add3A_408 = arith.constant 32 : i32
      %add3A_409 = vector.broadcast %add3A_408 : i32 to vector<16xi32>
      %add3A_410 = arith.addi %and3A_404, %add3A_409 : vector<16xi32>
      tpu.vector_store_idx %arg15[%add3A_353, %add3A_410], %gather3A_407 : memref<128x64xf32, #tpu.memory_space<vmem>>[vector<16xi32>, vector<16xi32>], vector<16xf32>,
      %add3A_411 = arith.constant 4 : i32
      %add3A_412 = vector.broadcast %add3A_411 : i32 to vector<16xi32>
      %add3A_413 = arith.addi %iota3A, %add3A_412 : vector<16xi32>
      %and3A_414 = arith.constant 31 : i32
      %and3A_415 = vector.broadcast %and3A_414 : i32 to vector<16xi32>
      %and3A_416 = arith.andi %add3A_413, %and3A_415 : vector<16xi32>
      %gather3A_417 = tpu.vector_load_idx %arg10[%gather3A, %and3A_416] : memref<8x32xf32, #tpu.memory_space<vmem>>[vector<16xi32>, vector<16xi32>], vector<16xf32>,
      tpu.vector_store_idx %arg15[%add3A_353, %and3A_416], %gather3A_417 : memref<128x64xf32, #tpu.memory_space<vmem>>[vector<16xi32>, vector<16xi32>], vector<16xf32>,
      %add3A_418 = arith.addi %mul3A_362, %and3A_416 : vector<16xi32>
      %gather3A_419 = tpu.vector_load_idx %arg13[%add3A_353, %add3A_418] : memref<128x128xf32, #tpu.memory_space<vmem>>[vector<16xi32>, vector<16xi32>], vector<16xf32>,
      %add3A_420 = arith.constant 32 : i32
      %add3A_421 = vector.broadcast %add3A_420 : i32 to vector<16xi32>
      %add3A_422 = arith.addi %and3A_416, %add3A_421 : vector<16xi32>
      tpu.vector_store_idx %arg15[%add3A_353, %add3A_422], %gather3A_419 : memref<128x64xf32, #tpu.memory_space<vmem>>[vector<16xi32>, vector<16xi32>], vector<16xf32>,
      %add3A_423 = arith.constant 5 : i32
      %add3A_424 = vector.broadcast %add3A_423 : i32 to vector<16xi32>
      %add3A_425 = arith.addi %iota3A, %add3A_424 : vector<16xi32>
      %and3A_426 = arith.constant 31 : i32
      %and3A_427 = vector.broadcast %and3A_426 : i32 to vector<16xi32>
      %and3A_428 = arith.andi %add3A_425, %and3A_427 : vector<16xi32>
      %gather3A_429 = tpu.vector_load_idx %arg10[%gather3A, %and3A_428] : memref<8x32xf32, #tpu.memory_space<vmem>>[vector<16xi32>, vector<16xi32>], vector<16xf32>,
      tpu.vector_store_idx %arg15[%add3A_353, %and3A_428], %gather3A_429 : memref<128x64xf32, #tpu.memory_space<vmem>>[vector<16xi32>, vector<16xi32>], vector<16xf32>,
      %add3A_430 = arith.addi %mul3A_362, %and3A_428 : vector<16xi32>
      %gather3A_431 = tpu.vector_load_idx %arg13[%add3A_353, %add3A_430] : memref<128x128xf32, #tpu.memory_space<vmem>>[vector<16xi32>, vector<16xi32>], vector<16xf32>,
      %add3A_432 = arith.constant 32 : i32
      %add3A_433 = vector.broadcast %add3A_432 : i32 to vector<16xi32>
      %add3A_434 = arith.addi %and3A_428, %add3A_433 : vector<16xi32>
      tpu.vector_store_idx %arg15[%add3A_353, %add3A_434], %gather3A_431 : memref<128x64xf32, #tpu.memory_space<vmem>>[vector<16xi32>, vector<16xi32>], vector<16xf32>,
      %add3A_435 = arith.constant 6 : i32
      %add3A_436 = vector.broadcast %add3A_435 : i32 to vector<16xi32>
      %add3A_437 = arith.addi %iota3A, %add3A_436 : vector<16xi32>
      %and3A_438 = arith.constant 31 : i32
      %and3A_439 = vector.broadcast %and3A_438 : i32 to vector<16xi32>
      %and3A_440 = arith.andi %add3A_437, %and3A_439 : vector<16xi32>
      %gather3A_441 = tpu.vector_load_idx %arg10[%gather3A, %and3A_440] : memref<8x32xf32, #tpu.memory_space<vmem>>[vector<16xi32>, vector<16xi32>], vector<16xf32>,
      tpu.vector_store_idx %arg15[%add3A_353, %and3A_440], %gather3A_441 : memref<128x64xf32, #tpu.memory_space<vmem>>[vector<16xi32>, vector<16xi32>], vector<16xf32>,
      %add3A_442 = arith.addi %mul3A_362, %and3A_440 : vector<16xi32>
      %gather3A_443 = tpu.vector_load_idx %arg13[%add3A_353, %add3A_442] : memref<128x128xf32, #tpu.memory_space<vmem>>[vector<16xi32>, vector<16xi32>], vector<16xf32>,
      %add3A_444 = arith.constant 32 : i32
      %add3A_445 = vector.broadcast %add3A_444 : i32 to vector<16xi32>
      %add3A_446 = arith.addi %and3A_440, %add3A_445 : vector<16xi32>
      tpu.vector_store_idx %arg15[%add3A_353, %add3A_446], %gather3A_443 : memref<128x64xf32, #tpu.memory_space<vmem>>[vector<16xi32>, vector<16xi32>], vector<16xf32>,
      %add3A_447 = arith.constant 7 : i32
      %add3A_448 = vector.broadcast %add3A_447 : i32 to vector<16xi32>
      %add3A_449 = arith.addi %iota3A, %add3A_448 : vector<16xi32>
      %and3A_450 = arith.constant 31 : i32
      %and3A_451 = vector.broadcast %and3A_450 : i32 to vector<16xi32>
      %and3A_452 = arith.andi %add3A_449, %and3A_451 : vector<16xi32>
      %gather3A_453 = tpu.vector_load_idx %arg10[%gather3A, %and3A_452] : memref<8x32xf32, #tpu.memory_space<vmem>>[vector<16xi32>, vector<16xi32>], vector<16xf32>,
      tpu.vector_store_idx %arg15[%add3A_353, %and3A_452], %gather3A_453 : memref<128x64xf32, #tpu.memory_space<vmem>>[vector<16xi32>, vector<16xi32>], vector<16xf32>,
      %add3A_454 = arith.addi %mul3A_362, %and3A_452 : vector<16xi32>
      %gather3A_455 = tpu.vector_load_idx %arg13[%add3A_353, %add3A_454] : memref<128x128xf32, #tpu.memory_space<vmem>>[vector<16xi32>, vector<16xi32>], vector<16xf32>,
      %add3A_456 = arith.constant 32 : i32
      %add3A_457 = vector.broadcast %add3A_456 : i32 to vector<16xi32>
      %add3A_458 = arith.addi %and3A_452, %add3A_457 : vector<16xi32>
      tpu.vector_store_idx %arg15[%add3A_353, %add3A_458], %gather3A_455 : memref<128x64xf32, #tpu.memory_space<vmem>>[vector<16xi32>, vector<16xi32>], vector<16xf32>,
      %add3A_459 = arith.constant 8 : i32
      %add3A_460 = vector.broadcast %add3A_459 : i32 to vector<16xi32>
      %add3A_461 = arith.addi %iota3A, %add3A_460 : vector<16xi32>
      %and3A_462 = arith.constant 31 : i32
      %and3A_463 = vector.broadcast %and3A_462 : i32 to vector<16xi32>
      %and3A_464 = arith.andi %add3A_461, %and3A_463 : vector<16xi32>
      %gather3A_465 = tpu.vector_load_idx %arg10[%gather3A, %and3A_464] : memref<8x32xf32, #tpu.memory_space<vmem>>[vector<16xi32>, vector<16xi32>], vector<16xf32>,
      tpu.vector_store_idx %arg15[%add3A_353, %and3A_464], %gather3A_465 : memref<128x64xf32, #tpu.memory_space<vmem>>[vector<16xi32>, vector<16xi32>], vector<16xf32>,
      %add3A_466 = arith.addi %mul3A_362, %and3A_464 : vector<16xi32>
      %gather3A_467 = tpu.vector_load_idx %arg13[%add3A_353, %add3A_466] : memref<128x128xf32, #tpu.memory_space<vmem>>[vector<16xi32>, vector<16xi32>], vector<16xf32>,
      %add3A_468 = arith.constant 32 : i32
      %add3A_469 = vector.broadcast %add3A_468 : i32 to vector<16xi32>
      %add3A_470 = arith.addi %and3A_464, %add3A_469 : vector<16xi32>
      tpu.vector_store_idx %arg15[%add3A_353, %add3A_470], %gather3A_467 : memref<128x64xf32, #tpu.memory_space<vmem>>[vector<16xi32>, vector<16xi32>], vector<16xf32>,
      %add3A_471 = arith.constant 9 : i32
      %add3A_472 = vector.broadcast %add3A_471 : i32 to vector<16xi32>
      %add3A_473 = arith.addi %iota3A, %add3A_472 : vector<16xi32>
      %and3A_474 = arith.constant 31 : i32
      %and3A_475 = vector.broadcast %and3A_474 : i32 to vector<16xi32>
      %and3A_476 = arith.andi %add3A_473, %and3A_475 : vector<16xi32>
      %gather3A_477 = tpu.vector_load_idx %arg10[%gather3A, %and3A_476] : memref<8x32xf32, #tpu.memory_space<vmem>>[vector<16xi32>, vector<16xi32>], vector<16xf32>,
      tpu.vector_store_idx %arg15[%add3A_353, %and3A_476], %gather3A_477 : memref<128x64xf32, #tpu.memory_space<vmem>>[vector<16xi32>, vector<16xi32>], vector<16xf32>,
      %add3A_478 = arith.addi %mul3A_362, %and3A_476 : vector<16xi32>
      %gather3A_479 = tpu.vector_load_idx %arg13[%add3A_353, %add3A_478] : memref<128x128xf32, #tpu.memory_space<vmem>>[vector<16xi32>, vector<16xi32>], vector<16xf32>,
      %add3A_480 = arith.constant 32 : i32
      %add3A_481 = vector.broadcast %add3A_480 : i32 to vector<16xi32>
      %add3A_482 = arith.addi %and3A_476, %add3A_481 : vector<16xi32>
      tpu.vector_store_idx %arg15[%add3A_353, %add3A_482], %gather3A_479 : memref<128x64xf32, #tpu.memory_space<vmem>>[vector<16xi32>, vector<16xi32>], vector<16xf32>,
      %add3A_483 = arith.constant 10 : i32
      %add3A_484 = vector.broadcast %add3A_483 : i32 to vector<16xi32>
      %add3A_485 = arith.addi %iota3A, %add3A_484 : vector<16xi32>
      %and3A_486 = arith.constant 31 : i32
      %and3A_487 = vector.broadcast %and3A_486 : i32 to vector<16xi32>
      %and3A_488 = arith.andi %add3A_485, %and3A_487 : vector<16xi32>
      %gather3A_489 = tpu.vector_load_idx %arg10[%gather3A, %and3A_488] : memref<8x32xf32, #tpu.memory_space<vmem>>[vector<16xi32>, vector<16xi32>], vector<16xf32>,
      tpu.vector_store_idx %arg15[%add3A_353, %and3A_488], %gather3A_489 : memref<128x64xf32, #tpu.memory_space<vmem>>[vector<16xi32>, vector<16xi32>], vector<16xf32>,
      %add3A_490 = arith.addi %mul3A_362, %and3A_488 : vector<16xi32>
      %gather3A_491 = tpu.vector_load_idx %arg13[%add3A_353, %add3A_490] : memref<128x128xf32, #tpu.memory_space<vmem>>[vector<16xi32>, vector<16xi32>], vector<16xf32>,
      %add3A_492 = arith.constant 32 : i32
      %add3A_493 = vector.broadcast %add3A_492 : i32 to vector<16xi32>
      %add3A_494 = arith.addi %and3A_488, %add3A_493 : vector<16xi32>
      tpu.vector_store_idx %arg15[%add3A_353, %add3A_494], %gather3A_491 : memref<128x64xf32, #tpu.memory_space<vmem>>[vector<16xi32>, vector<16xi32>], vector<16xf32>,
      %add3A_495 = arith.constant 11 : i32
      %add3A_496 = vector.broadcast %add3A_495 : i32 to vector<16xi32>
      %add3A_497 = arith.addi %iota3A, %add3A_496 : vector<16xi32>
      %and3A_498 = arith.constant 31 : i32
      %and3A_499 = vector.broadcast %and3A_498 : i32 to vector<16xi32>
      %and3A_500 = arith.andi %add3A_497, %and3A_499 : vector<16xi32>
      %gather3A_501 = tpu.vector_load_idx %arg10[%gather3A, %and3A_500] : memref<8x32xf32, #tpu.memory_space<vmem>>[vector<16xi32>, vector<16xi32>], vector<16xf32>,
      tpu.vector_store_idx %arg15[%add3A_353, %and3A_500], %gather3A_501 : memref<128x64xf32, #tpu.memory_space<vmem>>[vector<16xi32>, vector<16xi32>], vector<16xf32>,
      %add3A_502 = arith.addi %mul3A_362, %and3A_500 : vector<16xi32>
      %gather3A_503 = tpu.vector_load_idx %arg13[%add3A_353, %add3A_502] : memref<128x128xf32, #tpu.memory_space<vmem>>[vector<16xi32>, vector<16xi32>], vector<16xf32>,
      %add3A_504 = arith.constant 32 : i32
      %add3A_505 = vector.broadcast %add3A_504 : i32 to vector<16xi32>
      %add3A_506 = arith.addi %and3A_500, %add3A_505 : vector<16xi32>
      tpu.vector_store_idx %arg15[%add3A_353, %add3A_506], %gather3A_503 : memref<128x64xf32, #tpu.memory_space<vmem>>[vector<16xi32>, vector<16xi32>], vector<16xf32>,
      %add3A_507 = arith.constant 12 : i32
      %add3A_508 = vector.broadcast %add3A_507 : i32 to vector<16xi32>
      %add3A_509 = arith.addi %iota3A, %add3A_508 : vector<16xi32>
      %and3A_510 = arith.constant 31 : i32
      %and3A_511 = vector.broadcast %and3A_510 : i32 to vector<16xi32>
      %and3A_512 = arith.andi %add3A_509, %and3A_511 : vector<16xi32>
      %gather3A_513 = tpu.vector_load_idx %arg10[%gather3A, %and3A_512] : memref<8x32xf32, #tpu.memory_space<vmem>>[vector<16xi32>, vector<16xi32>], vector<16xf32>,
      tpu.vector_store_idx %arg15[%add3A_353, %and3A_512], %gather3A_513 : memref<128x64xf32, #tpu.memory_space<vmem>>[vector<16xi32>, vector<16xi32>], vector<16xf32>,
      %add3A_514 = arith.addi %mul3A_362, %and3A_512 : vector<16xi32>
      %gather3A_515 = tpu.vector_load_idx %arg13[%add3A_353, %add3A_514] : memref<128x128xf32, #tpu.memory_space<vmem>>[vector<16xi32>, vector<16xi32>], vector<16xf32>,
      %add3A_516 = arith.constant 32 : i32
      %add3A_517 = vector.broadcast %add3A_516 : i32 to vector<16xi32>
      %add3A_518 = arith.addi %and3A_512, %add3A_517 : vector<16xi32>
      tpu.vector_store_idx %arg15[%add3A_353, %add3A_518], %gather3A_515 : memref<128x64xf32, #tpu.memory_space<vmem>>[vector<16xi32>, vector<16xi32>], vector<16xf32>,
      %add3A_519 = arith.constant 13 : i32
      %add3A_520 = vector.broadcast %add3A_519 : i32 to vector<16xi32>
      %add3A_521 = arith.addi %iota3A, %add3A_520 : vector<16xi32>
      %and3A_522 = arith.constant 31 : i32
      %and3A_523 = vector.broadcast %and3A_522 : i32 to vector<16xi32>
      %and3A_524 = arith.andi %add3A_521, %and3A_523 : vector<16xi32>
      %gather3A_525 = tpu.vector_load_idx %arg10[%gather3A, %and3A_524] : memref<8x32xf32, #tpu.memory_space<vmem>>[vector<16xi32>, vector<16xi32>], vector<16xf32>,
      tpu.vector_store_idx %arg15[%add3A_353, %and3A_524], %gather3A_525 : memref<128x64xf32, #tpu.memory_space<vmem>>[vector<16xi32>, vector<16xi32>], vector<16xf32>,
      %add3A_526 = arith.addi %mul3A_362, %and3A_524 : vector<16xi32>
      %gather3A_527 = tpu.vector_load_idx %arg13[%add3A_353, %add3A_526] : memref<128x128xf32, #tpu.memory_space<vmem>>[vector<16xi32>, vector<16xi32>], vector<16xf32>,
      %add3A_528 = arith.constant 32 : i32
      %add3A_529 = vector.broadcast %add3A_528 : i32 to vector<16xi32>
      %add3A_530 = arith.addi %and3A_524, %add3A_529 : vector<16xi32>
      tpu.vector_store_idx %arg15[%add3A_353, %add3A_530], %gather3A_527 : memref<128x64xf32, #tpu.memory_space<vmem>>[vector<16xi32>, vector<16xi32>], vector<16xf32>,
      %add3A_531 = arith.constant 14 : i32
      %add3A_532 = vector.broadcast %add3A_531 : i32 to vector<16xi32>
      %add3A_533 = arith.addi %iota3A, %add3A_532 : vector<16xi32>
      %and3A_534 = arith.constant 31 : i32
      %and3A_535 = vector.broadcast %and3A_534 : i32 to vector<16xi32>
      %and3A_536 = arith.andi %add3A_533, %and3A_535 : vector<16xi32>
      %gather3A_537 = tpu.vector_load_idx %arg10[%gather3A, %and3A_536] : memref<8x32xf32, #tpu.memory_space<vmem>>[vector<16xi32>, vector<16xi32>], vector<16xf32>,
      tpu.vector_store_idx %arg15[%add3A_353, %and3A_536], %gather3A_537 : memref<128x64xf32, #tpu.memory_space<vmem>>[vector<16xi32>, vector<16xi32>], vector<16xf32>,
      %add3A_538 = arith.addi %mul3A_362, %and3A_536 : vector<16xi32>
      %gather3A_539 = tpu.vector_load_idx %arg13[%add3A_353, %add3A_538] : memref<128x128xf32, #tpu.memory_space<vmem>>[vector<16xi32>, vector<16xi32>], vector<16xf32>,
      %add3A_540 = arith.constant 32 : i32
      %add3A_541 = vector.broadcast %add3A_540 : i32 to vector<16xi32>
      %add3A_542 = arith.addi %and3A_536, %add3A_541 : vector<16xi32>
      tpu.vector_store_idx %arg15[%add3A_353, %add3A_542], %gather3A_539 : memref<128x64xf32, #tpu.memory_space<vmem>>[vector<16xi32>, vector<16xi32>], vector<16xf32>,
      %add3A_543 = arith.constant 15 : i32
      %add3A_544 = vector.broadcast %add3A_543 : i32 to vector<16xi32>
      %add3A_545 = arith.addi %iota3A, %add3A_544 : vector<16xi32>
      %and3A_546 = arith.constant 31 : i32
      %and3A_547 = vector.broadcast %and3A_546 : i32 to vector<16xi32>
      %and3A_548 = arith.andi %add3A_545, %and3A_547 : vector<16xi32>
      %gather3A_549 = tpu.vector_load_idx %arg10[%gather3A, %and3A_548] : memref<8x32xf32, #tpu.memory_space<vmem>>[vector<16xi32>, vector<16xi32>], vector<16xf32>,
      tpu.vector_store_idx %arg15[%add3A_353, %and3A_548], %gather3A_549 : memref<128x64xf32, #tpu.memory_space<vmem>>[vector<16xi32>, vector<16xi32>], vector<16xf32>,
      %add3A_550 = arith.addi %mul3A_362, %and3A_548 : vector<16xi32>
      %gather3A_551 = tpu.vector_load_idx %arg13[%add3A_353, %add3A_550] : memref<128x128xf32, #tpu.memory_space<vmem>>[vector<16xi32>, vector<16xi32>], vector<16xf32>,
      %add3A_552 = arith.constant 32 : i32
      %add3A_553 = vector.broadcast %add3A_552 : i32 to vector<16xi32>
      %add3A_554 = arith.addi %and3A_548, %add3A_553 : vector<16xi32>
      tpu.vector_store_idx %arg15[%add3A_353, %add3A_554], %gather3A_551 : memref<128x64xf32, #tpu.memory_space<vmem>>[vector<16xi32>, vector<16xi32>], vector<16xf32>,
      %add3A_555 = arith.constant 16 : i32
      %add3A_556 = vector.broadcast %add3A_555 : i32 to vector<16xi32>
      %add3A_557 = arith.addi %iota3A, %add3A_556 : vector<16xi32>
      %and3A_558 = arith.constant 31 : i32
      %and3A_559 = vector.broadcast %and3A_558 : i32 to vector<16xi32>
      %and3A_560 = arith.andi %add3A_557, %and3A_559 : vector<16xi32>
      %gather3A_561 = tpu.vector_load_idx %arg10[%gather3A, %and3A_560] : memref<8x32xf32, #tpu.memory_space<vmem>>[vector<16xi32>, vector<16xi32>], vector<16xf32>,
      tpu.vector_store_idx %arg15[%add3A_353, %and3A_560], %gather3A_561 : memref<128x64xf32, #tpu.memory_space<vmem>>[vector<16xi32>, vector<16xi32>], vector<16xf32>,
      %add3A_562 = arith.addi %mul3A_362, %and3A_560 : vector<16xi32>
      %gather3A_563 = tpu.vector_load_idx %arg13[%add3A_353, %add3A_562] : memref<128x128xf32, #tpu.memory_space<vmem>>[vector<16xi32>, vector<16xi32>], vector<16xf32>,
      %add3A_564 = arith.constant 32 : i32
      %add3A_565 = vector.broadcast %add3A_564 : i32 to vector<16xi32>
      %add3A_566 = arith.addi %and3A_560, %add3A_565 : vector<16xi32>
      tpu.vector_store_idx %arg15[%add3A_353, %add3A_566], %gather3A_563 : memref<128x64xf32, #tpu.memory_space<vmem>>[vector<16xi32>, vector<16xi32>], vector<16xf32>,
      %add3A_567 = arith.constant 17 : i32
      %add3A_568 = vector.broadcast %add3A_567 : i32 to vector<16xi32>
      %add3A_569 = arith.addi %iota3A, %add3A_568 : vector<16xi32>
      %and3A_570 = arith.constant 31 : i32
      %and3A_571 = vector.broadcast %and3A_570 : i32 to vector<16xi32>
      %and3A_572 = arith.andi %add3A_569, %and3A_571 : vector<16xi32>
      %gather3A_573 = tpu.vector_load_idx %arg10[%gather3A, %and3A_572] : memref<8x32xf32, #tpu.memory_space<vmem>>[vector<16xi32>, vector<16xi32>], vector<16xf32>,
      tpu.vector_store_idx %arg15[%add3A_353, %and3A_572], %gather3A_573 : memref<128x64xf32, #tpu.memory_space<vmem>>[vector<16xi32>, vector<16xi32>], vector<16xf32>,
      %add3A_574 = arith.addi %mul3A_362, %and3A_572 : vector<16xi32>
      %gather3A_575 = tpu.vector_load_idx %arg13[%add3A_353, %add3A_574] : memref<128x128xf32, #tpu.memory_space<vmem>>[vector<16xi32>, vector<16xi32>], vector<16xf32>,
      %add3A_576 = arith.constant 32 : i32
      %add3A_577 = vector.broadcast %add3A_576 : i32 to vector<16xi32>
      %add3A_578 = arith.addi %and3A_572, %add3A_577 : vector<16xi32>
      tpu.vector_store_idx %arg15[%add3A_353, %add3A_578], %gather3A_575 : memref<128x64xf32, #tpu.memory_space<vmem>>[vector<16xi32>, vector<16xi32>], vector<16xf32>,
      %add3A_579 = arith.constant 18 : i32
      %add3A_580 = vector.broadcast %add3A_579 : i32 to vector<16xi32>
      %add3A_581 = arith.addi %iota3A, %add3A_580 : vector<16xi32>
      %and3A_582 = arith.constant 31 : i32
      %and3A_583 = vector.broadcast %and3A_582 : i32 to vector<16xi32>
      %and3A_584 = arith.andi %add3A_581, %and3A_583 : vector<16xi32>
      %gather3A_585 = tpu.vector_load_idx %arg10[%gather3A, %and3A_584] : memref<8x32xf32, #tpu.memory_space<vmem>>[vector<16xi32>, vector<16xi32>], vector<16xf32>,
      tpu.vector_store_idx %arg15[%add3A_353, %and3A_584], %gather3A_585 : memref<128x64xf32, #tpu.memory_space<vmem>>[vector<16xi32>, vector<16xi32>], vector<16xf32>,
      %add3A_586 = arith.addi %mul3A_362, %and3A_584 : vector<16xi32>
      %gather3A_587 = tpu.vector_load_idx %arg13[%add3A_353, %add3A_586] : memref<128x128xf32, #tpu.memory_space<vmem>>[vector<16xi32>, vector<16xi32>], vector<16xf32>,
      %add3A_588 = arith.constant 32 : i32
      %add3A_589 = vector.broadcast %add3A_588 : i32 to vector<16xi32>
      %add3A_590 = arith.addi %and3A_584, %add3A_589 : vector<16xi32>
      tpu.vector_store_idx %arg15[%add3A_353, %add3A_590], %gather3A_587 : memref<128x64xf32, #tpu.memory_space<vmem>>[vector<16xi32>, vector<16xi32>], vector<16xf32>,
      %add3A_591 = arith.constant 19 : i32
      %add3A_592 = vector.broadcast %add3A_591 : i32 to vector<16xi32>
      %add3A_593 = arith.addi %iota3A, %add3A_592 : vector<16xi32>
      %and3A_594 = arith.constant 31 : i32
      %and3A_595 = vector.broadcast %and3A_594 : i32 to vector<16xi32>
      %and3A_596 = arith.andi %add3A_593, %and3A_595 : vector<16xi32>
      %gather3A_597 = tpu.vector_load_idx %arg10[%gather3A, %and3A_596] : memref<8x32xf32, #tpu.memory_space<vmem>>[vector<16xi32>, vector<16xi32>], vector<16xf32>,
      tpu.vector_store_idx %arg15[%add3A_353, %and3A_596], %gather3A_597 : memref<128x64xf32, #tpu.memory_space<vmem>>[vector<16xi32>, vector<16xi32>], vector<16xf32>,
      %add3A_598 = arith.addi %mul3A_362, %and3A_596 : vector<16xi32>
      %gather3A_599 = tpu.vector_load_idx %arg13[%add3A_353, %add3A_598] : memref<128x128xf32, #tpu.memory_space<vmem>>[vector<16xi32>, vector<16xi32>], vector<16xf32>,
      %add3A_600 = arith.constant 32 : i32
      %add3A_601 = vector.broadcast %add3A_600 : i32 to vector<16xi32>
      %add3A_602 = arith.addi %and3A_596, %add3A_601 : vector<16xi32>
      tpu.vector_store_idx %arg15[%add3A_353, %add3A_602], %gather3A_599 : memref<128x64xf32, #tpu.memory_space<vmem>>[vector<16xi32>, vector<16xi32>], vector<16xf32>,
      %add3A_603 = arith.constant 20 : i32
      %add3A_604 = vector.broadcast %add3A_603 : i32 to vector<16xi32>
      %add3A_605 = arith.addi %iota3A, %add3A_604 : vector<16xi32>
      %and3A_606 = arith.constant 31 : i32
      %and3A_607 = vector.broadcast %and3A_606 : i32 to vector<16xi32>
      %and3A_608 = arith.andi %add3A_605, %and3A_607 : vector<16xi32>
      %gather3A_609 = tpu.vector_load_idx %arg10[%gather3A, %and3A_608] : memref<8x32xf32, #tpu.memory_space<vmem>>[vector<16xi32>, vector<16xi32>], vector<16xf32>,
      tpu.vector_store_idx %arg15[%add3A_353, %and3A_608], %gather3A_609 : memref<128x64xf32, #tpu.memory_space<vmem>>[vector<16xi32>, vector<16xi32>], vector<16xf32>,
      %add3A_610 = arith.addi %mul3A_362, %and3A_608 : vector<16xi32>
      %gather3A_611 = tpu.vector_load_idx %arg13[%add3A_353, %add3A_610] : memref<128x128xf32, #tpu.memory_space<vmem>>[vector<16xi32>, vector<16xi32>], vector<16xf32>,
      %add3A_612 = arith.constant 32 : i32
      %add3A_613 = vector.broadcast %add3A_612 : i32 to vector<16xi32>
      %add3A_614 = arith.addi %and3A_608, %add3A_613 : vector<16xi32>
      tpu.vector_store_idx %arg15[%add3A_353, %add3A_614], %gather3A_611 : memref<128x64xf32, #tpu.memory_space<vmem>>[vector<16xi32>, vector<16xi32>], vector<16xf32>,
      %add3A_615 = arith.constant 21 : i32
      %add3A_616 = vector.broadcast %add3A_615 : i32 to vector<16xi32>
      %add3A_617 = arith.addi %iota3A, %add3A_616 : vector<16xi32>
      %and3A_618 = arith.constant 31 : i32
      %and3A_619 = vector.broadcast %and3A_618 : i32 to vector<16xi32>
      %and3A_620 = arith.andi %add3A_617, %and3A_619 : vector<16xi32>
      %gather3A_621 = tpu.vector_load_idx %arg10[%gather3A, %and3A_620] : memref<8x32xf32, #tpu.memory_space<vmem>>[vector<16xi32>, vector<16xi32>], vector<16xf32>,
      tpu.vector_store_idx %arg15[%add3A_353, %and3A_620], %gather3A_621 : memref<128x64xf32, #tpu.memory_space<vmem>>[vector<16xi32>, vector<16xi32>], vector<16xf32>,
      %add3A_622 = arith.addi %mul3A_362, %and3A_620 : vector<16xi32>
      %gather3A_623 = tpu.vector_load_idx %arg13[%add3A_353, %add3A_622] : memref<128x128xf32, #tpu.memory_space<vmem>>[vector<16xi32>, vector<16xi32>], vector<16xf32>,
      %add3A_624 = arith.constant 32 : i32
      %add3A_625 = vector.broadcast %add3A_624 : i32 to vector<16xi32>
      %add3A_626 = arith.addi %and3A_620, %add3A_625 : vector<16xi32>
      tpu.vector_store_idx %arg15[%add3A_353, %add3A_626], %gather3A_623 : memref<128x64xf32, #tpu.memory_space<vmem>>[vector<16xi32>, vector<16xi32>], vector<16xf32>,
      %add3A_627 = arith.constant 22 : i32
      %add3A_628 = vector.broadcast %add3A_627 : i32 to vector<16xi32>
      %add3A_629 = arith.addi %iota3A, %add3A_628 : vector<16xi32>
      %and3A_630 = arith.constant 31 : i32
      %and3A_631 = vector.broadcast %and3A_630 : i32 to vector<16xi32>
      %and3A_632 = arith.andi %add3A_629, %and3A_631 : vector<16xi32>
      %gather3A_633 = tpu.vector_load_idx %arg10[%gather3A, %and3A_632] : memref<8x32xf32, #tpu.memory_space<vmem>>[vector<16xi32>, vector<16xi32>], vector<16xf32>,
      tpu.vector_store_idx %arg15[%add3A_353, %and3A_632], %gather3A_633 : memref<128x64xf32, #tpu.memory_space<vmem>>[vector<16xi32>, vector<16xi32>], vector<16xf32>,
      %add3A_634 = arith.addi %mul3A_362, %and3A_632 : vector<16xi32>
      %gather3A_635 = tpu.vector_load_idx %arg13[%add3A_353, %add3A_634] : memref<128x128xf32, #tpu.memory_space<vmem>>[vector<16xi32>, vector<16xi32>], vector<16xf32>,
      %add3A_636 = arith.constant 32 : i32
      %add3A_637 = vector.broadcast %add3A_636 : i32 to vector<16xi32>
      %add3A_638 = arith.addi %and3A_632, %add3A_637 : vector<16xi32>
      tpu.vector_store_idx %arg15[%add3A_353, %add3A_638], %gather3A_635 : memref<128x64xf32, #tpu.memory_space<vmem>>[vector<16xi32>, vector<16xi32>], vector<16xf32>,
      %add3A_639 = arith.constant 23 : i32
      %add3A_640 = vector.broadcast %add3A_639 : i32 to vector<16xi32>
      %add3A_641 = arith.addi %iota3A, %add3A_640 : vector<16xi32>
      %and3A_642 = arith.constant 31 : i32
      %and3A_643 = vector.broadcast %and3A_642 : i32 to vector<16xi32>
      %and3A_644 = arith.andi %add3A_641, %and3A_643 : vector<16xi32>
      %gather3A_645 = tpu.vector_load_idx %arg10[%gather3A, %and3A_644] : memref<8x32xf32, #tpu.memory_space<vmem>>[vector<16xi32>, vector<16xi32>], vector<16xf32>,
      tpu.vector_store_idx %arg15[%add3A_353, %and3A_644], %gather3A_645 : memref<128x64xf32, #tpu.memory_space<vmem>>[vector<16xi32>, vector<16xi32>], vector<16xf32>,
      %add3A_646 = arith.addi %mul3A_362, %and3A_644 : vector<16xi32>
      %gather3A_647 = tpu.vector_load_idx %arg13[%add3A_353, %add3A_646] : memref<128x128xf32, #tpu.memory_space<vmem>>[vector<16xi32>, vector<16xi32>], vector<16xf32>,
      %add3A_648 = arith.constant 32 : i32
      %add3A_649 = vector.broadcast %add3A_648 : i32 to vector<16xi32>
      %add3A_650 = arith.addi %and3A_644, %add3A_649 : vector<16xi32>
      tpu.vector_store_idx %arg15[%add3A_353, %add3A_650], %gather3A_647 : memref<128x64xf32, #tpu.memory_space<vmem>>[vector<16xi32>, vector<16xi32>], vector<16xf32>,
      %add3A_651 = arith.constant 24 : i32
      %add3A_652 = vector.broadcast %add3A_651 : i32 to vector<16xi32>
      %add3A_653 = arith.addi %iota3A, %add3A_652 : vector<16xi32>
      %and3A_654 = arith.constant 31 : i32
      %and3A_655 = vector.broadcast %and3A_654 : i32 to vector<16xi32>
      %and3A_656 = arith.andi %add3A_653, %and3A_655 : vector<16xi32>
      %gather3A_657 = tpu.vector_load_idx %arg10[%gather3A, %and3A_656] : memref<8x32xf32, #tpu.memory_space<vmem>>[vector<16xi32>, vector<16xi32>], vector<16xf32>,
      tpu.vector_store_idx %arg15[%add3A_353, %and3A_656], %gather3A_657 : memref<128x64xf32, #tpu.memory_space<vmem>>[vector<16xi32>, vector<16xi32>], vector<16xf32>,
      %add3A_658 = arith.addi %mul3A_362, %and3A_656 : vector<16xi32>
      %gather3A_659 = tpu.vector_load_idx %arg13[%add3A_353, %add3A_658] : memref<128x128xf32, #tpu.memory_space<vmem>>[vector<16xi32>, vector<16xi32>], vector<16xf32>,
      %add3A_660 = arith.constant 32 : i32
      %add3A_661 = vector.broadcast %add3A_660 : i32 to vector<16xi32>
      %add3A_662 = arith.addi %and3A_656, %add3A_661 : vector<16xi32>
      tpu.vector_store_idx %arg15[%add3A_353, %add3A_662], %gather3A_659 : memref<128x64xf32, #tpu.memory_space<vmem>>[vector<16xi32>, vector<16xi32>], vector<16xf32>,
      %add3A_663 = arith.constant 25 : i32
      %add3A_664 = vector.broadcast %add3A_663 : i32 to vector<16xi32>
      %add3A_665 = arith.addi %iota3A, %add3A_664 : vector<16xi32>
      %and3A_666 = arith.constant 31 : i32
      %and3A_667 = vector.broadcast %and3A_666 : i32 to vector<16xi32>
      %and3A_668 = arith.andi %add3A_665, %and3A_667 : vector<16xi32>
      %gather3A_669 = tpu.vector_load_idx %arg10[%gather3A, %and3A_668] : memref<8x32xf32, #tpu.memory_space<vmem>>[vector<16xi32>, vector<16xi32>], vector<16xf32>,
      tpu.vector_store_idx %arg15[%add3A_353, %and3A_668], %gather3A_669 : memref<128x64xf32, #tpu.memory_space<vmem>>[vector<16xi32>, vector<16xi32>], vector<16xf32>,
      %add3A_670 = arith.addi %mul3A_362, %and3A_668 : vector<16xi32>
      %gather3A_671 = tpu.vector_load_idx %arg13[%add3A_353, %add3A_670] : memref<128x128xf32, #tpu.memory_space<vmem>>[vector<16xi32>, vector<16xi32>], vector<16xf32>,
      %add3A_672 = arith.constant 32 : i32
      %add3A_673 = vector.broadcast %add3A_672 : i32 to vector<16xi32>
      %add3A_674 = arith.addi %and3A_668, %add3A_673 : vector<16xi32>
      tpu.vector_store_idx %arg15[%add3A_353, %add3A_674], %gather3A_671 : memref<128x64xf32, #tpu.memory_space<vmem>>[vector<16xi32>, vector<16xi32>], vector<16xf32>,
      %add3A_675 = arith.constant 26 : i32
      %add3A_676 = vector.broadcast %add3A_675 : i32 to vector<16xi32>
      %add3A_677 = arith.addi %iota3A, %add3A_676 : vector<16xi32>
      %and3A_678 = arith.constant 31 : i32
      %and3A_679 = vector.broadcast %and3A_678 : i32 to vector<16xi32>
      %and3A_680 = arith.andi %add3A_677, %and3A_679 : vector<16xi32>
      %gather3A_681 = tpu.vector_load_idx %arg10[%gather3A, %and3A_680] : memref<8x32xf32, #tpu.memory_space<vmem>>[vector<16xi32>, vector<16xi32>], vector<16xf32>,
      tpu.vector_store_idx %arg15[%add3A_353, %and3A_680], %gather3A_681 : memref<128x64xf32, #tpu.memory_space<vmem>>[vector<16xi32>, vector<16xi32>], vector<16xf32>,
      %add3A_682 = arith.addi %mul3A_362, %and3A_680 : vector<16xi32>
      %gather3A_683 = tpu.vector_load_idx %arg13[%add3A_353, %add3A_682] : memref<128x128xf32, #tpu.memory_space<vmem>>[vector<16xi32>, vector<16xi32>], vector<16xf32>,
      %add3A_684 = arith.constant 32 : i32
      %add3A_685 = vector.broadcast %add3A_684 : i32 to vector<16xi32>
      %add3A_686 = arith.addi %and3A_680, %add3A_685 : vector<16xi32>
      tpu.vector_store_idx %arg15[%add3A_353, %add3A_686], %gather3A_683 : memref<128x64xf32, #tpu.memory_space<vmem>>[vector<16xi32>, vector<16xi32>], vector<16xf32>,
      %add3A_687 = arith.constant 27 : i32
      %add3A_688 = vector.broadcast %add3A_687 : i32 to vector<16xi32>
      %add3A_689 = arith.addi %iota3A, %add3A_688 : vector<16xi32>
      %and3A_690 = arith.constant 31 : i32
      %and3A_691 = vector.broadcast %and3A_690 : i32 to vector<16xi32>
      %and3A_692 = arith.andi %add3A_689, %and3A_691 : vector<16xi32>
      %gather3A_693 = tpu.vector_load_idx %arg10[%gather3A, %and3A_692] : memref<8x32xf32, #tpu.memory_space<vmem>>[vector<16xi32>, vector<16xi32>], vector<16xf32>,
      tpu.vector_store_idx %arg15[%add3A_353, %and3A_692], %gather3A_693 : memref<128x64xf32, #tpu.memory_space<vmem>>[vector<16xi32>, vector<16xi32>], vector<16xf32>,
      %add3A_694 = arith.addi %mul3A_362, %and3A_692 : vector<16xi32>
      %gather3A_695 = tpu.vector_load_idx %arg13[%add3A_353, %add3A_694] : memref<128x128xf32, #tpu.memory_space<vmem>>[vector<16xi32>, vector<16xi32>], vector<16xf32>,
      %add3A_696 = arith.constant 32 : i32
      %add3A_697 = vector.broadcast %add3A_696 : i32 to vector<16xi32>
      %add3A_698 = arith.addi %and3A_692, %add3A_697 : vector<16xi32>
      tpu.vector_store_idx %arg15[%add3A_353, %add3A_698], %gather3A_695 : memref<128x64xf32, #tpu.memory_space<vmem>>[vector<16xi32>, vector<16xi32>], vector<16xf32>,
      %add3A_699 = arith.constant 28 : i32
      %add3A_700 = vector.broadcast %add3A_699 : i32 to vector<16xi32>
      %add3A_701 = arith.addi %iota3A, %add3A_700 : vector<16xi32>
      %and3A_702 = arith.constant 31 : i32
      %and3A_703 = vector.broadcast %and3A_702 : i32 to vector<16xi32>
      %and3A_704 = arith.andi %add3A_701, %and3A_703 : vector<16xi32>
      %gather3A_705 = tpu.vector_load_idx %arg10[%gather3A, %and3A_704] : memref<8x32xf32, #tpu.memory_space<vmem>>[vector<16xi32>, vector<16xi32>], vector<16xf32>,
      tpu.vector_store_idx %arg15[%add3A_353, %and3A_704], %gather3A_705 : memref<128x64xf32, #tpu.memory_space<vmem>>[vector<16xi32>, vector<16xi32>], vector<16xf32>,
      %add3A_706 = arith.addi %mul3A_362, %and3A_704 : vector<16xi32>
      %gather3A_707 = tpu.vector_load_idx %arg13[%add3A_353, %add3A_706] : memref<128x128xf32, #tpu.memory_space<vmem>>[vector<16xi32>, vector<16xi32>], vector<16xf32>,
      %add3A_708 = arith.constant 32 : i32
      %add3A_709 = vector.broadcast %add3A_708 : i32 to vector<16xi32>
      %add3A_710 = arith.addi %and3A_704, %add3A_709 : vector<16xi32>
      tpu.vector_store_idx %arg15[%add3A_353, %add3A_710], %gather3A_707 : memref<128x64xf32, #tpu.memory_space<vmem>>[vector<16xi32>, vector<16xi32>], vector<16xf32>,
      %add3A_711 = arith.constant 29 : i32
      %add3A_712 = vector.broadcast %add3A_711 : i32 to vector<16xi32>
      %add3A_713 = arith.addi %iota3A, %add3A_712 : vector<16xi32>
      %and3A_714 = arith.constant 31 : i32
      %and3A_715 = vector.broadcast %and3A_714 : i32 to vector<16xi32>
      %and3A_716 = arith.andi %add3A_713, %and3A_715 : vector<16xi32>
      %gather3A_717 = tpu.vector_load_idx %arg10[%gather3A, %and3A_716] : memref<8x32xf32, #tpu.memory_space<vmem>>[vector<16xi32>, vector<16xi32>], vector<16xf32>,
      tpu.vector_store_idx %arg15[%add3A_353, %and3A_716], %gather3A_717 : memref<128x64xf32, #tpu.memory_space<vmem>>[vector<16xi32>, vector<16xi32>], vector<16xf32>,
      %add3A_718 = arith.addi %mul3A_362, %and3A_716 : vector<16xi32>
      %gather3A_719 = tpu.vector_load_idx %arg13[%add3A_353, %add3A_718] : memref<128x128xf32, #tpu.memory_space<vmem>>[vector<16xi32>, vector<16xi32>], vector<16xf32>,
      %add3A_720 = arith.constant 32 : i32
      %add3A_721 = vector.broadcast %add3A_720 : i32 to vector<16xi32>
      %add3A_722 = arith.addi %and3A_716, %add3A_721 : vector<16xi32>
      tpu.vector_store_idx %arg15[%add3A_353, %add3A_722], %gather3A_719 : memref<128x64xf32, #tpu.memory_space<vmem>>[vector<16xi32>, vector<16xi32>], vector<16xf32>,
      %add3A_723 = arith.constant 30 : i32
      %add3A_724 = vector.broadcast %add3A_723 : i32 to vector<16xi32>
      %add3A_725 = arith.addi %iota3A, %add3A_724 : vector<16xi32>
      %and3A_726 = arith.constant 31 : i32
      %and3A_727 = vector.broadcast %and3A_726 : i32 to vector<16xi32>
      %and3A_728 = arith.andi %add3A_725, %and3A_727 : vector<16xi32>
      %gather3A_729 = tpu.vector_load_idx %arg10[%gather3A, %and3A_728] : memref<8x32xf32, #tpu.memory_space<vmem>>[vector<16xi32>, vector<16xi32>], vector<16xf32>,
      tpu.vector_store_idx %arg15[%add3A_353, %and3A_728], %gather3A_729 : memref<128x64xf32, #tpu.memory_space<vmem>>[vector<16xi32>, vector<16xi32>], vector<16xf32>,
      %add3A_730 = arith.addi %mul3A_362, %and3A_728 : vector<16xi32>
      %gather3A_731 = tpu.vector_load_idx %arg13[%add3A_353, %add3A_730] : memref<128x128xf32, #tpu.memory_space<vmem>>[vector<16xi32>, vector<16xi32>], vector<16xf32>,
      %add3A_732 = arith.constant 32 : i32
      %add3A_733 = vector.broadcast %add3A_732 : i32 to vector<16xi32>
      %add3A_734 = arith.addi %and3A_728, %add3A_733 : vector<16xi32>
      tpu.vector_store_idx %arg15[%add3A_353, %add3A_734], %gather3A_731 : memref<128x64xf32, #tpu.memory_space<vmem>>[vector<16xi32>, vector<16xi32>], vector<16xf32>,
      %add3A_735 = arith.constant 31 : i32
      %add3A_736 = vector.broadcast %add3A_735 : i32 to vector<16xi32>
      %add3A_737 = arith.addi %iota3A, %add3A_736 : vector<16xi32>
      %and3A_738 = arith.constant 31 : i32
      %and3A_739 = vector.broadcast %and3A_738 : i32 to vector<16xi32>
      %and3A_740 = arith.andi %add3A_737, %and3A_739 : vector<16xi32>
      %gather3A_741 = tpu.vector_load_idx %arg10[%gather3A, %and3A_740] : memref<8x32xf32, #tpu.memory_space<vmem>>[vector<16xi32>, vector<16xi32>], vector<16xf32>,
      tpu.vector_store_idx %arg15[%add3A_353, %and3A_740], %gather3A_741 : memref<128x64xf32, #tpu.memory_space<vmem>>[vector<16xi32>, vector<16xi32>], vector<16xf32>,
      %add3A_742 = arith.addi %mul3A_362, %and3A_740 : vector<16xi32>
      %gather3A_743 = tpu.vector_load_idx %arg13[%add3A_353, %add3A_742] : memref<128x128xf32, #tpu.memory_space<vmem>>[vector<16xi32>, vector<16xi32>], vector<16xf32>,
      %add3A_744 = arith.constant 32 : i32
      %add3A_745 = vector.broadcast %add3A_744 : i32 to vector<16xi32>
      %add3A_746 = arith.addi %and3A_740, %add3A_745 : vector<16xi32>
      tpu.vector_store_idx %arg15[%add3A_353, %add3A_746], %gather3A_743 : memref<128x64xf32, #tpu.memory_space<vmem>>[vector<16xi32>, vector<16xi32>], vector<16xf32>,
    }
    %scan3A_310 = arith.constant 8 : i32
    %add3A_311 = arith.constant 256 : i32
    %add3A_312 = arith.addi %mul3A_2, %add3A_311 : i32
    %dma_start3A_313 = arith.constant 0 : i32
    %dma_start3A_314 = tpu.memref_slice %arg6[%add3A_312, %dma_start3A_313] : memref<16384x64xf32, #tpu.memory_space<hbm>> -> memref<128x64xf32, #tpu.memory_space<hbm>>
    %dma_start3A_315 = arith.constant 0 : i32
    %dma_start3A_316 = tpu.memref_slice %arg6[%add3A_312, %dma_start3A_315] : memref<16384x64xf32, #tpu.memory_space<hbm>> -> memref<128x64xf32, #tpu.memory_space<hbm>>
    tpu.enqueue_dma source(%arg15 : memref<128x64xf32, #tpu.memory_space<vmem>>) target(%dma_start3A_316 : memref<128x64xf32, #tpu.memory_space<hbm>>) target_semaphore(%arg21 : memref<!tpu.dma_semaphore, #tpu.memory_space<semaphore_mem>>)
    %dma_wait3A_317 = arith.constant 0 : i32
    %dma_wait3A_318 = arith.constant 0 : i32
    %dma_wait3A_319 = tpu.memref_slice %arg14[%dma_wait3A_317, %dma_wait3A_318] : memref<128x128xf32, #tpu.memory_space<vmem>> -> memref<128x128xf32, #tpu.memory_space<vmem>>
    %dma_wait3A_320 = arith.constant 384 : i32
    %dma_wait3A_321 = tpu.memref_slice %arg9[%dma_wait3A_320] : memref<512xi32, #tpu.memory_space<vmem>> -> memref<128xi32, #tpu.memory_space<vmem>>
    %dma_wait3A_322 = arith.constant 0 : i32
    %dma_wait3A_323 = arith.constant 0 : i32
    %dma_wait3A_324 = tpu.memref_slice %arg5[%dma_wait3A_322, %dma_wait3A_323] : memref<25000x128xf32, #tpu.memory_space<hbm>> -> memref<25000x128xf32, #tpu.memory_space<hbm>>
    tpu.wait_indirect_dma semaphore(%arg20 : memref<!tpu.dma_semaphore, #tpu.memory_space<semaphore_mem>>) src(%dma_wait3A_324 : memref<25000x128xf32, #tpu.memory_space<hbm>>) dst(%dma_wait3A_319 : memref<128x128xf32, #tpu.memory_space<vmem>>)
    %dma_wait3A_325 = arith.constant 0 : i32
    %dma_wait3A_326 = tpu.memref_slice %arg6[%add3A_288, %dma_wait3A_325] : memref<16384x64xf32, #tpu.memory_space<hbm>> -> memref<128x64xf32, #tpu.memory_space<hbm>>
    %dma_wait3A_327 = arith.constant 0 : i32
    %dma_wait3A_328 = tpu.memref_slice %arg6[%add3A_288, %dma_wait3A_327] : memref<16384x64xf32, #tpu.memory_space<hbm>> -> memref<128x64xf32, #tpu.memory_space<hbm>>
    tpu.wait_dma2 semaphore(%arg22 : memref<!tpu.dma_semaphore, #tpu.memory_space<semaphore_mem>>) src(%arg16 : memref<128x64xf32, #tpu.memory_space<vmem>>) dst(%dma_wait3A_328 : memref<128x64xf32, #tpu.memory_space<hbm>>)
    %scan3A_329 = arith.constant 0 : i32
    %scan3A_330 = arith.constant 0 : i32
    %scan3A_331 = arith.constant 8 : i32
    %scan3A_332 = arith.addi %scan3A_330, %scan3A_331 : i32
    %scan3A_333 = arith.constant 1 : i32
    scf.for %scan3A_349 = %scan3A_330 to %scan3A_332 step %scan3A_333  : i32 {
      %mul3A_350 = arith.constant 16 : i32
      %mul3A_351 = arith.muli %scan3A_349, %mul3A_350 : i32
      %add3A_352 = vector.broadcast %mul3A_351 : i32 to vector<16xi32>
      %add3A_353 = arith.addi %add3A_352, %iota3A : vector<16xi32>
      %add3A_354 = arith.constant 384 : i32
      %add3A_355 = vector.broadcast %add3A_354 : i32 to vector<16xi32>
      %add3A_356 = arith.addi %add3A_355, %add3A_353 : vector<16xi32>
      %gather3A = tpu.vector_load_idx %arg7[%add3A_356] : memref<512xi32, #tpu.memory_space<vmem>>[vector<16xi32>], vector<16xi32>,
      %gather3A_357 = tpu.vector_load_idx %arg8[%add3A_356] : memref<512xi32, #tpu.memory_space<vmem>>[vector<16xi32>], vector<16xi32>,
      %and3A = arith.constant 3 : i32
      %and3A_358 = vector.broadcast %and3A : i32 to vector<16xi32>
      %and3A_359 = arith.andi %gather3A_357, %and3A_358 : vector<16xi32>
      %mul3A_360 = arith.constant 32 : i32
      %mul3A_361 = vector.broadcast %mul3A_360 : i32 to vector<16xi32>
      %mul3A_362 = arith.muli %and3A_359, %mul3A_361 : vector<16xi32>
      %add3A_363 = arith.constant 0 : i32
      %add3A_364 = vector.broadcast %add3A_363 : i32 to vector<16xi32>
      %add3A_365 = arith.addi %iota3A, %add3A_364 : vector<16xi32>
      %and3A_366 = arith.constant 31 : i32
      %and3A_367 = vector.broadcast %and3A_366 : i32 to vector<16xi32>
      %and3A_368 = arith.andi %add3A_365, %and3A_367 : vector<16xi32>
      %gather3A_369 = tpu.vector_load_idx %arg10[%gather3A, %and3A_368] : memref<8x32xf32, #tpu.memory_space<vmem>>[vector<16xi32>, vector<16xi32>], vector<16xf32>,
      tpu.vector_store_idx %arg16[%add3A_353, %and3A_368], %gather3A_369 : memref<128x64xf32, #tpu.memory_space<vmem>>[vector<16xi32>, vector<16xi32>], vector<16xf32>,
      %add3A_370 = arith.addi %mul3A_362, %and3A_368 : vector<16xi32>
      %gather3A_371 = tpu.vector_load_idx %arg14[%add3A_353, %add3A_370] : memref<128x128xf32, #tpu.memory_space<vmem>>[vector<16xi32>, vector<16xi32>], vector<16xf32>,
      %add3A_372 = arith.constant 32 : i32
      %add3A_373 = vector.broadcast %add3A_372 : i32 to vector<16xi32>
      %add3A_374 = arith.addi %and3A_368, %add3A_373 : vector<16xi32>
      tpu.vector_store_idx %arg16[%add3A_353, %add3A_374], %gather3A_371 : memref<128x64xf32, #tpu.memory_space<vmem>>[vector<16xi32>, vector<16xi32>], vector<16xf32>,
      %add3A_375 = arith.constant 1 : i32
      %add3A_376 = vector.broadcast %add3A_375 : i32 to vector<16xi32>
      %add3A_377 = arith.addi %iota3A, %add3A_376 : vector<16xi32>
      %and3A_378 = arith.constant 31 : i32
      %and3A_379 = vector.broadcast %and3A_378 : i32 to vector<16xi32>
      %and3A_380 = arith.andi %add3A_377, %and3A_379 : vector<16xi32>
      %gather3A_381 = tpu.vector_load_idx %arg10[%gather3A, %and3A_380] : memref<8x32xf32, #tpu.memory_space<vmem>>[vector<16xi32>, vector<16xi32>], vector<16xf32>,
      tpu.vector_store_idx %arg16[%add3A_353, %and3A_380], %gather3A_381 : memref<128x64xf32, #tpu.memory_space<vmem>>[vector<16xi32>, vector<16xi32>], vector<16xf32>,
      %add3A_382 = arith.addi %mul3A_362, %and3A_380 : vector<16xi32>
      %gather3A_383 = tpu.vector_load_idx %arg14[%add3A_353, %add3A_382] : memref<128x128xf32, #tpu.memory_space<vmem>>[vector<16xi32>, vector<16xi32>], vector<16xf32>,
      %add3A_384 = arith.constant 32 : i32
      %add3A_385 = vector.broadcast %add3A_384 : i32 to vector<16xi32>
      %add3A_386 = arith.addi %and3A_380, %add3A_385 : vector<16xi32>
      tpu.vector_store_idx %arg16[%add3A_353, %add3A_386], %gather3A_383 : memref<128x64xf32, #tpu.memory_space<vmem>>[vector<16xi32>, vector<16xi32>], vector<16xf32>,
      %add3A_387 = arith.constant 2 : i32
      %add3A_388 = vector.broadcast %add3A_387 : i32 to vector<16xi32>
      %add3A_389 = arith.addi %iota3A, %add3A_388 : vector<16xi32>
      %and3A_390 = arith.constant 31 : i32
      %and3A_391 = vector.broadcast %and3A_390 : i32 to vector<16xi32>
      %and3A_392 = arith.andi %add3A_389, %and3A_391 : vector<16xi32>
      %gather3A_393 = tpu.vector_load_idx %arg10[%gather3A, %and3A_392] : memref<8x32xf32, #tpu.memory_space<vmem>>[vector<16xi32>, vector<16xi32>], vector<16xf32>,
      tpu.vector_store_idx %arg16[%add3A_353, %and3A_392], %gather3A_393 : memref<128x64xf32, #tpu.memory_space<vmem>>[vector<16xi32>, vector<16xi32>], vector<16xf32>,
      %add3A_394 = arith.addi %mul3A_362, %and3A_392 : vector<16xi32>
      %gather3A_395 = tpu.vector_load_idx %arg14[%add3A_353, %add3A_394] : memref<128x128xf32, #tpu.memory_space<vmem>>[vector<16xi32>, vector<16xi32>], vector<16xf32>,
      %add3A_396 = arith.constant 32 : i32
      %add3A_397 = vector.broadcast %add3A_396 : i32 to vector<16xi32>
      %add3A_398 = arith.addi %and3A_392, %add3A_397 : vector<16xi32>
      tpu.vector_store_idx %arg16[%add3A_353, %add3A_398], %gather3A_395 : memref<128x64xf32, #tpu.memory_space<vmem>>[vector<16xi32>, vector<16xi32>], vector<16xf32>,
      %add3A_399 = arith.constant 3 : i32
      %add3A_400 = vector.broadcast %add3A_399 : i32 to vector<16xi32>
      %add3A_401 = arith.addi %iota3A, %add3A_400 : vector<16xi32>
      %and3A_402 = arith.constant 31 : i32
      %and3A_403 = vector.broadcast %and3A_402 : i32 to vector<16xi32>
      %and3A_404 = arith.andi %add3A_401, %and3A_403 : vector<16xi32>
      %gather3A_405 = tpu.vector_load_idx %arg10[%gather3A, %and3A_404] : memref<8x32xf32, #tpu.memory_space<vmem>>[vector<16xi32>, vector<16xi32>], vector<16xf32>,
      tpu.vector_store_idx %arg16[%add3A_353, %and3A_404], %gather3A_405 : memref<128x64xf32, #tpu.memory_space<vmem>>[vector<16xi32>, vector<16xi32>], vector<16xf32>,
      %add3A_406 = arith.addi %mul3A_362, %and3A_404 : vector<16xi32>
      %gather3A_407 = tpu.vector_load_idx %arg14[%add3A_353, %add3A_406] : memref<128x128xf32, #tpu.memory_space<vmem>>[vector<16xi32>, vector<16xi32>], vector<16xf32>,
      %add3A_408 = arith.constant 32 : i32
      %add3A_409 = vector.broadcast %add3A_408 : i32 to vector<16xi32>
      %add3A_410 = arith.addi %and3A_404, %add3A_409 : vector<16xi32>
      tpu.vector_store_idx %arg16[%add3A_353, %add3A_410], %gather3A_407 : memref<128x64xf32, #tpu.memory_space<vmem>>[vector<16xi32>, vector<16xi32>], vector<16xf32>,
      %add3A_411 = arith.constant 4 : i32
      %add3A_412 = vector.broadcast %add3A_411 : i32 to vector<16xi32>
      %add3A_413 = arith.addi %iota3A, %add3A_412 : vector<16xi32>
      %and3A_414 = arith.constant 31 : i32
      %and3A_415 = vector.broadcast %and3A_414 : i32 to vector<16xi32>
      %and3A_416 = arith.andi %add3A_413, %and3A_415 : vector<16xi32>
      %gather3A_417 = tpu.vector_load_idx %arg10[%gather3A, %and3A_416] : memref<8x32xf32, #tpu.memory_space<vmem>>[vector<16xi32>, vector<16xi32>], vector<16xf32>,
      tpu.vector_store_idx %arg16[%add3A_353, %and3A_416], %gather3A_417 : memref<128x64xf32, #tpu.memory_space<vmem>>[vector<16xi32>, vector<16xi32>], vector<16xf32>,
      %add3A_418 = arith.addi %mul3A_362, %and3A_416 : vector<16xi32>
      %gather3A_419 = tpu.vector_load_idx %arg14[%add3A_353, %add3A_418] : memref<128x128xf32, #tpu.memory_space<vmem>>[vector<16xi32>, vector<16xi32>], vector<16xf32>,
      %add3A_420 = arith.constant 32 : i32
      %add3A_421 = vector.broadcast %add3A_420 : i32 to vector<16xi32>
      %add3A_422 = arith.addi %and3A_416, %add3A_421 : vector<16xi32>
      tpu.vector_store_idx %arg16[%add3A_353, %add3A_422], %gather3A_419 : memref<128x64xf32, #tpu.memory_space<vmem>>[vector<16xi32>, vector<16xi32>], vector<16xf32>,
      %add3A_423 = arith.constant 5 : i32
      %add3A_424 = vector.broadcast %add3A_423 : i32 to vector<16xi32>
      %add3A_425 = arith.addi %iota3A, %add3A_424 : vector<16xi32>
      %and3A_426 = arith.constant 31 : i32
      %and3A_427 = vector.broadcast %and3A_426 : i32 to vector<16xi32>
      %and3A_428 = arith.andi %add3A_425, %and3A_427 : vector<16xi32>
      %gather3A_429 = tpu.vector_load_idx %arg10[%gather3A, %and3A_428] : memref<8x32xf32, #tpu.memory_space<vmem>>[vector<16xi32>, vector<16xi32>], vector<16xf32>,
      tpu.vector_store_idx %arg16[%add3A_353, %and3A_428], %gather3A_429 : memref<128x64xf32, #tpu.memory_space<vmem>>[vector<16xi32>, vector<16xi32>], vector<16xf32>,
      %add3A_430 = arith.addi %mul3A_362, %and3A_428 : vector<16xi32>
      %gather3A_431 = tpu.vector_load_idx %arg14[%add3A_353, %add3A_430] : memref<128x128xf32, #tpu.memory_space<vmem>>[vector<16xi32>, vector<16xi32>], vector<16xf32>,
      %add3A_432 = arith.constant 32 : i32
      %add3A_433 = vector.broadcast %add3A_432 : i32 to vector<16xi32>
      %add3A_434 = arith.addi %and3A_428, %add3A_433 : vector<16xi32>
      tpu.vector_store_idx %arg16[%add3A_353, %add3A_434], %gather3A_431 : memref<128x64xf32, #tpu.memory_space<vmem>>[vector<16xi32>, vector<16xi32>], vector<16xf32>,
      %add3A_435 = arith.constant 6 : i32
      %add3A_436 = vector.broadcast %add3A_435 : i32 to vector<16xi32>
      %add3A_437 = arith.addi %iota3A, %add3A_436 : vector<16xi32>
      %and3A_438 = arith.constant 31 : i32
      %and3A_439 = vector.broadcast %and3A_438 : i32 to vector<16xi32>
      %and3A_440 = arith.andi %add3A_437, %and3A_439 : vector<16xi32>
      %gather3A_441 = tpu.vector_load_idx %arg10[%gather3A, %and3A_440] : memref<8x32xf32, #tpu.memory_space<vmem>>[vector<16xi32>, vector<16xi32>], vector<16xf32>,
      tpu.vector_store_idx %arg16[%add3A_353, %and3A_440], %gather3A_441 : memref<128x64xf32, #tpu.memory_space<vmem>>[vector<16xi32>, vector<16xi32>], vector<16xf32>,
      %add3A_442 = arith.addi %mul3A_362, %and3A_440 : vector<16xi32>
      %gather3A_443 = tpu.vector_load_idx %arg14[%add3A_353, %add3A_442] : memref<128x128xf32, #tpu.memory_space<vmem>>[vector<16xi32>, vector<16xi32>], vector<16xf32>,
      %add3A_444 = arith.constant 32 : i32
      %add3A_445 = vector.broadcast %add3A_444 : i32 to vector<16xi32>
      %add3A_446 = arith.addi %and3A_440, %add3A_445 : vector<16xi32>
      tpu.vector_store_idx %arg16[%add3A_353, %add3A_446], %gather3A_443 : memref<128x64xf32, #tpu.memory_space<vmem>>[vector<16xi32>, vector<16xi32>], vector<16xf32>,
      %add3A_447 = arith.constant 7 : i32
      %add3A_448 = vector.broadcast %add3A_447 : i32 to vector<16xi32>
      %add3A_449 = arith.addi %iota3A, %add3A_448 : vector<16xi32>
      %and3A_450 = arith.constant 31 : i32
      %and3A_451 = vector.broadcast %and3A_450 : i32 to vector<16xi32>
      %and3A_452 = arith.andi %add3A_449, %and3A_451 : vector<16xi32>
      %gather3A_453 = tpu.vector_load_idx %arg10[%gather3A, %and3A_452] : memref<8x32xf32, #tpu.memory_space<vmem>>[vector<16xi32>, vector<16xi32>], vector<16xf32>,
      tpu.vector_store_idx %arg16[%add3A_353, %and3A_452], %gather3A_453 : memref<128x64xf32, #tpu.memory_space<vmem>>[vector<16xi32>, vector<16xi32>], vector<16xf32>,
      %add3A_454 = arith.addi %mul3A_362, %and3A_452 : vector<16xi32>
      %gather3A_455 = tpu.vector_load_idx %arg14[%add3A_353, %add3A_454] : memref<128x128xf32, #tpu.memory_space<vmem>>[vector<16xi32>, vector<16xi32>], vector<16xf32>,
      %add3A_456 = arith.constant 32 : i32
      %add3A_457 = vector.broadcast %add3A_456 : i32 to vector<16xi32>
      %add3A_458 = arith.addi %and3A_452, %add3A_457 : vector<16xi32>
      tpu.vector_store_idx %arg16[%add3A_353, %add3A_458], %gather3A_455 : memref<128x64xf32, #tpu.memory_space<vmem>>[vector<16xi32>, vector<16xi32>], vector<16xf32>,
      %add3A_459 = arith.constant 8 : i32
      %add3A_460 = vector.broadcast %add3A_459 : i32 to vector<16xi32>
      %add3A_461 = arith.addi %iota3A, %add3A_460 : vector<16xi32>
      %and3A_462 = arith.constant 31 : i32
      %and3A_463 = vector.broadcast %and3A_462 : i32 to vector<16xi32>
      %and3A_464 = arith.andi %add3A_461, %and3A_463 : vector<16xi32>
      %gather3A_465 = tpu.vector_load_idx %arg10[%gather3A, %and3A_464] : memref<8x32xf32, #tpu.memory_space<vmem>>[vector<16xi32>, vector<16xi32>], vector<16xf32>,
      tpu.vector_store_idx %arg16[%add3A_353, %and3A_464], %gather3A_465 : memref<128x64xf32, #tpu.memory_space<vmem>>[vector<16xi32>, vector<16xi32>], vector<16xf32>,
      %add3A_466 = arith.addi %mul3A_362, %and3A_464 : vector<16xi32>
      %gather3A_467 = tpu.vector_load_idx %arg14[%add3A_353, %add3A_466] : memref<128x128xf32, #tpu.memory_space<vmem>>[vector<16xi32>, vector<16xi32>], vector<16xf32>,
      %add3A_468 = arith.constant 32 : i32
      %add3A_469 = vector.broadcast %add3A_468 : i32 to vector<16xi32>
      %add3A_470 = arith.addi %and3A_464, %add3A_469 : vector<16xi32>
      tpu.vector_store_idx %arg16[%add3A_353, %add3A_470], %gather3A_467 : memref<128x64xf32, #tpu.memory_space<vmem>>[vector<16xi32>, vector<16xi32>], vector<16xf32>,
      %add3A_471 = arith.constant 9 : i32
      %add3A_472 = vector.broadcast %add3A_471 : i32 to vector<16xi32>
      %add3A_473 = arith.addi %iota3A, %add3A_472 : vector<16xi32>
      %and3A_474 = arith.constant 31 : i32
      %and3A_475 = vector.broadcast %and3A_474 : i32 to vector<16xi32>
      %and3A_476 = arith.andi %add3A_473, %and3A_475 : vector<16xi32>
      %gather3A_477 = tpu.vector_load_idx %arg10[%gather3A, %and3A_476] : memref<8x32xf32, #tpu.memory_space<vmem>>[vector<16xi32>, vector<16xi32>], vector<16xf32>,
      tpu.vector_store_idx %arg16[%add3A_353, %and3A_476], %gather3A_477 : memref<128x64xf32, #tpu.memory_space<vmem>>[vector<16xi32>, vector<16xi32>], vector<16xf32>,
      %add3A_478 = arith.addi %mul3A_362, %and3A_476 : vector<16xi32>
      %gather3A_479 = tpu.vector_load_idx %arg14[%add3A_353, %add3A_478] : memref<128x128xf32, #tpu.memory_space<vmem>>[vector<16xi32>, vector<16xi32>], vector<16xf32>,
      %add3A_480 = arith.constant 32 : i32
      %add3A_481 = vector.broadcast %add3A_480 : i32 to vector<16xi32>
      %add3A_482 = arith.addi %and3A_476, %add3A_481 : vector<16xi32>
      tpu.vector_store_idx %arg16[%add3A_353, %add3A_482], %gather3A_479 : memref<128x64xf32, #tpu.memory_space<vmem>>[vector<16xi32>, vector<16xi32>], vector<16xf32>,
      %add3A_483 = arith.constant 10 : i32
      %add3A_484 = vector.broadcast %add3A_483 : i32 to vector<16xi32>
      %add3A_485 = arith.addi %iota3A, %add3A_484 : vector<16xi32>
      %and3A_486 = arith.constant 31 : i32
      %and3A_487 = vector.broadcast %and3A_486 : i32 to vector<16xi32>
      %and3A_488 = arith.andi %add3A_485, %and3A_487 : vector<16xi32>
      %gather3A_489 = tpu.vector_load_idx %arg10[%gather3A, %and3A_488] : memref<8x32xf32, #tpu.memory_space<vmem>>[vector<16xi32>, vector<16xi32>], vector<16xf32>,
      tpu.vector_store_idx %arg16[%add3A_353, %and3A_488], %gather3A_489 : memref<128x64xf32, #tpu.memory_space<vmem>>[vector<16xi32>, vector<16xi32>], vector<16xf32>,
      %add3A_490 = arith.addi %mul3A_362, %and3A_488 : vector<16xi32>
      %gather3A_491 = tpu.vector_load_idx %arg14[%add3A_353, %add3A_490] : memref<128x128xf32, #tpu.memory_space<vmem>>[vector<16xi32>, vector<16xi32>], vector<16xf32>,
      %add3A_492 = arith.constant 32 : i32
      %add3A_493 = vector.broadcast %add3A_492 : i32 to vector<16xi32>
      %add3A_494 = arith.addi %and3A_488, %add3A_493 : vector<16xi32>
      tpu.vector_store_idx %arg16[%add3A_353, %add3A_494], %gather3A_491 : memref<128x64xf32, #tpu.memory_space<vmem>>[vector<16xi32>, vector<16xi32>], vector<16xf32>,
      %add3A_495 = arith.constant 11 : i32
      %add3A_496 = vector.broadcast %add3A_495 : i32 to vector<16xi32>
      %add3A_497 = arith.addi %iota3A, %add3A_496 : vector<16xi32>
      %and3A_498 = arith.constant 31 : i32
      %and3A_499 = vector.broadcast %and3A_498 : i32 to vector<16xi32>
      %and3A_500 = arith.andi %add3A_497, %and3A_499 : vector<16xi32>
      %gather3A_501 = tpu.vector_load_idx %arg10[%gather3A, %and3A_500] : memref<8x32xf32, #tpu.memory_space<vmem>>[vector<16xi32>, vector<16xi32>], vector<16xf32>,
      tpu.vector_store_idx %arg16[%add3A_353, %and3A_500], %gather3A_501 : memref<128x64xf32, #tpu.memory_space<vmem>>[vector<16xi32>, vector<16xi32>], vector<16xf32>,
      %add3A_502 = arith.addi %mul3A_362, %and3A_500 : vector<16xi32>
      %gather3A_503 = tpu.vector_load_idx %arg14[%add3A_353, %add3A_502] : memref<128x128xf32, #tpu.memory_space<vmem>>[vector<16xi32>, vector<16xi32>], vector<16xf32>,
      %add3A_504 = arith.constant 32 : i32
      %add3A_505 = vector.broadcast %add3A_504 : i32 to vector<16xi32>
      %add3A_506 = arith.addi %and3A_500, %add3A_505 : vector<16xi32>
      tpu.vector_store_idx %arg16[%add3A_353, %add3A_506], %gather3A_503 : memref<128x64xf32, #tpu.memory_space<vmem>>[vector<16xi32>, vector<16xi32>], vector<16xf32>,
      %add3A_507 = arith.constant 12 : i32
      %add3A_508 = vector.broadcast %add3A_507 : i32 to vector<16xi32>
      %add3A_509 = arith.addi %iota3A, %add3A_508 : vector<16xi32>
      %and3A_510 = arith.constant 31 : i32
      %and3A_511 = vector.broadcast %and3A_510 : i32 to vector<16xi32>
      %and3A_512 = arith.andi %add3A_509, %and3A_511 : vector<16xi32>
      %gather3A_513 = tpu.vector_load_idx %arg10[%gather3A, %and3A_512] : memref<8x32xf32, #tpu.memory_space<vmem>>[vector<16xi32>, vector<16xi32>], vector<16xf32>,
      tpu.vector_store_idx %arg16[%add3A_353, %and3A_512], %gather3A_513 : memref<128x64xf32, #tpu.memory_space<vmem>>[vector<16xi32>, vector<16xi32>], vector<16xf32>,
      %add3A_514 = arith.addi %mul3A_362, %and3A_512 : vector<16xi32>
      %gather3A_515 = tpu.vector_load_idx %arg14[%add3A_353, %add3A_514] : memref<128x128xf32, #tpu.memory_space<vmem>>[vector<16xi32>, vector<16xi32>], vector<16xf32>,
      %add3A_516 = arith.constant 32 : i32
      %add3A_517 = vector.broadcast %add3A_516 : i32 to vector<16xi32>
      %add3A_518 = arith.addi %and3A_512, %add3A_517 : vector<16xi32>
      tpu.vector_store_idx %arg16[%add3A_353, %add3A_518], %gather3A_515 : memref<128x64xf32, #tpu.memory_space<vmem>>[vector<16xi32>, vector<16xi32>], vector<16xf32>,
      %add3A_519 = arith.constant 13 : i32
      %add3A_520 = vector.broadcast %add3A_519 : i32 to vector<16xi32>
      %add3A_521 = arith.addi %iota3A, %add3A_520 : vector<16xi32>
      %and3A_522 = arith.constant 31 : i32
      %and3A_523 = vector.broadcast %and3A_522 : i32 to vector<16xi32>
      %and3A_524 = arith.andi %add3A_521, %and3A_523 : vector<16xi32>
      %gather3A_525 = tpu.vector_load_idx %arg10[%gather3A, %and3A_524] : memref<8x32xf32, #tpu.memory_space<vmem>>[vector<16xi32>, vector<16xi32>], vector<16xf32>,
      tpu.vector_store_idx %arg16[%add3A_353, %and3A_524], %gather3A_525 : memref<128x64xf32, #tpu.memory_space<vmem>>[vector<16xi32>, vector<16xi32>], vector<16xf32>,
      %add3A_526 = arith.addi %mul3A_362, %and3A_524 : vector<16xi32>
      %gather3A_527 = tpu.vector_load_idx %arg14[%add3A_353, %add3A_526] : memref<128x128xf32, #tpu.memory_space<vmem>>[vector<16xi32>, vector<16xi32>], vector<16xf32>,
      %add3A_528 = arith.constant 32 : i32
      %add3A_529 = vector.broadcast %add3A_528 : i32 to vector<16xi32>
      %add3A_530 = arith.addi %and3A_524, %add3A_529 : vector<16xi32>
      tpu.vector_store_idx %arg16[%add3A_353, %add3A_530], %gather3A_527 : memref<128x64xf32, #tpu.memory_space<vmem>>[vector<16xi32>, vector<16xi32>], vector<16xf32>,
      %add3A_531 = arith.constant 14 : i32
      %add3A_532 = vector.broadcast %add3A_531 : i32 to vector<16xi32>
      %add3A_533 = arith.addi %iota3A, %add3A_532 : vector<16xi32>
      %and3A_534 = arith.constant 31 : i32
      %and3A_535 = vector.broadcast %and3A_534 : i32 to vector<16xi32>
      %and3A_536 = arith.andi %add3A_533, %and3A_535 : vector<16xi32>
      %gather3A_537 = tpu.vector_load_idx %arg10[%gather3A, %and3A_536] : memref<8x32xf32, #tpu.memory_space<vmem>>[vector<16xi32>, vector<16xi32>], vector<16xf32>,
      tpu.vector_store_idx %arg16[%add3A_353, %and3A_536], %gather3A_537 : memref<128x64xf32, #tpu.memory_space<vmem>>[vector<16xi32>, vector<16xi32>], vector<16xf32>,
      %add3A_538 = arith.addi %mul3A_362, %and3A_536 : vector<16xi32>
      %gather3A_539 = tpu.vector_load_idx %arg14[%add3A_353, %add3A_538] : memref<128x128xf32, #tpu.memory_space<vmem>>[vector<16xi32>, vector<16xi32>], vector<16xf32>,
      %add3A_540 = arith.constant 32 : i32
      %add3A_541 = vector.broadcast %add3A_540 : i32 to vector<16xi32>
      %add3A_542 = arith.addi %and3A_536, %add3A_541 : vector<16xi32>
      tpu.vector_store_idx %arg16[%add3A_353, %add3A_542], %gather3A_539 : memref<128x64xf32, #tpu.memory_space<vmem>>[vector<16xi32>, vector<16xi32>], vector<16xf32>,
      %add3A_543 = arith.constant 15 : i32
      %add3A_544 = vector.broadcast %add3A_543 : i32 to vector<16xi32>
      %add3A_545 = arith.addi %iota3A, %add3A_544 : vector<16xi32>
      %and3A_546 = arith.constant 31 : i32
      %and3A_547 = vector.broadcast %and3A_546 : i32 to vector<16xi32>
      %and3A_548 = arith.andi %add3A_545, %and3A_547 : vector<16xi32>
      %gather3A_549 = tpu.vector_load_idx %arg10[%gather3A, %and3A_548] : memref<8x32xf32, #tpu.memory_space<vmem>>[vector<16xi32>, vector<16xi32>], vector<16xf32>,
      tpu.vector_store_idx %arg16[%add3A_353, %and3A_548], %gather3A_549 : memref<128x64xf32, #tpu.memory_space<vmem>>[vector<16xi32>, vector<16xi32>], vector<16xf32>,
      %add3A_550 = arith.addi %mul3A_362, %and3A_548 : vector<16xi32>
      %gather3A_551 = tpu.vector_load_idx %arg14[%add3A_353, %add3A_550] : memref<128x128xf32, #tpu.memory_space<vmem>>[vector<16xi32>, vector<16xi32>], vector<16xf32>,
      %add3A_552 = arith.constant 32 : i32
      %add3A_553 = vector.broadcast %add3A_552 : i32 to vector<16xi32>
      %add3A_554 = arith.addi %and3A_548, %add3A_553 : vector<16xi32>
      tpu.vector_store_idx %arg16[%add3A_353, %add3A_554], %gather3A_551 : memref<128x64xf32, #tpu.memory_space<vmem>>[vector<16xi32>, vector<16xi32>], vector<16xf32>,
      %add3A_555 = arith.constant 16 : i32
      %add3A_556 = vector.broadcast %add3A_555 : i32 to vector<16xi32>
      %add3A_557 = arith.addi %iota3A, %add3A_556 : vector<16xi32>
      %and3A_558 = arith.constant 31 : i32
      %and3A_559 = vector.broadcast %and3A_558 : i32 to vector<16xi32>
      %and3A_560 = arith.andi %add3A_557, %and3A_559 : vector<16xi32>
      %gather3A_561 = tpu.vector_load_idx %arg10[%gather3A, %and3A_560] : memref<8x32xf32, #tpu.memory_space<vmem>>[vector<16xi32>, vector<16xi32>], vector<16xf32>,
      tpu.vector_store_idx %arg16[%add3A_353, %and3A_560], %gather3A_561 : memref<128x64xf32, #tpu.memory_space<vmem>>[vector<16xi32>, vector<16xi32>], vector<16xf32>,
      %add3A_562 = arith.addi %mul3A_362, %and3A_560 : vector<16xi32>
      %gather3A_563 = tpu.vector_load_idx %arg14[%add3A_353, %add3A_562] : memref<128x128xf32, #tpu.memory_space<vmem>>[vector<16xi32>, vector<16xi32>], vector<16xf32>,
      %add3A_564 = arith.constant 32 : i32
      %add3A_565 = vector.broadcast %add3A_564 : i32 to vector<16xi32>
      %add3A_566 = arith.addi %and3A_560, %add3A_565 : vector<16xi32>
      tpu.vector_store_idx %arg16[%add3A_353, %add3A_566], %gather3A_563 : memref<128x64xf32, #tpu.memory_space<vmem>>[vector<16xi32>, vector<16xi32>], vector<16xf32>,
      %add3A_567 = arith.constant 17 : i32
      %add3A_568 = vector.broadcast %add3A_567 : i32 to vector<16xi32>
      %add3A_569 = arith.addi %iota3A, %add3A_568 : vector<16xi32>
      %and3A_570 = arith.constant 31 : i32
      %and3A_571 = vector.broadcast %and3A_570 : i32 to vector<16xi32>
      %and3A_572 = arith.andi %add3A_569, %and3A_571 : vector<16xi32>
      %gather3A_573 = tpu.vector_load_idx %arg10[%gather3A, %and3A_572] : memref<8x32xf32, #tpu.memory_space<vmem>>[vector<16xi32>, vector<16xi32>], vector<16xf32>,
      tpu.vector_store_idx %arg16[%add3A_353, %and3A_572], %gather3A_573 : memref<128x64xf32, #tpu.memory_space<vmem>>[vector<16xi32>, vector<16xi32>], vector<16xf32>,
      %add3A_574 = arith.addi %mul3A_362, %and3A_572 : vector<16xi32>
      %gather3A_575 = tpu.vector_load_idx %arg14[%add3A_353, %add3A_574] : memref<128x128xf32, #tpu.memory_space<vmem>>[vector<16xi32>, vector<16xi32>], vector<16xf32>,
      %add3A_576 = arith.constant 32 : i32
      %add3A_577 = vector.broadcast %add3A_576 : i32 to vector<16xi32>
      %add3A_578 = arith.addi %and3A_572, %add3A_577 : vector<16xi32>
      tpu.vector_store_idx %arg16[%add3A_353, %add3A_578], %gather3A_575 : memref<128x64xf32, #tpu.memory_space<vmem>>[vector<16xi32>, vector<16xi32>], vector<16xf32>,
      %add3A_579 = arith.constant 18 : i32
      %add3A_580 = vector.broadcast %add3A_579 : i32 to vector<16xi32>
      %add3A_581 = arith.addi %iota3A, %add3A_580 : vector<16xi32>
      %and3A_582 = arith.constant 31 : i32
      %and3A_583 = vector.broadcast %and3A_582 : i32 to vector<16xi32>
      %and3A_584 = arith.andi %add3A_581, %and3A_583 : vector<16xi32>
      %gather3A_585 = tpu.vector_load_idx %arg10[%gather3A, %and3A_584] : memref<8x32xf32, #tpu.memory_space<vmem>>[vector<16xi32>, vector<16xi32>], vector<16xf32>,
      tpu.vector_store_idx %arg16[%add3A_353, %and3A_584], %gather3A_585 : memref<128x64xf32, #tpu.memory_space<vmem>>[vector<16xi32>, vector<16xi32>], vector<16xf32>,
      %add3A_586 = arith.addi %mul3A_362, %and3A_584 : vector<16xi32>
      %gather3A_587 = tpu.vector_load_idx %arg14[%add3A_353, %add3A_586] : memref<128x128xf32, #tpu.memory_space<vmem>>[vector<16xi32>, vector<16xi32>], vector<16xf32>,
      %add3A_588 = arith.constant 32 : i32
      %add3A_589 = vector.broadcast %add3A_588 : i32 to vector<16xi32>
      %add3A_590 = arith.addi %and3A_584, %add3A_589 : vector<16xi32>
      tpu.vector_store_idx %arg16[%add3A_353, %add3A_590], %gather3A_587 : memref<128x64xf32, #tpu.memory_space<vmem>>[vector<16xi32>, vector<16xi32>], vector<16xf32>,
      %add3A_591 = arith.constant 19 : i32
      %add3A_592 = vector.broadcast %add3A_591 : i32 to vector<16xi32>
      %add3A_593 = arith.addi %iota3A, %add3A_592 : vector<16xi32>
      %and3A_594 = arith.constant 31 : i32
      %and3A_595 = vector.broadcast %and3A_594 : i32 to vector<16xi32>
      %and3A_596 = arith.andi %add3A_593, %and3A_595 : vector<16xi32>
      %gather3A_597 = tpu.vector_load_idx %arg10[%gather3A, %and3A_596] : memref<8x32xf32, #tpu.memory_space<vmem>>[vector<16xi32>, vector<16xi32>], vector<16xf32>,
      tpu.vector_store_idx %arg16[%add3A_353, %and3A_596], %gather3A_597 : memref<128x64xf32, #tpu.memory_space<vmem>>[vector<16xi32>, vector<16xi32>], vector<16xf32>,
      %add3A_598 = arith.addi %mul3A_362, %and3A_596 : vector<16xi32>
      %gather3A_599 = tpu.vector_load_idx %arg14[%add3A_353, %add3A_598] : memref<128x128xf32, #tpu.memory_space<vmem>>[vector<16xi32>, vector<16xi32>], vector<16xf32>,
      %add3A_600 = arith.constant 32 : i32
      %add3A_601 = vector.broadcast %add3A_600 : i32 to vector<16xi32>
      %add3A_602 = arith.addi %and3A_596, %add3A_601 : vector<16xi32>
      tpu.vector_store_idx %arg16[%add3A_353, %add3A_602], %gather3A_599 : memref<128x64xf32, #tpu.memory_space<vmem>>[vector<16xi32>, vector<16xi32>], vector<16xf32>,
      %add3A_603 = arith.constant 20 : i32
      %add3A_604 = vector.broadcast %add3A_603 : i32 to vector<16xi32>
      %add3A_605 = arith.addi %iota3A, %add3A_604 : vector<16xi32>
      %and3A_606 = arith.constant 31 : i32
      %and3A_607 = vector.broadcast %and3A_606 : i32 to vector<16xi32>
      %and3A_608 = arith.andi %add3A_605, %and3A_607 : vector<16xi32>
      %gather3A_609 = tpu.vector_load_idx %arg10[%gather3A, %and3A_608] : memref<8x32xf32, #tpu.memory_space<vmem>>[vector<16xi32>, vector<16xi32>], vector<16xf32>,
      tpu.vector_store_idx %arg16[%add3A_353, %and3A_608], %gather3A_609 : memref<128x64xf32, #tpu.memory_space<vmem>>[vector<16xi32>, vector<16xi32>], vector<16xf32>,
      %add3A_610 = arith.addi %mul3A_362, %and3A_608 : vector<16xi32>
      %gather3A_611 = tpu.vector_load_idx %arg14[%add3A_353, %add3A_610] : memref<128x128xf32, #tpu.memory_space<vmem>>[vector<16xi32>, vector<16xi32>], vector<16xf32>,
      %add3A_612 = arith.constant 32 : i32
      %add3A_613 = vector.broadcast %add3A_612 : i32 to vector<16xi32>
      %add3A_614 = arith.addi %and3A_608, %add3A_613 : vector<16xi32>
      tpu.vector_store_idx %arg16[%add3A_353, %add3A_614], %gather3A_611 : memref<128x64xf32, #tpu.memory_space<vmem>>[vector<16xi32>, vector<16xi32>], vector<16xf32>,
      %add3A_615 = arith.constant 21 : i32
      %add3A_616 = vector.broadcast %add3A_615 : i32 to vector<16xi32>
      %add3A_617 = arith.addi %iota3A, %add3A_616 : vector<16xi32>
      %and3A_618 = arith.constant 31 : i32
      %and3A_619 = vector.broadcast %and3A_618 : i32 to vector<16xi32>
      %and3A_620 = arith.andi %add3A_617, %and3A_619 : vector<16xi32>
      %gather3A_621 = tpu.vector_load_idx %arg10[%gather3A, %and3A_620] : memref<8x32xf32, #tpu.memory_space<vmem>>[vector<16xi32>, vector<16xi32>], vector<16xf32>,
      tpu.vector_store_idx %arg16[%add3A_353, %and3A_620], %gather3A_621 : memref<128x64xf32, #tpu.memory_space<vmem>>[vector<16xi32>, vector<16xi32>], vector<16xf32>,
      %add3A_622 = arith.addi %mul3A_362, %and3A_620 : vector<16xi32>
      %gather3A_623 = tpu.vector_load_idx %arg14[%add3A_353, %add3A_622] : memref<128x128xf32, #tpu.memory_space<vmem>>[vector<16xi32>, vector<16xi32>], vector<16xf32>,
      %add3A_624 = arith.constant 32 : i32
      %add3A_625 = vector.broadcast %add3A_624 : i32 to vector<16xi32>
      %add3A_626 = arith.addi %and3A_620, %add3A_625 : vector<16xi32>
      tpu.vector_store_idx %arg16[%add3A_353, %add3A_626], %gather3A_623 : memref<128x64xf32, #tpu.memory_space<vmem>>[vector<16xi32>, vector<16xi32>], vector<16xf32>,
      %add3A_627 = arith.constant 22 : i32
      %add3A_628 = vector.broadcast %add3A_627 : i32 to vector<16xi32>
      %add3A_629 = arith.addi %iota3A, %add3A_628 : vector<16xi32>
      %and3A_630 = arith.constant 31 : i32
      %and3A_631 = vector.broadcast %and3A_630 : i32 to vector<16xi32>
      %and3A_632 = arith.andi %add3A_629, %and3A_631 : vector<16xi32>
      %gather3A_633 = tpu.vector_load_idx %arg10[%gather3A, %and3A_632] : memref<8x32xf32, #tpu.memory_space<vmem>>[vector<16xi32>, vector<16xi32>], vector<16xf32>,
      tpu.vector_store_idx %arg16[%add3A_353, %and3A_632], %gather3A_633 : memref<128x64xf32, #tpu.memory_space<vmem>>[vector<16xi32>, vector<16xi32>], vector<16xf32>,
      %add3A_634 = arith.addi %mul3A_362, %and3A_632 : vector<16xi32>
      %gather3A_635 = tpu.vector_load_idx %arg14[%add3A_353, %add3A_634] : memref<128x128xf32, #tpu.memory_space<vmem>>[vector<16xi32>, vector<16xi32>], vector<16xf32>,
      %add3A_636 = arith.constant 32 : i32
      %add3A_637 = vector.broadcast %add3A_636 : i32 to vector<16xi32>
      %add3A_638 = arith.addi %and3A_632, %add3A_637 : vector<16xi32>
      tpu.vector_store_idx %arg16[%add3A_353, %add3A_638], %gather3A_635 : memref<128x64xf32, #tpu.memory_space<vmem>>[vector<16xi32>, vector<16xi32>], vector<16xf32>,
      %add3A_639 = arith.constant 23 : i32
      %add3A_640 = vector.broadcast %add3A_639 : i32 to vector<16xi32>
      %add3A_641 = arith.addi %iota3A, %add3A_640 : vector<16xi32>
      %and3A_642 = arith.constant 31 : i32
      %and3A_643 = vector.broadcast %and3A_642 : i32 to vector<16xi32>
      %and3A_644 = arith.andi %add3A_641, %and3A_643 : vector<16xi32>
      %gather3A_645 = tpu.vector_load_idx %arg10[%gather3A, %and3A_644] : memref<8x32xf32, #tpu.memory_space<vmem>>[vector<16xi32>, vector<16xi32>], vector<16xf32>,
      tpu.vector_store_idx %arg16[%add3A_353, %and3A_644], %gather3A_645 : memref<128x64xf32, #tpu.memory_space<vmem>>[vector<16xi32>, vector<16xi32>], vector<16xf32>,
      %add3A_646 = arith.addi %mul3A_362, %and3A_644 : vector<16xi32>
      %gather3A_647 = tpu.vector_load_idx %arg14[%add3A_353, %add3A_646] : memref<128x128xf32, #tpu.memory_space<vmem>>[vector<16xi32>, vector<16xi32>], vector<16xf32>,
      %add3A_648 = arith.constant 32 : i32
      %add3A_649 = vector.broadcast %add3A_648 : i32 to vector<16xi32>
      %add3A_650 = arith.addi %and3A_644, %add3A_649 : vector<16xi32>
      tpu.vector_store_idx %arg16[%add3A_353, %add3A_650], %gather3A_647 : memref<128x64xf32, #tpu.memory_space<vmem>>[vector<16xi32>, vector<16xi32>], vector<16xf32>,
      %add3A_651 = arith.constant 24 : i32
      %add3A_652 = vector.broadcast %add3A_651 : i32 to vector<16xi32>
      %add3A_653 = arith.addi %iota3A, %add3A_652 : vector<16xi32>
      %and3A_654 = arith.constant 31 : i32
      %and3A_655 = vector.broadcast %and3A_654 : i32 to vector<16xi32>
      %and3A_656 = arith.andi %add3A_653, %and3A_655 : vector<16xi32>
      %gather3A_657 = tpu.vector_load_idx %arg10[%gather3A, %and3A_656] : memref<8x32xf32, #tpu.memory_space<vmem>>[vector<16xi32>, vector<16xi32>], vector<16xf32>,
      tpu.vector_store_idx %arg16[%add3A_353, %and3A_656], %gather3A_657 : memref<128x64xf32, #tpu.memory_space<vmem>>[vector<16xi32>, vector<16xi32>], vector<16xf32>,
      %add3A_658 = arith.addi %mul3A_362, %and3A_656 : vector<16xi32>
      %gather3A_659 = tpu.vector_load_idx %arg14[%add3A_353, %add3A_658] : memref<128x128xf32, #tpu.memory_space<vmem>>[vector<16xi32>, vector<16xi32>], vector<16xf32>,
      %add3A_660 = arith.constant 32 : i32
      %add3A_661 = vector.broadcast %add3A_660 : i32 to vector<16xi32>
      %add3A_662 = arith.addi %and3A_656, %add3A_661 : vector<16xi32>
      tpu.vector_store_idx %arg16[%add3A_353, %add3A_662], %gather3A_659 : memref<128x64xf32, #tpu.memory_space<vmem>>[vector<16xi32>, vector<16xi32>], vector<16xf32>,
      %add3A_663 = arith.constant 25 : i32
      %add3A_664 = vector.broadcast %add3A_663 : i32 to vector<16xi32>
      %add3A_665 = arith.addi %iota3A, %add3A_664 : vector<16xi32>
      %and3A_666 = arith.constant 31 : i32
      %and3A_667 = vector.broadcast %and3A_666 : i32 to vector<16xi32>
      %and3A_668 = arith.andi %add3A_665, %and3A_667 : vector<16xi32>
      %gather3A_669 = tpu.vector_load_idx %arg10[%gather3A, %and3A_668] : memref<8x32xf32, #tpu.memory_space<vmem>>[vector<16xi32>, vector<16xi32>], vector<16xf32>,
      tpu.vector_store_idx %arg16[%add3A_353, %and3A_668], %gather3A_669 : memref<128x64xf32, #tpu.memory_space<vmem>>[vector<16xi32>, vector<16xi32>], vector<16xf32>,
      %add3A_670 = arith.addi %mul3A_362, %and3A_668 : vector<16xi32>
      %gather3A_671 = tpu.vector_load_idx %arg14[%add3A_353, %add3A_670] : memref<128x128xf32, #tpu.memory_space<vmem>>[vector<16xi32>, vector<16xi32>], vector<16xf32>,
      %add3A_672 = arith.constant 32 : i32
      %add3A_673 = vector.broadcast %add3A_672 : i32 to vector<16xi32>
      %add3A_674 = arith.addi %and3A_668, %add3A_673 : vector<16xi32>
      tpu.vector_store_idx %arg16[%add3A_353, %add3A_674], %gather3A_671 : memref<128x64xf32, #tpu.memory_space<vmem>>[vector<16xi32>, vector<16xi32>], vector<16xf32>,
      %add3A_675 = arith.constant 26 : i32
      %add3A_676 = vector.broadcast %add3A_675 : i32 to vector<16xi32>
      %add3A_677 = arith.addi %iota3A, %add3A_676 : vector<16xi32>
      %and3A_678 = arith.constant 31 : i32
      %and3A_679 = vector.broadcast %and3A_678 : i32 to vector<16xi32>
      %and3A_680 = arith.andi %add3A_677, %and3A_679 : vector<16xi32>
      %gather3A_681 = tpu.vector_load_idx %arg10[%gather3A, %and3A_680] : memref<8x32xf32, #tpu.memory_space<vmem>>[vector<16xi32>, vector<16xi32>], vector<16xf32>,
      tpu.vector_store_idx %arg16[%add3A_353, %and3A_680], %gather3A_681 : memref<128x64xf32, #tpu.memory_space<vmem>>[vector<16xi32>, vector<16xi32>], vector<16xf32>,
      %add3A_682 = arith.addi %mul3A_362, %and3A_680 : vector<16xi32>
      %gather3A_683 = tpu.vector_load_idx %arg14[%add3A_353, %add3A_682] : memref<128x128xf32, #tpu.memory_space<vmem>>[vector<16xi32>, vector<16xi32>], vector<16xf32>,
      %add3A_684 = arith.constant 32 : i32
      %add3A_685 = vector.broadcast %add3A_684 : i32 to vector<16xi32>
      %add3A_686 = arith.addi %and3A_680, %add3A_685 : vector<16xi32>
      tpu.vector_store_idx %arg16[%add3A_353, %add3A_686], %gather3A_683 : memref<128x64xf32, #tpu.memory_space<vmem>>[vector<16xi32>, vector<16xi32>], vector<16xf32>,
      %add3A_687 = arith.constant 27 : i32
      %add3A_688 = vector.broadcast %add3A_687 : i32 to vector<16xi32>
      %add3A_689 = arith.addi %iota3A, %add3A_688 : vector<16xi32>
      %and3A_690 = arith.constant 31 : i32
      %and3A_691 = vector.broadcast %and3A_690 : i32 to vector<16xi32>
      %and3A_692 = arith.andi %add3A_689, %and3A_691 : vector<16xi32>
      %gather3A_693 = tpu.vector_load_idx %arg10[%gather3A, %and3A_692] : memref<8x32xf32, #tpu.memory_space<vmem>>[vector<16xi32>, vector<16xi32>], vector<16xf32>,
      tpu.vector_store_idx %arg16[%add3A_353, %and3A_692], %gather3A_693 : memref<128x64xf32, #tpu.memory_space<vmem>>[vector<16xi32>, vector<16xi32>], vector<16xf32>,
      %add3A_694 = arith.addi %mul3A_362, %and3A_692 : vector<16xi32>
      %gather3A_695 = tpu.vector_load_idx %arg14[%add3A_353, %add3A_694] : memref<128x128xf32, #tpu.memory_space<vmem>>[vector<16xi32>, vector<16xi32>], vector<16xf32>,
      %add3A_696 = arith.constant 32 : i32
      %add3A_697 = vector.broadcast %add3A_696 : i32 to vector<16xi32>
      %add3A_698 = arith.addi %and3A_692, %add3A_697 : vector<16xi32>
      tpu.vector_store_idx %arg16[%add3A_353, %add3A_698], %gather3A_695 : memref<128x64xf32, #tpu.memory_space<vmem>>[vector<16xi32>, vector<16xi32>], vector<16xf32>,
      %add3A_699 = arith.constant 28 : i32
      %add3A_700 = vector.broadcast %add3A_699 : i32 to vector<16xi32>
      %add3A_701 = arith.addi %iota3A, %add3A_700 : vector<16xi32>
      %and3A_702 = arith.constant 31 : i32
      %and3A_703 = vector.broadcast %and3A_702 : i32 to vector<16xi32>
      %and3A_704 = arith.andi %add3A_701, %and3A_703 : vector<16xi32>
      %gather3A_705 = tpu.vector_load_idx %arg10[%gather3A, %and3A_704] : memref<8x32xf32, #tpu.memory_space<vmem>>[vector<16xi32>, vector<16xi32>], vector<16xf32>,
      tpu.vector_store_idx %arg16[%add3A_353, %and3A_704], %gather3A_705 : memref<128x64xf32, #tpu.memory_space<vmem>>[vector<16xi32>, vector<16xi32>], vector<16xf32>,
      %add3A_706 = arith.addi %mul3A_362, %and3A_704 : vector<16xi32>
      %gather3A_707 = tpu.vector_load_idx %arg14[%add3A_353, %add3A_706] : memref<128x128xf32, #tpu.memory_space<vmem>>[vector<16xi32>, vector<16xi32>], vector<16xf32>,
      %add3A_708 = arith.constant 32 : i32
      %add3A_709 = vector.broadcast %add3A_708 : i32 to vector<16xi32>
      %add3A_710 = arith.addi %and3A_704, %add3A_709 : vector<16xi32>
      tpu.vector_store_idx %arg16[%add3A_353, %add3A_710], %gather3A_707 : memref<128x64xf32, #tpu.memory_space<vmem>>[vector<16xi32>, vector<16xi32>], vector<16xf32>,
      %add3A_711 = arith.constant 29 : i32
      %add3A_712 = vector.broadcast %add3A_711 : i32 to vector<16xi32>
      %add3A_713 = arith.addi %iota3A, %add3A_712 : vector<16xi32>
      %and3A_714 = arith.constant 31 : i32
      %and3A_715 = vector.broadcast %and3A_714 : i32 to vector<16xi32>
      %and3A_716 = arith.andi %add3A_713, %and3A_715 : vector<16xi32>
      %gather3A_717 = tpu.vector_load_idx %arg10[%gather3A, %and3A_716] : memref<8x32xf32, #tpu.memory_space<vmem>>[vector<16xi32>, vector<16xi32>], vector<16xf32>,
      tpu.vector_store_idx %arg16[%add3A_353, %and3A_716], %gather3A_717 : memref<128x64xf32, #tpu.memory_space<vmem>>[vector<16xi32>, vector<16xi32>], vector<16xf32>,
      %add3A_718 = arith.addi %mul3A_362, %and3A_716 : vector<16xi32>
      %gather3A_719 = tpu.vector_load_idx %arg14[%add3A_353, %add3A_718] : memref<128x128xf32, #tpu.memory_space<vmem>>[vector<16xi32>, vector<16xi32>], vector<16xf32>,
      %add3A_720 = arith.constant 32 : i32
      %add3A_721 = vector.broadcast %add3A_720 : i32 to vector<16xi32>
      %add3A_722 = arith.addi %and3A_716, %add3A_721 : vector<16xi32>
      tpu.vector_store_idx %arg16[%add3A_353, %add3A_722], %gather3A_719 : memref<128x64xf32, #tpu.memory_space<vmem>>[vector<16xi32>, vector<16xi32>], vector<16xf32>,
      %add3A_723 = arith.constant 30 : i32
      %add3A_724 = vector.broadcast %add3A_723 : i32 to vector<16xi32>
      %add3A_725 = arith.addi %iota3A, %add3A_724 : vector<16xi32>
      %and3A_726 = arith.constant 31 : i32
      %and3A_727 = vector.broadcast %and3A_726 : i32 to vector<16xi32>
      %and3A_728 = arith.andi %add3A_725, %and3A_727 : vector<16xi32>
      %gather3A_729 = tpu.vector_load_idx %arg10[%gather3A, %and3A_728] : memref<8x32xf32, #tpu.memory_space<vmem>>[vector<16xi32>, vector<16xi32>], vector<16xf32>,
      tpu.vector_store_idx %arg16[%add3A_353, %and3A_728], %gather3A_729 : memref<128x64xf32, #tpu.memory_space<vmem>>[vector<16xi32>, vector<16xi32>], vector<16xf32>,
      %add3A_730 = arith.addi %mul3A_362, %and3A_728 : vector<16xi32>
      %gather3A_731 = tpu.vector_load_idx %arg14[%add3A_353, %add3A_730] : memref<128x128xf32, #tpu.memory_space<vmem>>[vector<16xi32>, vector<16xi32>], vector<16xf32>,
      %add3A_732 = arith.constant 32 : i32
      %add3A_733 = vector.broadcast %add3A_732 : i32 to vector<16xi32>
      %add3A_734 = arith.addi %and3A_728, %add3A_733 : vector<16xi32>
      tpu.vector_store_idx %arg16[%add3A_353, %add3A_734], %gather3A_731 : memref<128x64xf32, #tpu.memory_space<vmem>>[vector<16xi32>, vector<16xi32>], vector<16xf32>,
      %add3A_735 = arith.constant 31 : i32
      %add3A_736 = vector.broadcast %add3A_735 : i32 to vector<16xi32>
      %add3A_737 = arith.addi %iota3A, %add3A_736 : vector<16xi32>
      %and3A_738 = arith.constant 31 : i32
      %and3A_739 = vector.broadcast %and3A_738 : i32 to vector<16xi32>
      %and3A_740 = arith.andi %add3A_737, %and3A_739 : vector<16xi32>
      %gather3A_741 = tpu.vector_load_idx %arg10[%gather3A, %and3A_740] : memref<8x32xf32, #tpu.memory_space<vmem>>[vector<16xi32>, vector<16xi32>], vector<16xf32>,
      tpu.vector_store_idx %arg16[%add3A_353, %and3A_740], %gather3A_741 : memref<128x64xf32, #tpu.memory_space<vmem>>[vector<16xi32>, vector<16xi32>], vector<16xf32>,
      %add3A_742 = arith.addi %mul3A_362, %and3A_740 : vector<16xi32>
      %gather3A_743 = tpu.vector_load_idx %arg14[%add3A_353, %add3A_742] : memref<128x128xf32, #tpu.memory_space<vmem>>[vector<16xi32>, vector<16xi32>], vector<16xf32>,
      %add3A_744 = arith.constant 32 : i32
      %add3A_745 = vector.broadcast %add3A_744 : i32 to vector<16xi32>
      %add3A_746 = arith.addi %and3A_740, %add3A_745 : vector<16xi32>
      tpu.vector_store_idx %arg16[%add3A_353, %add3A_746], %gather3A_743 : memref<128x64xf32, #tpu.memory_space<vmem>>[vector<16xi32>, vector<16xi32>], vector<16xf32>,
    }
    %scan3A_334 = arith.constant 8 : i32
    %add3A_335 = arith.constant 384 : i32
    %add3A_336 = arith.addi %mul3A_2, %add3A_335 : i32
    %dma_start3A_337 = arith.constant 0 : i32
    %dma_start3A_338 = tpu.memref_slice %arg6[%add3A_336, %dma_start3A_337] : memref<16384x64xf32, #tpu.memory_space<hbm>> -> memref<128x64xf32, #tpu.memory_space<hbm>>
    %dma_start3A_339 = arith.constant 0 : i32
    %dma_start3A_340 = tpu.memref_slice %arg6[%add3A_336, %dma_start3A_339] : memref<16384x64xf32, #tpu.memory_space<hbm>> -> memref<128x64xf32, #tpu.memory_space<hbm>>
    tpu.enqueue_dma source(%arg16 : memref<128x64xf32, #tpu.memory_space<vmem>>) target(%dma_start3A_340 : memref<128x64xf32, #tpu.memory_space<hbm>>) target_semaphore(%arg22 : memref<!tpu.dma_semaphore, #tpu.memory_space<semaphore_mem>>)
    %dma_wait3A_341 = arith.constant 0 : i32
    %dma_wait3A_342 = tpu.memref_slice %arg6[%add3A_312, %dma_wait3A_341] : memref<16384x64xf32, #tpu.memory_space<hbm>> -> memref<128x64xf32, #tpu.memory_space<hbm>>
    %dma_wait3A_343 = arith.constant 0 : i32
    %dma_wait3A_344 = tpu.memref_slice %arg6[%add3A_312, %dma_wait3A_343] : memref<16384x64xf32, #tpu.memory_space<hbm>> -> memref<128x64xf32, #tpu.memory_space<hbm>>
    tpu.wait_dma2 semaphore(%arg21 : memref<!tpu.dma_semaphore, #tpu.memory_space<semaphore_mem>>) src(%arg15 : memref<128x64xf32, #tpu.memory_space<vmem>>) dst(%dma_wait3A_344 : memref<128x64xf32, #tpu.memory_space<hbm>>)
    %dma_wait3A_345 = arith.constant 0 : i32
    %dma_wait3A_346 = tpu.memref_slice %arg6[%add3A_336, %dma_wait3A_345] : memref<16384x64xf32, #tpu.memory_space<hbm>> -> memref<128x64xf32, #tpu.memory_space<hbm>>
    %dma_wait3A_347 = arith.constant 0 : i32
    %dma_wait3A_348 = tpu.memref_slice %arg6[%add3A_336, %dma_wait3A_347] : memref<16384x64xf32, #tpu.memory_space<hbm>> -> memref<128x64xf32, #tpu.memory_space<hbm>>
    tpu.wait_dma2 semaphore(%arg22 : memref<!tpu.dma_semaphore, #tpu.memory_space<semaphore_mem>>) src(%arg16 : memref<128x64xf32, #tpu.memory_space<vmem>>) dst(%dma_wait3A_348 : memref<128x64xf32, #tpu.memory_space<hbm>>)
    return
  }
}

</mosaic_0001>

<sc_bundles>
// kernel: kernel.3.cloned.1.call-start
scs
__scs_entry_jumppad:
0x0: {  	(pc) =	sbr.rel $0x88, $3  }
0x1: {  	(tag) =	ssettag $0x0;
	lr =	simm.s32 $0x1  }
0x2: {  	[smem:$0x3F9D] =	sst lr;
	_ =	strace $0xD0000000  }
0x3: {  	_ = 	snop  }
0x4: {  	_ = 	snop  }
0x5: {  	_ = 	snop  }
0x6: {  	_ = 	snop  }
0x7: {  	_ = 	snop  }
__scs_overlays_trampoline_lowered:
0x8: {  	[smem:$0x3FAC] =	sst s0  }
0x9: {  	[smem:$0x3FAD] =	sst s1  }
0xa: {  	[smem:$0x3FAE] =	sst s2  }
0xb: {  	[smem:$0x3FAF] =	sst s3  }
0xc: {  	[smem:$0x3FB0] =	sst s4  }
0xd: {  	[smem:$0x3FB1] =	sst s5  }
0xe: {  	[smem:$0x3FB2] =	sst s6  }
0xf: {  	[smem:$0x3FB3] =	sst s7  }
0x10: {  	[smem:$0x3FB4] =	sst s8  }
0x11: {  	[smem:$0x3FB5] =	sst s9;
	s0 =	simm.s32 @!p0 $0x0  }
0x12: {  	s1 =	sld [smem:$0x3F9B];
	s0 =	simm.s32 @p0 $0x1  }
0x13: {  	[smem:$0x3FB6] =	sst s0;
	s0 =	simm.s32 @!p1 $0x0  }
0x14: {  	s2 =	sld [smem:$0x3F9A];
	s0 =	simm.s32 @p1 $0x1  }
0x15: {  	[smem:$0x3FB7] =	sst s0;
	s0 =	simm.s32 @!p2 $0x0  }
0x16: {  	s3 =	sld [smem:$0x3FDB];
	s0 =	simm.s32 @p2 $0x1  }
0x17: {  	s4 =	simm.s32 $0x1BF5;
	[smem:$0x3FB9] =	sst s0  }
0x18: {  	s0 =	sld [smem:$0x3F9C];
	_ =	swait.ge [sflag:s4], $0x0  }
0x19: {  	s7 =	sld [smem:$0x3F9D]  }
0x1a: {  	s8 =	sadd.s32 $0xFFFFE003, lr  }
0x1b: {  	s9 =	sadd.s32 $0xFFFFFEF7, lr;
	s5 =	simm.s32 $0xFFFFFFFF;
	p2 =	slt.u32 s8, $0xFFFFF086  }
0x1c: {  	p1 =	slt.u32 s9, $0xF7A;
	s5 =	simm.s32 @!p2 $0x0  }
0x1d: {  	s5 =	simm.s32 @p1 $0x1;
	p0 =	seq.s32 s7, s2  }
0x1e: {  	s7 =	smul.u32 @!p0 $0xF7A, s2;
	p2 =	seq.s32 @!p0 s5, $0x0  }
0x1f: {  	s9 =	smul.u32 $0xF7A, s1;
	s8 =	simm.s32 @!p0 $0x1BF5;
	p2 =	por !p2, p0  }
0x20: {  	[sflag:s8] =	ssyncset.s32 @!p0 $0xFFFFF086;
	s6 =	sadd.s32 @!p0 s3, s7;
	s7 =	simm.s32 @!p0 $0x108  }
0x21: {  	s3 =	sadd.s32 s3, s9;
	s6 =	sadd.s32 @!p0 $0x88, s6;
	s7 =	simm.s32 @p2 $0x1082  }
0x22: {  	[simem:s7], [sflag:s8] =	dma.local @!p0 [hbm:s6], $0xF7A  }
0x23: {  	s9 =	sor.u32 $0xD0000000, s2;
	s6 =	simm.s32 $0x108;
	_ =	swait.ge @!p0 [sflag:s8], $0x0  }
0x24: {  	s3 =	sadd.s32 $0x88, s3;
	s6 =	simm.s32 @!p1 $0x1082;
	[sflag:s4] =	ssyncset.s32 $0xFFFFF086  }
0x25: {  	[simem:s6], [sflag:s4] =	dma.local [hbm:s3], $0xF7A  }
0x26: {  	[smem:$0x3F9D] =	sst s1;
	(tag) =	ssettag s2;
	_ =	strace s9  }
0x27: {  	s1 =	sld [smem:$0x3FAD]  }
0x28: {  	s2 =	sld [smem:$0x3FAE]  }
0x29: {  	s4 =	sld [smem:$0x3FB0]  }
0x2a: {  	p0 =	seq.s32 s5, $0x0;
	s5 =	sld [smem:$0x3FB1]  }
0x2b: {  	s6 =	sld [smem:$0x3FB2]  }
0x2c: {  	s7 =	sld [smem:$0x3FB3]  }
0x2d: {  	s3 =	simm.s32 $0x108;
	s8 =	sld [smem:$0x3FB4]  }
0x2e: {  	s3 =	simm.s32 @!p0 $0x1082;
	s9 =	sld [smem:$0x3FB5]  }
0x2f: {  	lr =	sadd.s32 s0, s3;
	s0 =	sld [smem:$0x3FAC]  }
0x30: {  	s3 =	sld [smem:$0x3FAF]  }
0x31: {  	[smem:$0x3FB8] =	sst s10  }
0x32: {  	s10 =	sld [smem:$0x3FB6];
	_ =	sdelay $0x3  }
0x33: {  	p0 =	seq.s32 s10, $0x1;
	s10 =	sld [smem:$0x3FB8];
	_ =	sdelay $0x3  }
0x34: {  	[smem:$0x3FB8] =	sst s10  }
0x35: {  	s10 =	sld [smem:$0x3FB7];
	_ =	sdelay $0x3  }
0x36: {  	p1 =	seq.s32 s10, $0x1;
	s10 =	sld [smem:$0x3FB8];
	_ =	sdelay $0x3  }
0x37: {  	[smem:$0x3FB8] =	sst s10  }
0x38: {  	s10 =	sld [smem:$0x3FB9]  }
0x39: {  	_ = 	snop;
	(pc) =	sbr.ind lr, $3  }
0x3a: {  	_ = 	snop  }
0x3b: {  	_ = 	snop  }
0x3c: {  	p2 =	seq.s32 s10, $0x1;
	s10 =	sld [smem:$0x3FB8]  }
0x3d: {  	_ =	shalt  }
0x3e: {  	_ =	shalt  }
0x3f: {  	_ =	shalt  }
0x40: {  	_ =	shalt  }
0x41: {  	_ =	shalt  }
0x42: {  	_ =	shalt  }
0x43: {  	_ =	shalt  }
0x44: {  	_ =	shalt  }
0x45: {  	_ =	shalt  }
0x46: {  	_ =	shalt  }
0x47: {  	_ =	shalt  }
0x48: {  	_ =	shalt  }
0x49: {  	_ =	shalt  }
0x4a: {  	_ =	shalt  }
0x4b: {  	_ =	shalt  }
0x4c: {  	_ =	shalt  }
0x4d: {  	_ =	shalt  }
0x4e: {  	_ =	shalt  }
0x4f: {  	_ =	shalt  }
0x50: {  	_ =	shalt  }
0x51: {  	_ =	shalt  }
0x52: {  	_ =	shalt  }
0x53: {  	_ =	shalt  }
0x54: {  	_ =	shalt  }
0x55: {  	_ =	shalt  }
0x56: {  	_ =	shalt  }
0x57: {  	_ =	shalt  }
0x58: {  	_ =	shalt  }
0x59: {  	_ =	shalt  }
0x5a: {  	_ =	shalt  }
0x5b: {  	_ =	shalt  }
0x5c: {  	_ =	shalt  }
0x5d: {  	_ =	shalt  }
0x5e: {  	_ =	shalt  }
0x5f: {  	_ =	shalt  }
0x60: {  	_ =	shalt  }
0x61: {  	_ =	shalt  }
0x62: {  	_ =	shalt  }
0x63: {  	_ =	shalt  }
0x64: {  	_ =	shalt  }
0x65: {  	_ =	shalt  }
0x66: {  	_ =	shalt  }
0x67: {  	_ =	shalt  }
0x68: {  	_ =	shalt  }
0x69: {  	_ =	shalt  }
0x6a: {  	_ =	shalt  }
0x6b: {  	_ =	shalt  }
0x6c: {  	_ =	shalt  }
0x6d: {  	_ =	shalt  }
0x6e: {  	_ =	shalt  }
0x6f: {  	_ =	shalt  }
0x70: {  	_ =	shalt  }
0x71: {  	_ =	shalt  }
0x72: {  	_ =	shalt  }
0x73: {  	_ =	shalt  }
0x74: {  	_ =	shalt  }
0x75: {  	_ =	shalt  }
0x76: {  	_ =	shalt  }
0x77: {  	_ =	shalt  }
0x78: {  	_ =	shalt  }
0x79: {  	_ =	shalt  }
0x7a: {  	_ =	shalt  }
0x7b: {  	_ =	shalt  }
0x7c: {  	_ =	shalt  }
0x7d: {  	_ =	shalt  }
0x7e: {  	_ =	shalt  }
0x7f: {  	_ =	shalt  }
0x80: {  	_ =	shalt  }
0x81: {  	_ =	shalt  }
0x82: {  	_ =	shalt  }
0x83: {  	_ =	shalt  }
0x84: {  	_ =	shalt  }
0x85: {  	_ =	shalt  }
0x86: {  	_ =	shalt  }
0x87: {  	_ =	shalt  }
.Lfunc_end0:
.L_simem_size_0:
called_computation_lowered:
.L_overlay_start_0:
0x88: {  	s2 =	sld [smem:$0x3FD9]  }
0x89: {  	s3 =	sld [smem:$0x3FFE];
	_ =	sdelay $0x1  }
0x8a: {  	s1 =	srdreg.scid  }
0x8b: {  	s0 =	sand.u32 $0x1, s1  }
0x8c: {  	s17 =	sshll.u32 s0, $0xA;
	s2 =	sadd.s32 s3, s2  }
0x8d: {  	s2 =	sadd.s32 s2, s17  }
0x8e: {  	[smem:$0x3FC4] =	sst s2  }
0x8f: {  	_ = 	snop  }
0x90: {  	s2 =	sld [smem:$0x3FC9]  }
0x91: {  	s18 =	sld [smem:$0x3FC8]  }
0x92: {  	s4 =	sld [smem:$0x3FC7];
	(tm) =	ssettm $0x1  }
0x93: {  	s5 =	sld [smem:$0x3FFB];
	_ =	sdelay $0x3  }
0x94: {  	_ =	strace s5  }
0x95: {  	s5 =	sld [smem:$0x3FFC];
	_ =	sdelay $0x3  }
0x96: {  	_ =	strace s5  }
0x97: {  	s5 =	sld [smem:$0x3FFD];
	_ =	sdelay $0x3  }
0x98: {  	_ =	strace s5  }
0x99: {  	_ =	strace $0x8FFFFFFF  }
0x9a: {  	s19 =	sld [smem:$0x3FDB];
	_ =	sdelay $0x1  }
0x9b: {  	s6 =	simm.s32 $_scs_section_size  }
0x9c: {  	s7 =	simm.s32 $_size__tile_overlayer_lowered;
	s8 =	simm.s32 $_tile_overlayer_lowered  }
0x9d: {  	s22 =	simm.s32 $0x1BFF;
	s21 =	sshll.u32 s8, $0x1;
	s5 =	sadd.s32 s6, s19  }
0x9e: {  	s9 =	simm.s32 $0x0;
	s20 =	sshll.u32 s7, $0x1;
	s7 =	sadd.s32 s21, s5  }
0x9f: {  	[timem:s9], [sflag:s22] =	dma.local [hbm:s7], s20  }
0xa0: {  	_ =	swait.ge [sflag:s22], s20  }
0xa1: {  	s6 =	ssub.s32 $0x0, s20;
	[sflag:s22] =	ssyncset.done $0x0  }
0xa2: {  	[sflag:s22] =	ssyncadd.s32 s6;
	_ =	sdelay $0x1  }
0xa3: {  	s23 =	simm.s32 $0x1B8B  }
0xa4: {  	_ =	swait.ge [sflag:s23], $0x1  }
0xa5: {  	[sflag:s23] =	ssyncset.done $0x0  }
0xa6: {  	s25 =	simm.s32 $0x1B8E;
	s24 =	sld [smem:$0x3FFE];
	[sflag:s23] =	ssyncadd.s32 $0xFFFFFFFF  }
0xa7: {  	s26 =	simm.s32 $execute0_lowered;
	[smem:$0x3FD2] =	sst s25  }
0xa8: {  	s7 =	sshll.u32 s26, $0x1;
	_ =	strace $0x80000046;
	[dreg:$0x1] =	wrdreg $0xFFFFFFFF  }
0xa9: {  	s28 =	simm.s32 $_size_execute0_lowered;
	s5 =	sadd.s32 s5, s7;
	[dreg:$0x0] =	wrdreg $0x0  }
0xaa: {  	s7 =	sshll.u32 s28, $0x1;
	[dreg:$0x2] =	wrdreg s5  }
0xab: {  	[dreg:$0x3] =	wrdreg s7  }
0xac: {  	[dreg:$0x4] =	wrdreg $0xC0  }
0xad: {  	_ =	task [dreg:s9], $0x5FFFF  }
0xae: {  	[dreg:$0x1] =	wrdreg $0xFFFFFFFF  }
0xaf: {  	[dreg:$0x0] =	wrdreg $0x60  }
0xb0: {  	[dreg:$0x2] =	wrdreg s2  }
0xb1: {  	[dreg:$0x3] =	wrdreg s18  }
0xb2: {  	[dreg:$0x4] =	wrdreg s4  }
0xb3: {  	[dreg:$0x5] =	wrdreg s24  }
0xb4: {  	[dreg:$0x6] =	wrdreg $0x9  }
0xb5: {  	_ =	task.clear_ibuf [dreg:s9], $0x7FFFF;
	_ =	strace $0x90000046  }
0xb6: {  	s29 =	simm.s32 $0x9;
	_ =	strace $0x80000048  }
0xb7: {  	_ =	swait.ge [sflag:s29], $0x1  }
0xb8: {  	[sflag:s29] =	ssyncadd.s32 $0xFFFFFFFF  }
0xb9: {  	_ =	strace $0x90000048  }
0xba: {  	_ =	sfence  }
0xbb: {  	s30 =	sld [smem:$0x0];
	_ =	sdelay $0x2  }
0xbc: {  	s31 =	sshll.u32 s1, $0xD;
	s1 =	sshrl.u32 s1, $0x2  }
0xbd: {  	s3 =	sand.u32 $0x4000, s31;
	s1 =	sadd.s32 s1, s30  }
0xbe: {  	s0 =	sor.u32 s3, s0;
	s1 =	sshll.u32 s1, $0x11  }
0xbf: {  	s0 =	sor.u32 s1, s0  }
0xc0: {  	s0 =	sadd.s32 $0x8F2B, s0  }
0xc1: {  	[sflag:s0] =	ssyncadd.remote.s32 $0x1  }
0xc2: {  	_ =	sfence.sel $0xFFFF  }
0xc3: {  	[dreg:$0x0] =	wrdreg $0xFFFFFFFF;
	(pc) =	sbr.abs _section_cstart, $3  }
0xc4: {  	[dreg:$0x1] =	wrdreg $0xFFFFFFFF  }
0xc5: {  	_ =	task.clear_ibuf [dreg:s9], $0x2FFFF;
	_ =	strace $0x9FFFFFFF  }
0xc6: {  	(tm) =	ssettm $0x7FFFFFFF  }
0xc7: {  	_ =	shalt  }
tec
execute0_lowered:
.L_overlay_start_1:
0x0: {  	(tag) =	ssettag $0x1  }
0x1: {  	v0 =	vlaneseq.u32  }
0x2: {  	v1 =	vor.u32 $0x20, v0  }
0x3: {  	[tilespmem:$0x1FC50] =	vst v1;
	v1 =	vadd.s32 $0x21, v0  }
0x4: {  	[tilespmem:$0x1FC60] =	vst v1;
	v1 =	vadd.s32 $0x22, v0  }
0x5: {  	[tilespmem:$0x1FC70] =	vst v1;
	v1 =	vadd.s32 $0x23, v0  }
0x6: {  	v5 =	vimm.s32 $0x1C1B1A19;
	[tilespmem:$0x1FC80] =	vst v1;
	v1 =	vimm.s32 $0x14131211  }
0x7: {  	v7 =	vimm.s32 $0x38373635;
	v3 =	vunpack.c.0.s8.s32 v1;
	v1 =	vimm.s32 $0x18171615  }
0x8: {  	vm0 =	vcmask $0x1F10;
	v9 =	vunpack.c.0.s8.s32 v1;
	v1 =	vimm.s32 $0x1F1E1D  }
0x9: {  	v10 =	vunpack.c.0.s8.s32 v5;
	v5 =	vimm.s32 $0x34333231;
	v1 =	vunpack.c.0.s8.s32 v1  }
0xa: {  	v11 =	vimm.s32 $0x39383736;
	v19 =	vunpack.c.0.s8.s32 v7;
	v5 =	vunpack.c.0.s8.s32 v5  }
0xb: {  	v15 =	vimm.s32 $0x3A393837;
	v3 =	vsel vm0, v9, v3;
	v7 =	vsel vm0, v1, v10  }
0xc: {  	v13 =	vcombine.low v3, v7;
	v3 =	vsel vm0, v19, v5;
	v5 =	vimm.s32 $0x3C3B3A39  }
0xd: {  	[tilespmem:$0x1FC90] =	vst v9;
	v9 =	vimm.s32 $0x15141312;
	v26 =	vunpack.c.0.s8.s32 v5;
	v5 =	vimm.s32 $0x203F3E3D  }
0xe: {  	v28 =	vunpack.c.0.s8.s32 v5;
	v5 =	vunpack.c.0.s8.s32 v9;
	v9 =	vimm.s32 $0x19181716  }
0xf: {  	[tilespmem:$0x1FCA0] =	vst v10;
	v10 =	vimm.s32 $0x1001F1E;
	v24 =	vunpack.c.0.s8.s32 v9;
	v9 =	vimm.s32 $0x1D1C1B1A  }
0x10: {  	v36 =	vunpack.c.0.s8.s32 v11;
	v32 =	vunpack.c.0.s8.s32 v9;
	v9 =	vunpack.c.0.s8.s32 v10  }
0x11: {  	v29 =	vsel vm0, v28, v26;
	v10 =	vimm.s32 $0x35343332;
	v5 =	vsel vm0, v24, v5  }
0x12: {  	v10 =	vunpack.c.0.s8.s32 v10;
	v3 =	vcombine.low v3, v29;
	v14 =	vsel vm0, v9, v32  }
0x13: {  	v11 =	vimm.s32 $0x1E1D1C1B;
	v15 =	vunpack.c.0.s8.s32 v15;
	v22 =	vcombine.low v5, v14  }
0x14: {  	[tilespmem:$0x1FCB0] =	vst v3;
	v3 =	vsel vm0, v36, v10;
	v5 =	vimm.s32 $0x3D3C3B3A;
	v10 =	vimm.s32 $0x21203F3E  }
0x15: {  	v18 =	vunpack.c.0.s8.s32 v11;
	v12 =	vunpack.c.0.s8.s32 v5;
	v16 =	vunpack.c.0.s8.s32 v10  }
0x16: {  	v11 =	vimm.s32 $0x36353433;
	v5 =	vimm.s32 $0x16151413;
	v10 =	vimm.s32 $0x1A191817  }
0x17: {  	v17 =	vunpack.c.0.s8.s32 v10;
	v10 =	vimm.s32 $0x201001F;
	[tilespmem:$0x1FCC0] =	vst v12;
	v12 =	vsel vm0, v16, v12  }
0x18: {  	[tilespmem:$0x1FD20] =	vst v15;
	v5 =	vunpack.c.0.s8.s32 v5;
	v10 =	vunpack.c.0.s8.s32 v10;
	v3 =	vcombine.low v3, v12  }
0x19: {  	v11 =	vunpack.c.0.s8.s32 v11;
	[tilespmem:$0x1FD10] =	vst v18  }
0x1a: {  	[tilespmem:$0x1FCF0] =	vst v3;
	v3 =	vsel vm0, v17, v5;
	v5 =	vsel vm0, v10, v18  }
0x1b: {  	[tilespmem:$0x1FCD0] =	vst v16;
	v30 =	vcombine.low v3, v5;
	v3 =	vsel vm0, v15, v11;
	v11 =	vimm.s32 $0x3E3D3C3B  }
0x1c: {  	v16 =	vimm.s32 $0x1B1A1918;
	[tilespmem:$0x1FCE0] =	vst v12;
	v12 =	vunpack.c.0.s8.s32 v11;
	v11 =	vimm.s32 $0x2221203F  }
0x1d: {  	[tilespmem:$0x1FD00] =	vst v17;
	v18 =	vunpack.c.0.s8.s32 v16;
	v15 =	vimm.s32 $0x3020100;
	v17 =	vunpack.c.0.s8.s32 v11  }
0x1e: {  	v16 =	vimm.s32 $0x37363534;
	v11 =	vunpack.c.0.s8.s32 v15;
	v15 =	vimm.s32 $0x1F1E1D1C  }
0x1f: {  	v21 =	vunpack.c.0.s8.s32 v15;
	v15 =	vimm.s32 $0x17161514;
	[tilespmem:$0x1FD30] =	vst v12;
	v12 =	vsel vm0, v17, v12  }
0x20: {  	[tilespmem:$0x1FD40] =	vst v17;
	v15 =	vunpack.c.0.s8.s32 v15;
	v17 =	vimm.s32 $0x3B3A3938;
	v3 =	vcombine.low v3, v12  }
0x21: {  	v16 =	vunpack.c.0.s8.s32 v16;
	v17 =	vunpack.c.0.s8.s32 v17  }
0x22: {  	v11 =	vsel vm0, v11, v21;
	v15 =	vsel vm0, v18, v15;
	[tilespmem:$0x1FD70] =	vst v3;
	v3 =	vimm.s32 $0x3F3E3D3C  }
0x23: {  	v38 =	vcombine.low v15, v11;
	v11 =	vsel vm0, v17, v16;
	v3 =	vunpack.c.0.s8.s32 v3  }
0x24: {  	[tilespmem:$0x1FD90] =	vst v11  }
0x25: {  	v11 =	vimm.s32 $0x23222120;
	[tilespmem:$0x1FDA0] =	vst v3;
	v3 =	vimm.s32 $0x4030201  }
0x26: {  	[tilespmem:$0x1FD50] =	vst v18;
	v15 =	vimm.s32 $0x5040302;
	v11 =	vunpack.c.0.s8.s32 v11;
	v3 =	vunpack.c.0.s8.s32 v3  }
0x27: {  	vm1 =	vcmask $0x2F10;
	vm2 =	vcmask $0x3F30;
	[tilespmem:$0x1FD60] =	vst v12;
	v15 =	vunpack.c.0.s8.s32 v15  }
0x28: {  	v34 =	vadd.s32 $0x24, v0;
	[tilespmem:$0x1FDB0] =	vst v11;
	v11 =	vimm.s32 $0x24232221;
	v3 =	vsel vm0, v3, v1  }
0x29: {  	[tilespmem:$0x1FDC0] =	vst v3;
	v3 =	vunpack.c.0.s8.s32 v11;
	v11 =	vsel vm0, v15, v9;
	v15 =	vimm.s32 $0x25242322  }
0x2a: {  	v18 =	vimm.s32 $0x32107654;
	[tilespmem:$0x1FDE0] =	vst v11;
	v11 =	vimm.s32 $0x87654321;
	v12 =	vunpack.c.0.s8.s32 v15  }
0x2b: {  	v15 =	vimm.s32 $0x98765432;
	[tilespmem:$0x1FDD0] =	vst v3;
	v3 =	vimm.s32 $0x6050403;
	v11 =	vunpack.c.l.s4.s8 v11  }
0x2c: {  	v16 =	vimm.s32 $0x26252423;
	v15 =	vunpack.c.l.s4.s8 v15;
	v3 =	vunpack.c.0.s8.s32 v3  }
0x2d: {  	[tilespmem:$0x1FD80] =	vst v17;
	v17 =	vimm.s32 $0xA9876543;
	v18 =	vunpack.c.l.s4.s8 v18;
	v11 =	vunpack.c.0.s8.s32 v11  }
0x2e: {  	v17 =	vunpack.c.l.s4.s8 v17;
	v15 =	vunpack.c.0.s8.s32 v15;
	v3 =	vsel vm0, v3, v10  }
0x2f: {  	[tilespmem:$0x1FE00] =	vst v3;
	v3 =	vunpack.c.0.s8.s32 v16;
	v16 =	vimm.s32 $0x27262524;
	v11 =	vand.u32 $0xF, v11  }
0x30: {  	[tilespmem:$0x1FDF0] =	vst v12;
	v12 =	vunpack.c.0.s8.s32 v16;
	v49 =	vcombine.low v7, v11;
	v7 =	vimm.s32 $0x28272625  }
0x31: {  	v11 =	vand.u32 $0xF, v15;
	v15 =	vunpack.c.0.s8.s32 v17;
	v16 =	vunpack.c.0.s8.s32 v18  }
0x32: {  	s0 =	rddreg [dreg:$0x0];
	v17 =	vimm.s32 $0x54329876;
	[tilespmem:$0x1FE10] =	vst v3;
	v3 =	vimm.s32 $0x76543210;
	v18 =	vunpack.c.0.s8.s32 v7  }
0x33: {  	s1 =	rddreg [dreg:$0x1];
	s2 =	simm.s32 $0x0;
	v51 =	vcombine.low v14, v11;
	v7 =	vimm.s32 $0x29282726;
	v17 =	vunpack.c.l.s4.s8 v17  }
0x34: {  	[smem:$0x7FF] =	sst s2;
	[tilespmem:$0x1FE20] =	vst v21;
	v3 =	vunpack.c.l.s4.s8 v3;
	v11 =	vand.u32 $0xF, v15;
	v15 =	vimm.s32 $0x43218765  }
0x35: {  	s3 =	rddreg [dreg:$0x3];
	v14 =	vand.u32 $0xF, v16;
	v16 =	vimm.s32 $0xB0A0908;
	_ =	strace $0x80000047;
	[tilespmem:$0x1FE40] =	vst v12;
	v15 =	vunpack.c.l.s4.s8 v15  }
0x36: {  	[tilespmem:$0x1FF80] =	vst v36;
	v14 =	vsel vm1, v14, v21;
	v16 =	vunpack.c.0.s8.s32 v16;
	v21 =	vunpack.c.0.s8.s32 v7  }
0x37: {  	[tilespmem:$0x1FF90] =	vst v32;
	v53 =	vcombine.low v5, v11;
	v5 =	vimm.s32 $0x2B2A2928;
	v11 =	vunpack.c.0.s8.s32 v17  }
0x38: {  	[tilespmem:$0x1FFA0] =	vst v29;
	v5 =	vunpack.c.0.s8.s32 v5;
	v3 =	vunpack.c.0.s8.s32 v3;
	v15 =	vunpack.c.0.s8.s32 v15  }
0x39: {  	[tilespmem:$0x1FFB0] =	vst v24;
	v54 =	vsel vm2, v16, v14;
	v14 =	vimm.s32 $0x6543A987;
	v11 =	vand.u32 $0xF, v11  }
0x3a: {  	[tilespmem:$0x1FFC0] =	vst v19;
	v14 =	vunpack.c.l.s4.s8 v14;
	v9 =	vsel vm1, v11, v9;
	v7 =	vand.u32 $0xF, v15  }
0x3b: {  	[tilespmem:$0x1FFD0] =	vst v28;
	v15 =	vimm.s32 $0xD0C0B0A;
	v1 =	vsel vm1, v7, v1;
	v7 =	vimm.s32 $0xC0B0A09  }
0x3c: {  	[tilespmem:$0x1FFE0] =	vst v34;
	v11 =	vunpack.c.0.s8.s32 v15;
	v15 =	vimm.s32 $0x2A292827;
	v7 =	vunpack.c.0.s8.s32 v7  }
0x3d: {  	[tilespmem:$0x1FE30] =	vst v3;
	v5 =	vsel vm0, v5, v12;
	v14 =	vunpack.c.0.s8.s32 v14;
	v3 =	vunpack.c.0.s8.s32 v15  }
0x3e: {  	[tilespmem:$0x1FFF0] =	vst v26;
	v56 =	vsel vm2, v11, v9;
	v55 =	vsel vm2, v7, v1;
	v1 =	vimm.s32 $0xE0D0C0B  }
0x3f: {  	[tilespmem:$0x1FE60] =	vst v18;
	v9 =	vand.u32 $0xF, v14;
	v7 =	vimm.s32 $0x2C2B2A29;
	v1 =	vunpack.c.0.s8.s32 v1  }
0x40: {  	[tilespmem:$0x1FE80] =	vst v21;
	v9 =	vsel vm1, v9, v10;
	v10 =	vimm.s32 $0x2D2C2B2A;
	v7 =	vunpack.c.0.s8.s32 v7  }
0x41: {  	[tilespmem:$0x1FE50] =	vst v5;
	v10 =	vunpack.c.0.s8.s32 v10;
	v57 =	vsel vm2, v1, v9;
	v1 =	vimm.s32 $0x2E2D2C2B  }
0x42: {  	[tilespmem:$0x1FEA0] =	vst v3;
	v5 =	vsel vm0, v7, v18;
	v1 =	vunpack.c.0.s8.s32 v1  }
0x43: {  	[tilespmem:$0x1FE70] =	vst v5;
	v5 =	vsel vm0, v10, v21  }
0x44: {  	s4 =	srdreg.scid;
	s6 =	stileid.u32;
	[tilespmem:$0x1FE90] =	vst v5;
	v1 =	vsel vm0, v1, v3  }
0x45: {  	s12 =	simm.s32 $0x7;
	s13 =	simm.s32 $0x200;
	s14 =	simm.s32 $0x600;
	[tilespmem:$0x1FEB0] =	vst v1;
	v1 =	vadd.s32 $0x25, v0  }
0x46: {  	s15 =	simm.s32 $0x80;
	s16 =	simm.s32 $0x400;
	s17 =	simm.s32 $0xA00;
	[tilespmem:$0x1FEC0] =	vst v1;
	v1 =	vadd.s32 $0x26, v0  }
0x47: {  	s18 =	simm.s32 $0x480;
	s19 =	simm.s32 $0x4A00;
	s20 =	simm.s32 $0x500;
	[tilespmem:$0x1FED0] =	vst v1;
	v1 =	vadd.s32 $0x27, v0  }
0x48: {  	s21 =	simm.s32 $0x8A00;
	s22 =	simm.s32 $0x580;
	s23 =	simm.s32 $0xCA00;
	[tilespmem:$0x1FEE0] =	vst v1;
	v1 =	vadd.s32 $0x28, v0  }
0x49: {  	s24 =	simm.s32 $0x1;
	s25 =	simm.s32 $0x10A00;
	s26 =	simm.s32 $0x2;
	[tilespmem:$0x1FEF0] =	vst v1;
	v1 =	vadd.s32 $0x29, v0  }
0x4a: {  	s28 =	simm.s32 $0x14A00;
	s29 =	simm.s32 $0x3;
	v2 =	vadd.s32 $0x1, v0;
	s5 =	sand.u32 $0x1, s4;
	[tilespmem:$0x1FF00] =	vst v1;
	v1 =	vadd.s32 $0x2A, v0  }
0x4b: {  	s30 =	simm.s32 $0x5;
	v4 =	vadd.s32 $0x2, v0;
	v6 =	vadd.s32 $0x3, v0;
	s6 =	sshll.u32 s6, $0xA;
	s7 =	sshll.u32 s5, $0x9;
	[tilespmem:$0x1FF10] =	vst v1;
	v1 =	vadd.s32 $0x2B, v0  }
0x4c: {  	s31 =	simm.s32 $0x4;
	v8 =	vadd.s32 $0x4, v0;
	v20 =	vadd.s32 $0x5, v0;
	s5 =	ssub.s32 $0x2, s5;
	s6 =	sor.u32 s7, s6;
	[tilespmem:$0x1FF20] =	vst v1;
	v1 =	vadd.s32 $0x2C, v0  }
0x4d: {  	s4 =	sadd.s32 $0x186E00, s3;
	v23 =	vadd.s32 $0xA, v0;
	v25 =	vadd.s32 $0xB, v0;
	s8 =	sshrl.u32 s5, $0x1;
	s7 =	sshll.u32 s6, $0x4;
	[tilespmem:$0x1FF30] =	vst v1;
	v1 =	vadd.s32 $0x2D, v0  }
0x4e: {  	v27 =	vadd.s32 $0xC, v0;
	v31 =	vadd.s32 $0xD, v0;
	s6 =	sshrl.u32 s6, $0x3;
	s11 =	ssub.s32 s5, s8;
	s3 =	sadd.s32 s7, s3;
	[tilespmem:$0x1FF40] =	vst v1;
	v1 =	vadd.s32 $0x2E, v0  }
0x4f: {  	v33 =	vadd.s32 $0xE, v0;
	v35 =	vadd.s32 $0xF, v0;
	s5 =	sadd.s32 s0, s6;
	s6 =	sadd.s32 s1, s6;
	s11 =	smax.u32 s11, $0x1;
	[tilespmem:$0x1FF50] =	vst v1;
	v1 =	vadd.s32 $0x2F, v0  }
0x50: {  	v39 =	vor.u32 $0x10, v0;
	s1 =	simm.s32 $0x6;
	s7 =	sadd.s32 $0x400, s3;
	s8 =	sadd.s32 $0xC00, s3;
	v16 =	vadd.s32 $0x8, v0;
	[tilespmem:$0x1FF60] =	vst v1;
	v1 =	vor.u32 $0x30, v0  }
0x51: {  	s9 =	sadd.s32 $0x1400, s3;
	s10 =	sadd.s32 $0x1C00, s3;
	s3 =	simm.s32 $0x0;
	v14 =	vadd.s32 $0x7, v0;
	v18 =	vadd.s32 $0x9, v0;
	v10 =	vadd.s32 $0x6, v0;
	[tilespmem:$0x1FF70] =	vst v1  }
.LBB2_1:
0x52: {  	[tilespmem:s2], [sflag:$0x7] =	stream.linear.gather [hbm4b:s5+s2], $0x200, $0x38;
	[tilespmem:$0x18A00] =	vst v63  }
0x53: {  	_ =	swait.ge [sflag:s12], $0x200  }
0x54: {  	[sflag:s12] =	ssyncset.done $0x0  }
0x55: {  	[sflag:s12] =	ssyncadd.s32 $0xFFFFFE00  }
0x56: {  	[tilespmem:s13], [sflag:$0x7] =	stream.linear.gather [hbm4b:s6+s2], $0x200, $0x38;
	[tilespmem:$0x18A00] =	vst v63  }
0x57: {  	_ =	swait.ge [sflag:s12], $0x200  }
0x58: {  	[sflag:s12] =	ssyncset.done $0x0  }
0x59: {  	[sflag:s12] =	ssyncadd.s32 $0xFFFFFE00  }
0x5a: {  	s0 =	rddreg [dreg:$0x2]  }
0x5b: {  	[tilespmem:s14], [sflag:$0x7] =	stream.linear.gather [hbm4b:s0+s2], $0x400, $0x38;
	[tilespmem:$0x18A00] =	vst v63  }
0x5c: {  	_ =	swait.ge [sflag:s12], $0x400  }
0x5d: {  	[sflag:s12] =	ssyncset.done $0x0  }
0x5e: {  	[sflag:s12] =	ssyncadd.s32 $0xFFFFFC00  }
0x5f: {  	v1 =	vld [tilespmem:$0x200]  }
0x60: {  	v3 =	vld [tilespmem:$0x210]  }
0x61: {  	v5 =	vld [tilespmem:$0x220]  }
0x62: {  	v7 =	vld [tilespmem:$0x230]  }
0x63: {  	v40 =	vld [tilespmem:$0x240]  }
0x64: {  	v41 =	vld [tilespmem:$0x250];
	v1 =	vshrl.u32 v1, $0x2  }
0x65: {  	[tilespmem:$0x400] =	vst v1;
	v1 =	vshrl.u32 v3, $0x2;
	v3 =	vld [tilespmem:$0x260]  }
0x66: {  	[tilespmem:$0x410] =	vst v1;
	v1 =	vshrl.u32 v5, $0x2;
	v5 =	vld [tilespmem:$0x270]  }
0x67: {  	[tilespmem:$0x420] =	vst v1;
	v1 =	vshrl.u32 v7, $0x2;
	v7 =	vld [tilespmem:$0x280]  }
0x68: {  	v47 =	vld [tilespmem:$0x290];
	[tilespmem:$0x430] =	vst v1;
	v1 =	vshrl.u32 v40, $0x2  }
0x69: {  	v48 =	vld [tilespmem:$0x2A0];
	[tilespmem:$0x440] =	vst v1;
	v1 =	vshrl.u32 v41, $0x2  }
0x6a: {  	[tilespmem:$0x450] =	vst v1;
	v1 =	vshrl.u32 v3, $0x2;
	v3 =	vld [tilespmem:$0x2B0]  }
0x6b: {  	[tilespmem:$0x460] =	vst v1;
	v1 =	vshrl.u32 v5, $0x2;
	v5 =	vld [tilespmem:$0x2C0]  }
0x6c: {  	[tilespmem:$0x470] =	vst v1;
	v1 =	vshrl.u32 v7, $0x2;
	v7 =	vld [tilespmem:$0x2D0]  }
0x6d: {  	v50 =	vld [tilespmem:$0x2E0];
	[tilespmem:$0x480] =	vst v1;
	v1 =	vshrl.u32 v47, $0x2  }
0x6e: {  	v52 =	vld [tilespmem:$0x2F0];
	[tilespmem:$0x490] =	vst v1;
	v1 =	vshrl.u32 v48, $0x2  }
0x6f: {  	[tilespmem:$0x4A0] =	vst v1;
	v1 =	vshrl.u32 v3, $0x2;
	v3 =	vld [tilespmem:$0x300]  }
0x70: {  	[tilespmem:$0x4B0] =	vst v1;
	v1 =	vshrl.u32 v5, $0x2;
	v5 =	vld [tilespmem:$0x310]  }
0x71: {  	[tilespmem:$0x4C0] =	vst v1;
	v1 =	vshrl.u32 v7, $0x2;
	v7 =	vld [tilespmem:$0x320]  }
0x72: {  	v58 =	vld [tilespmem:$0x330];
	[tilespmem:$0x4D0] =	vst v1;
	v1 =	vshrl.u32 v50, $0x2  }
0x73: {  	v59 =	vld [tilespmem:$0x340];
	[tilespmem:$0x4E0] =	vst v1;
	v1 =	vshrl.u32 v52, $0x2  }
0x74: {  	[tilespmem:$0x4F0] =	vst v1;
	v1 =	vshrl.u32 v3, $0x2;
	v3 =	vld [tilespmem:$0x350]  }
0x75: {  	[tilespmem:$0x500] =	vst v1;
	v1 =	vshrl.u32 v5, $0x2;
	v5 =	vld [tilespmem:$0x360]  }
0x76: {  	[tilespmem:$0x510] =	vst v1;
	v1 =	vshrl.u32 v7, $0x2;
	v7 =	vld [tilespmem:$0x370]  }
0x77: {  	v60 =	vld [tilespmem:$0x380];
	[tilespmem:$0x520] =	vst v1;
	v1 =	vshrl.u32 v58, $0x2  }
0x78: {  	v61 =	vld [tilespmem:$0x390];
	[tilespmem:$0x530] =	vst v1;
	v1 =	vshrl.u32 v59, $0x2  }
0x79: {  	[tilespmem:$0x540] =	vst v1;
	v1 =	vshrl.u32 v3, $0x2;
	v3 =	vld [tilespmem:$0x3A0]  }
0x7a: {  	[tilespmem:$0x550] =	vst v1;
	v1 =	vshrl.u32 v5, $0x2;
	v5 =	vld [tilespmem:$0x3B0]  }
0x7b: {  	[tilespmem:$0x560] =	vst v1;
	v1 =	vshrl.u32 v7, $0x2;
	v7 =	vld [tilespmem:$0x3C0]  }
0x7c: {  	v62 =	vld [tilespmem:$0x3D0];
	[tilespmem:$0x570] =	vst v1;
	v1 =	vshrl.u32 v60, $0x2  }
0x7d: {  	v63 =	vld [tilespmem:$0x3E0];
	[tilespmem:$0x580] =	vst v1;
	v1 =	vshrl.u32 v61, $0x2  }
0x7e: {  	[tilespmem:$0x590] =	vst v1;
	v1 =	vshrl.u32 v3, $0x2;
	v3 =	vld [tilespmem:$0x3F0]  }
0x7f: {  	[tilespmem:$0x5A0] =	vst v1;
	v1 =	vshrl.u32 v5, $0x2  }
0x80: {  	[tilespmem:$0x5B0] =	vst v1;
	v1 =	vshrl.u32 v7, $0x2  }
0x81: {  	[tilespmem:$0x5C0] =	vst v1;
	v1 =	vshrl.u32 v62, $0x2  }
0x82: {  	[tilespmem:$0x5D0] =	vst v1;
	v1 =	vshrl.u32 v63, $0x2  }
0x83: {  	[tilespmem:$0x5E0] =	vst v1;
	v1 =	vshrl.u32 v3, $0x2  }
0x84: {  	[tilespmem:$0x5F0] =	vst v1  }
0x85: {  	[tilespmem:s17], [sflag:$0x1] =	stream.indirect.gather [hbm4b:s4+s15], $0x80, s16, s15, $0xb8;
	[tilespmem:$0x18A00] =	vst v63  }
0x86: {  	_ = 	snop  }
0x87: {  	[tilespmem:s19], [sflag:$0x2] =	stream.indirect.gather [hbm4b:s4+s15], $0x80, s18, s15, $0xb8;
	[tilespmem:$0x18A00] =	vst v63  }
0x88: {  	_ = 	snop  }
0x89: {  	[tilespmem:s21], [sflag:$0x3] =	stream.indirect.gather [hbm4b:s4+s15], $0x80, s20, s15, $0xb8;
	[tilespmem:$0x18A00] =	vst v63  }
0x8a: {  	_ = 	snop  }
0x8b: {  	[tilespmem:s23], [sflag:$0x4] =	stream.indirect.gather [hbm4b:s4+s15], $0x80, s22, s15, $0xb8;
	[tilespmem:$0x18A00] =	vst v63  }
0x8c: {  	_ =	swait.ge [sflag:s24], $0x4000  }
0x8d: {  	v17 =	vld [tilespmem:$0x1FDA0]  }
0x8e: {  	v19 =	vld [tilespmem:$0x1FDB0]  }
0x8f: {  	v26 =	vld [tilespmem:$0x1FDD0]  }
0x90: {  	v28 =	vld [tilespmem:$0x1FDF0]  }
0x91: {  	v34 =	vld [tilespmem:$0x1FE10]  }
0x92: {  	v11 =	vld [tilespmem:$0x1FF00]  }
0x93: {  	v15 =	vld [tilespmem:$0x1FF10]  }
0x94: {  	v24 =	vld [tilespmem:$0x1FF20]  }
0x95: {  	v42 =	vld [tilespmem:$0x1FF30]  }
0x96: {  	v36 =	vld [tilespmem:$0x1FF40]  }
0x97: {  	v37 =	vld [tilespmem:$0x1FF50]  }
0x98: {  	[sflag:s24] =	ssyncset.done $0x0;
	v32 =	vld [tilespmem:$0x1FF60]  }
0x99: {  	s0 =	simm.s32 $0x0;
	v9 =	vld [tilespmem:$0x1FF70];
	[sflag:s24] =	ssyncadd.s32 $0xFFFFC000  }
.LBB2_2:
0x9a: {  	v1 =	vor.u32 s0, v0;
	_ =	sdelay $0x4  }
0x9b: {  	v3 =	vld.idx.msk [tilespmem:v1+s2+$0x0], $0xffff;
	_ =	sdelay $0x4  }
0x9c: {  	v47 =	vshll.u32 v3, $0x7  }
0x9d: {  	v3 =	vor.u32 v0, v47;
	_ =	sdelay $0x1  }
0x9e: {  	v5 =	vld.idx.msk [tilespmem:v1+s13+$0x0], $0xffff;
	_ =	sdelay $0x1  }
0x9f: {  	v1 =	vshll.u32 v1, $0x7  }
0xa0: {  	v40 =	vor.u32 v0, v1;
	v7 =	vld.idx.msk [tilespmem:v3+s14+$0x0], $0xffff;
	_ =	sdelay $0x1  }
0xa1: {  	v5 =	vshll.u32 v5, $0x5  }
0xa2: {  	v5 =	vand.u32 $0x60, v5  }
0xa3: {  	v3 =	vor.u32 v1, v5  }
0xa4: {  	v5 =	vor.u32 v0, v3;
	[tilespmem:v40+s25+$0x0] =	vst.idx.msk $0xffff, v7;
	v7 =	vld [tilespmem:$0x1FC50];
	_ =	sdelay $0x4  }
0xa5: {  	v5 =	vld.idx.msk [tilespmem:v5+s17+$0x0], $0xffff;
	v7 =	vor.u32 v7, v1  }
0xa6: {  	v46 =	vor.u32 v2, v47;
	_ =	sdelay $0x3  }
0xa7: {  	[tilespmem:v7+s25+$0x0] =	vst.idx.msk $0xffff, v5  }
0xa8: {  	v7 =	vor.u32 v2, v1;
	v5 =	vld.idx.msk [tilespmem:v46+s14+$0x0], $0xffff;
	_ =	sdelay $0x4  }
0xa9: {  	v48 =	vor.u32 v2, v3;
	[tilespmem:v7+s25+$0x0] =	vst.idx.msk $0xffff, v5;
	v7 =	vld [tilespmem:$0x1FC60];
	_ =	sdelay $0x4  }
0xaa: {  	v5 =	vld.idx.msk [tilespmem:v48+s17+$0x0], $0xffff;
	v7 =	vor.u32 v7, v1  }
0xab: {  	v50 =	vor.u32 v4, v47;
	_ =	sdelay $0x3  }
0xac: {  	[tilespmem:v7+s25+$0x0] =	vst.idx.msk $0xffff, v5  }
0xad: {  	v7 =	vor.u32 v4, v1;
	v5 =	vld.idx.msk [tilespmem:v50+s14+$0x0], $0xffff;
	_ =	sdelay $0x4  }
0xae: {  	v52 =	vor.u32 v4, v3;
	[tilespmem:v7+s25+$0x0] =	vst.idx.msk $0xffff, v5;
	v7 =	vld [tilespmem:$0x1FC70];
	_ =	sdelay $0x4  }
0xaf: {  	v5 =	vld.idx.msk [tilespmem:v52+s17+$0x0], $0xffff;
	v7 =	vor.u32 v7, v1  }
0xb0: {  	v58 =	vor.u32 v6, v47;
	_ =	sdelay $0x3  }
0xb1: {  	[tilespmem:v7+s25+$0x0] =	vst.idx.msk $0xffff, v5  }
0xb2: {  	v7 =	vor.u32 v6, v1;
	v5 =	vld.idx.msk [tilespmem:v58+s14+$0x0], $0xffff;
	_ =	sdelay $0x4  }
0xb3: {  	v59 =	vor.u32 v6, v3;
	[tilespmem:v7+s25+$0x0] =	vst.idx.msk $0xffff, v5;
	v7 =	vld [tilespmem:$0x1FC80];
	_ =	sdelay $0x4  }
0xb4: {  	v5 =	vld.idx.msk [tilespmem:v59+s17+$0x0], $0xffff;
	v7 =	vor.u32 v7, v1  }
0xb5: {  	v60 =	vor.u32 v8, v47;
	_ =	sdelay $0x3  }
0xb6: {  	[tilespmem:v7+s25+$0x0] =	vst.idx.msk $0xffff, v5  }
0xb7: {  	v7 =	vor.u32 v8, v1;
	v5 =	vld.idx.msk [tilespmem:v60+s14+$0x0], $0xffff;
	_ =	sdelay $0x4  }
0xb8: {  	v61 =	vor.u32 v8, v3;
	[tilespmem:v7+s25+$0x0] =	vst.idx.msk $0xffff, v5;
	v7 =	vld [tilespmem:$0x1FFE0];
	_ =	sdelay $0x4  }
0xb9: {  	v5 =	vld.idx.msk [tilespmem:v61+s17+$0x0], $0xffff;
	v7 =	vor.u32 v7, v1  }
0xba: {  	v62 =	vor.u32 v20, v47;
	_ =	sdelay $0x3  }
0xbb: {  	[tilespmem:v7+s25+$0x0] =	vst.idx.msk $0xffff, v5  }
0xbc: {  	v7 =	vor.u32 v20, v1;
	v5 =	vld.idx.msk [tilespmem:v62+s14+$0x0], $0xffff;
	_ =	sdelay $0x4  }
0xbd: {  	v63 =	vor.u32 v20, v3;
	[tilespmem:v7+s25+$0x0] =	vst.idx.msk $0xffff, v5;
	v7 =	vld [tilespmem:$0x1FEC0];
	_ =	sdelay $0x4  }
0xbe: {  	v5 =	vld.idx.msk [tilespmem:v63+s17+$0x0], $0xffff;
	v7 =	vor.u32 v7, v1  }
0xbf: {  	v44 =	vor.u32 v10, v47;
	_ =	sdelay $0x3  }
0xc0: {  	[tilespmem:v7+s25+$0x0] =	vst.idx.msk $0xffff, v5  }
0xc1: {  	v7 =	vor.u32 v10, v1;
	v5 =	vld.idx.msk [tilespmem:v44+s14+$0x0], $0xffff;
	_ =	sdelay $0x4  }
0xc2: {  	v45 =	vor.u32 v10, v3;
	[tilespmem:v7+s25+$0x0] =	vst.idx.msk $0xffff, v5;
	v7 =	vld [tilespmem:$0x1FED0];
	_ =	sdelay $0x4  }
0xc3: {  	v5 =	vld.idx.msk [tilespmem:v45+s17+$0x0], $0xffff;
	v7 =	vor.u32 v7, v1  }
0xc4: {  	v46 =	vor.u32 v14, v47;
	_ =	sdelay $0x3  }
0xc5: {  	[tilespmem:v7+s25+$0x0] =	vst.idx.msk $0xffff, v5  }
0xc6: {  	v7 =	vor.u32 v14, v1;
	v5 =	vld.idx.msk [tilespmem:v46+s14+$0x0], $0xffff;
	_ =	sdelay $0x4  }
0xc7: {  	v48 =	vor.u32 v14, v3;
	[tilespmem:v7+s25+$0x0] =	vst.idx.msk $0xffff, v5;
	v7 =	vld [tilespmem:$0x1FEE0];
	_ =	sdelay $0x4  }
0xc8: {  	v5 =	vld.idx.msk [tilespmem:v48+s17+$0x0], $0xffff;
	v7 =	vor.u32 v7, v1  }
0xc9: {  	v50 =	vor.u32 v16, v47;
	_ =	sdelay $0x3  }
0xca: {  	[tilespmem:v7+s25+$0x0] =	vst.idx.msk $0xffff, v5  }
0xcb: {  	v7 =	vor.u32 v16, v1;
	v5 =	vld.idx.msk [tilespmem:v50+s14+$0x0], $0xffff;
	_ =	sdelay $0x4  }
0xcc: {  	v52 =	vor.u32 v16, v3;
	[tilespmem:v7+s25+$0x0] =	vst.idx.msk $0xffff, v5;
	v7 =	vld [tilespmem:$0x1FEF0];
	_ =	sdelay $0x4  }
0xcd: {  	v5 =	vld.idx.msk [tilespmem:v52+s17+$0x0], $0xffff;
	v7 =	vor.u32 v7, v1  }
0xce: {  	v58 =	vor.u32 v18, v47;
	_ =	sdelay $0x3  }
0xcf: {  	[tilespmem:v7+s25+$0x0] =	vst.idx.msk $0xffff, v5  }
0xd0: {  	v7 =	vor.u32 v18, v1;
	v5 =	vld.idx.msk [tilespmem:v58+s14+$0x0], $0xffff  }
0xd1: {  	v59 =	vor.u32 v18, v3;
	_ =	sdelay $0x3  }
0xd2: {  	[tilespmem:v7+s25+$0x0] =	vst.idx.msk $0xffff, v5  }
0xd3: {  	v7 =	vor.u32 v11, v1;
	v5 =	vld.idx.msk [tilespmem:v59+s17+$0x0], $0xffff  }
0xd4: {  	v60 =	vor.u32 v23, v47;
	_ =	sdelay $0x3  }
0xd5: {  	[tilespmem:v7+s25+$0x0] =	vst.idx.msk $0xffff, v5  }
0xd6: {  	v7 =	vor.u32 v23, v1;
	v5 =	vld.idx.msk [tilespmem:v60+s14+$0x0], $0xffff  }
0xd7: {  	v61 =	vor.u32 v23, v3;
	_ =	sdelay $0x3  }
0xd8: {  	[tilespmem:v7+s25+$0x0] =	vst.idx.msk $0xffff, v5  }
0xd9: {  	v7 =	vor.u32 v15, v1;
	v5 =	vld.idx.msk [tilespmem:v61+s17+$0x0], $0xffff  }
0xda: {  	v62 =	vor.u32 v25, v47;
	_ =	sdelay $0x3  }
0xdb: {  	[tilespmem:v7+s25+$0x0] =	vst.idx.msk $0xffff, v5  }
0xdc: {  	v7 =	vor.u32 v25, v1;
	v5 =	vld.idx.msk [tilespmem:v62+s14+$0x0], $0xffff  }
0xdd: {  	v63 =	vor.u32 v25, v3;
	_ =	sdelay $0x3  }
0xde: {  	[tilespmem:v7+s25+$0x0] =	vst.idx.msk $0xffff, v5  }
0xdf: {  	v7 =	vor.u32 v24, v1;
	v5 =	vld.idx.msk [tilespmem:v63+s17+$0x0], $0xffff  }
0xe0: {  	v44 =	vor.u32 v27, v47;
	_ =	sdelay $0x3  }
0xe1: {  	[tilespmem:v7+s25+$0x0] =	vst.idx.msk $0xffff, v5  }
0xe2: {  	v7 =	vor.u32 v27, v1;
	v5 =	vld.idx.msk [tilespmem:v44+s14+$0x0], $0xffff  }
0xe3: {  	v45 =	vor.u32 v27, v3;
	_ =	sdelay $0x3  }
0xe4: {  	[tilespmem:v7+s25+$0x0] =	vst.idx.msk $0xffff, v5  }
0xe5: {  	v7 =	vor.u32 v42, v1;
	v5 =	vld.idx.msk [tilespmem:v45+s17+$0x0], $0xffff  }
0xe6: {  	v46 =	vor.u32 v31, v47;
	_ =	sdelay $0x3  }
0xe7: {  	[tilespmem:v7+s25+$0x0] =	vst.idx.msk $0xffff, v5  }
0xe8: {  	v7 =	vor.u32 v31, v1;
	v5 =	vld.idx.msk [tilespmem:v46+s14+$0x0], $0xffff  }
0xe9: {  	v48 =	vor.u32 v31, v3;
	_ =	sdelay $0x3  }
0xea: {  	[tilespmem:v7+s25+$0x0] =	vst.idx.msk $0xffff, v5  }
0xeb: {  	v7 =	vor.u32 v36, v1;
	v5 =	vld.idx.msk [tilespmem:v48+s17+$0x0], $0xffff  }
0xec: {  	v50 =	vor.u32 v33, v47;
	_ =	sdelay $0x3  }
0xed: {  	[tilespmem:v7+s25+$0x0] =	vst.idx.msk $0xffff, v5  }
0xee: {  	v7 =	vor.u32 v33, v1;
	v5 =	vld.idx.msk [tilespmem:v50+s14+$0x0], $0xffff  }
0xef: {  	v52 =	vor.u32 v33, v3;
	_ =	sdelay $0x3  }
0xf0: {  	[tilespmem:v7+s25+$0x0] =	vst.idx.msk $0xffff, v5  }
0xf1: {  	v7 =	vor.u32 v37, v1;
	v5 =	vld.idx.msk [tilespmem:v52+s17+$0x0], $0xffff  }
0xf2: {  	v58 =	vor.u32 v35, v47;
	_ =	sdelay $0x3  }
0xf3: {  	[tilespmem:v7+s25+$0x0] =	vst.idx.msk $0xffff, v5  }
0xf4: {  	v7 =	vor.u32 v35, v1;
	v5 =	vld.idx.msk [tilespmem:v58+s14+$0x0], $0xffff  }
0xf5: {  	v59 =	vor.u32 v35, v3;
	_ =	sdelay $0x3  }
0xf6: {  	[tilespmem:v7+s25+$0x0] =	vst.idx.msk $0xffff, v5  }
0xf7: {  	v7 =	vor.u32 v32, v1;
	v5 =	vld.idx.msk [tilespmem:v59+s17+$0x0], $0xffff  }
0xf8: {  	v60 =	vor.u32 v39, v47;
	_ =	sdelay $0x3  }
0xf9: {  	[tilespmem:v7+s25+$0x0] =	vst.idx.msk $0xffff, v5  }
0xfa: {  	v7 =	vor.u32 v39, v1;
	v5 =	vld.idx.msk [tilespmem:v60+s14+$0x0], $0xffff  }
0xfb: {  	v61 =	vor.u32 v39, v3;
	_ =	sdelay $0x3  }
0xfc: {  	[tilespmem:v7+s25+$0x0] =	vst.idx.msk $0xffff, v5  }
0xfd: {  	v7 =	vor.u32 v9, v1;
	v5 =	vld.idx.msk [tilespmem:v61+s17+$0x0], $0xffff  }
0xfe: {  	v62 =	vor.u32 v13, v47;
	_ =	sdelay $0x3  }
0xff: {  	[tilespmem:v7+s25+$0x0] =	vst.idx.msk $0xffff, v5  }
0x100: {  	v7 =	vor.u32 v13, v1;
	v5 =	vld.idx.msk [tilespmem:v62+s14+$0x0], $0xffff;
	_ =	sdelay $0x4  }
0x101: {  	v63 =	vor.u32 v13, v3;
	[tilespmem:v7+s25+$0x0] =	vst.idx.msk $0xffff, v5;
	v7 =	vld [tilespmem:$0x1FCB0];
	_ =	sdelay $0x4  }
0x102: {  	v5 =	vld.idx.msk [tilespmem:v63+s17+$0x0], $0xffff;
	v7 =	vor.u32 v7, v1  }
0x103: {  	v44 =	vor.u32 v22, v47;
	_ =	sdelay $0x3  }
0x104: {  	[tilespmem:v7+s25+$0x0] =	vst.idx.msk $0xffff, v5  }
0x105: {  	v7 =	vor.u32 v22, v1;
	v5 =	vld.idx.msk [tilespmem:v44+s14+$0x0], $0xffff;
	_ =	sdelay $0x4  }
0x106: {  	v45 =	vor.u32 v22, v3;
	[tilespmem:v7+s25+$0x0] =	vst.idx.msk $0xffff, v5;
	v7 =	vld [tilespmem:$0x1FCF0];
	_ =	sdelay $0x4  }
0x107: {  	v5 =	vld.idx.msk [tilespmem:v45+s17+$0x0], $0xffff;
	v7 =	vor.u32 v7, v1  }
0x108: {  	v46 =	vor.u32 v30, v47;
	_ =	sdelay $0x3  }
0x109: {  	[tilespmem:v7+s25+$0x0] =	vst.idx.msk $0xffff, v5  }
0x10a: {  	v7 =	vor.u32 v30, v1;
	v5 =	vld.idx.msk [tilespmem:v46+s14+$0x0], $0xffff;
	_ =	sdelay $0x4  }
0x10b: {  	v48 =	vor.u32 v30, v3;
	[tilespmem:v7+s25+$0x0] =	vst.idx.msk $0xffff, v5;
	v7 =	vld [tilespmem:$0x1FD70];
	_ =	sdelay $0x4  }
0x10c: {  	v5 =	vld.idx.msk [tilespmem:v48+s17+$0x0], $0xffff;
	v7 =	vor.u32 v7, v1  }
0x10d: {  	v50 =	vor.u32 v38, v47;
	_ =	sdelay $0x3  }
0x10e: {  	v12 =	vld [tilespmem:$0x1FD90];
	[tilespmem:v7+s25+$0x0] =	vst.idx.msk $0xffff, v5  }
0x10f: {  	v7 =	vor.u32 v38, v1;
	v5 =	vld.idx.msk [tilespmem:v50+s14+$0x0], $0xffff;
	_ =	sdelay $0x2  }
0x110: {  	v41 =	vsel vm0, v19, v17;
	v21 =	vld [tilespmem:$0x1FCA0]  }
0x111: {  	v44 =	vcombine.low v12, v41;
	v12 =	vld [tilespmem:$0x1FC90]  }
0x112: {  	[tilespmem:v7+s25+$0x0] =	vst.idx.msk $0xffff, v5;
	v5 =	vld [tilespmem:$0x1FDC0]  }
0x113: {  	v52 =	vor.u32 v38, v3;
	_ =	sdelay $0x2  }
0x114: {  	v43 =	vsel vm0, v21, v12;
	v12 =	vld [tilespmem:$0x1FFC0]  }
0x115: {  	v21 =	vld [tilespmem:$0x1FFF0];
	v46 =	vcombine.low v43, v5  }
0x116: {  	v7 =	vor.u32 v44, v1;
	v5 =	vld.idx.msk [tilespmem:v52+s17+$0x0], $0xffff  }
0x117: {  	v58 =	vor.u32 v46, v47;
	_ =	sdelay $0x3  }
0x118: {  	v60 =	vsel vm0, v21, v12;
	v12 =	vld [tilespmem:$0x1FFD0];
	[tilespmem:v7+s25+$0x0] =	vst.idx.msk $0xffff, v5  }
0x119: {  	v7 =	vor.u32 v46, v1;
	v5 =	vld.idx.msk [tilespmem:v58+s14+$0x0], $0xffff;
	_ =	sdelay $0x2  }
0x11a: {  	v21 =	vld [tilespmem:$0x1FFB0]  }
0x11b: {  	v45 =	vsel vm0, v26, v12;
	v12 =	vld [tilespmem:$0x1FF90]  }
0x11c: {  	[tilespmem:v7+s25+$0x0] =	vst.idx.msk $0xffff, v5;
	v5 =	vld [tilespmem:$0x1FDE0]  }
0x11d: {  	v59 =	vor.u32 v46, v3;
	_ =	sdelay $0x2  }
0x11e: {  	v61 =	vsel vm0, v12, v21;
	v48 =	vcombine.low v60, v45  }
0x11f: {  	v50 =	vcombine.low v61, v5  }
0x120: {  	v7 =	vor.u32 v48, v1;
	v5 =	vld.idx.msk [tilespmem:v59+s17+$0x0], $0xffff  }
0x121: {  	v62 =	vor.u32 v50, v47;
	_ =	sdelay $0x1  }
0x122: {  	v12 =	vld [tilespmem:$0x1FF80]  }
0x123: {  	v21 =	vld [tilespmem:$0x1FCC0]  }
0x124: {  	[tilespmem:v7+s25+$0x0] =	vst.idx.msk $0xffff, v5  }
0x125: {  	v7 =	vor.u32 v50, v1;
	v5 =	vld.idx.msk [tilespmem:v62+s14+$0x0], $0xffff;
	_ =	sdelay $0x1  }
0x126: {  	v29 =	vld [tilespmem:$0x1FD10]  }
0x127: {  	v52 =	vsel vm0, v21, v12;
	v12 =	vld [tilespmem:$0x1FCD0]  }
0x128: {  	v21 =	vld [tilespmem:$0x1FD00]  }
0x129: {  	[tilespmem:v7+s25+$0x0] =	vst.idx.msk $0xffff, v5;
	v5 =	vld [tilespmem:$0x1FE00]  }
0x12a: {  	v63 =	vor.u32 v50, v3;
	_ =	sdelay $0x1  }
0x12b: {  	v12 =	vsel vm0, v28, v12  }
0x12c: {  	v52 =	vcombine.low v52, v12;
	v58 =	vsel vm0, v29, v21  }
0x12d: {  	v58 =	vcombine.low v58, v5  }
0x12e: {  	v7 =	vor.u32 v52, v1;
	v5 =	vld.idx.msk [tilespmem:v63+s17+$0x0], $0xffff  }
0x12f: {  	v59 =	vor.u32 v58, v47  }
0x130: {  	v21 =	vld [tilespmem:$0x1FD20]  }
0x131: {  	v29 =	vld [tilespmem:$0x1FD30];
	_ =	sdelay $0x1  }
0x132: {  	[tilespmem:v7+s25+$0x0] =	vst.idx.msk $0xffff, v5  }
0x133: {  	v7 =	vor.u32 v58, v1;
	v5 =	vld.idx.msk [tilespmem:v59+s14+$0x0], $0xffff;
	_ =	sdelay $0x1  }
0x134: {  	v60 =	vsel vm0, v29, v21;
	v21 =	vld [tilespmem:$0x1FD40]  }
0x135: {  	v29 =	vld [tilespmem:$0x1FE20]  }
0x136: {  	v61 =	vld [tilespmem:$0x1FD50]  }
0x137: {  	[tilespmem:v7+s25+$0x0] =	vst.idx.msk $0xffff, v5;
	v5 =	vld [tilespmem:$0x1FE30]  }
0x138: {  	v40 =	vor.u32 v58, v3;
	_ =	sdelay $0x1  }
0x139: {  	v21 =	vsel vm0, v34, v21  }
0x13a: {  	v43 =	vsel vm0, v29, v61;
	v59 =	vcombine.low v60, v21  }
0x13b: {  	v29 =	vld [tilespmem:$0x1FE40];
	v60 =	vcombine.low v43, v5  }
0x13c: {  	v7 =	vor.u32 v59, v1;
	v5 =	vld.idx.msk [tilespmem:v40+s17+$0x0], $0xffff  }
0x13d: {  	v62 =	vor.u32 v60, v47;
	_ =	sdelay $0x2  }
0x13e: {  	v43 =	vsel vm0, v29, v19;
	v29 =	vld [tilespmem:$0x1FD80]  }
0x13f: {  	[tilespmem:v7+s25+$0x0] =	vst.idx.msk $0xffff, v5  }
0x140: {  	v7 =	vor.u32 v60, v1;
	v5 =	vld.idx.msk [tilespmem:v62+s14+$0x0], $0xffff  }
0x141: {  	v40 =	vor.u32 v60, v3;
	_ =	sdelay $0x1  }
0x142: {  	v61 =	vsel vm0, v17, v29  }
0x143: {  	v61 =	vcombine.low v61, v43  }
0x144: {  	v29 =	vld [tilespmem:$0x1FE60];
	[tilespmem:v7+s25+$0x0] =	vst.idx.msk $0xffff, v5  }
0x145: {  	v7 =	vor.u32 v61, v1;
	v5 =	vld.idx.msk [tilespmem:v40+s17+$0x0], $0xffff  }
0x146: {  	v63 =	vor.u32 v49, v47;
	_ =	sdelay $0x3  }
0x147: {  	v62 =	vsel vm0, v29, v26;
	v29 =	vld [tilespmem:$0x1FFA0];
	[tilespmem:v7+s25+$0x0] =	vst.idx.msk $0xffff, v5  }
0x148: {  	v7 =	vor.u32 v49, v1;
	v5 =	vld.idx.msk [tilespmem:v63+s14+$0x0], $0xffff  }
0x149: {  	v40 =	vor.u32 v49, v3;
	_ =	sdelay $0x2  }
0x14a: {  	v62 =	vcombine.low v29, v62  }
0x14b: {  	[tilespmem:v7+s25+$0x0] =	vst.idx.msk $0xffff, v5  }
0x14c: {  	v7 =	vor.u32 v62, v1;
	v5 =	vld.idx.msk [tilespmem:v40+s17+$0x0], $0xffff  }
0x14d: {  	v63 =	vor.u32 v51, v47  }
0x14e: {  	v29 =	vld [tilespmem:$0x1FE80];
	_ =	sdelay $0x2  }
0x14f: {  	[tilespmem:v7+s25+$0x0] =	vst.idx.msk $0xffff, v5  }
0x150: {  	v5 =	vld.idx.msk [tilespmem:v63+s14+$0x0], $0xffff  }
0x151: {  	v63 =	vsel vm0, v29, v28;
	v29 =	vld [tilespmem:$0x1FCE0]  }
0x152: {  	v7 =	vor.u32 v51, v1  }
0x153: {  	v40 =	vor.u32 v51, v3;
	_ =	sdelay $0x2  }
0x154: {  	v63 =	vcombine.low v29, v63  }
0x155: {  	[tilespmem:v7+s25+$0x0] =	vst.idx.msk $0xffff, v5  }
0x156: {  	v5 =	vld.idx.msk [tilespmem:v40+s17+$0x0], $0xffff;
	v7 =	vor.u32 v63, v1  }
0x157: {  	v40 =	vor.u32 v53, v47  }
0x158: {  	v29 =	vld [tilespmem:$0x1FEA0];
	_ =	sdelay $0x2  }
0x159: {  	[tilespmem:v7+s25+$0x0] =	vst.idx.msk $0xffff, v5  }
0x15a: {  	v5 =	vld.idx.msk [tilespmem:v40+s14+$0x0], $0xffff  }
0x15b: {  	v40 =	vsel vm0, v29, v34;
	v29 =	vld [tilespmem:$0x1FD60]  }
0x15c: {  	v7 =	vor.u32 v53, v1  }
0x15d: {  	v43 =	vor.u32 v53, v3;
	_ =	sdelay $0x2  }
0x15e: {  	v40 =	vcombine.low v29, v40  }
0x15f: {  	[tilespmem:v7+s25+$0x0] =	vst.idx.msk $0xffff, v5  }
0x160: {  	v5 =	vld.idx.msk [tilespmem:v43+s17+$0x0], $0xffff;
	v7 =	vor.u32 v40, v1  }
0x161: {  	v43 =	vor.u32 v54, v47;
	_ =	sdelay $0x3  }
0x162: {  	v29 =	vld [tilespmem:$0x1FE50];
	[tilespmem:v7+s25+$0x0] =	vst.idx.msk $0xffff, v5  }
0x163: {  	v7 =	vor.u32 v54, v1;
	v5 =	vld.idx.msk [tilespmem:v43+s14+$0x0], $0xffff  }
0x164: {  	v43 =	vor.u32 v54, v3;
	_ =	sdelay $0x2  }
0x165: {  	v41 =	vcombine.low v41, v29  }
0x166: {  	[tilespmem:v7+s25+$0x0] =	vst.idx.msk $0xffff, v5  }
0x167: {  	v7 =	vor.u32 v41, v1;
	v5 =	vld.idx.msk [tilespmem:v43+s17+$0x0], $0xffff  }
0x168: {  	v43 =	vor.u32 v55, v47;
	_ =	sdelay $0x3  }
0x169: {  	[tilespmem:v7+s25+$0x0] =	vst.idx.msk $0xffff, v5  }
0x16a: {  	v5 =	vld.idx.msk [tilespmem:v43+s14+$0x0], $0xffff  }
0x16b: {  	v43 =	vld [tilespmem:$0x1FE70]  }
0x16c: {  	v7 =	vor.u32 v55, v1  }
0x16d: {  	v29 =	vor.u32 v55, v3;
	_ =	sdelay $0x2  }
0x16e: {  	v43 =	vcombine.low v45, v43  }
0x16f: {  	[tilespmem:v7+s25+$0x0] =	vst.idx.msk $0xffff, v5  }
0x170: {  	v5 =	vld.idx.msk [tilespmem:v29+s17+$0x0], $0xffff;
	v7 =	vor.u32 v43, v1  }
0x171: {  	v29 =	vor.u32 v56, v47;
	_ =	sdelay $0x3  }
0x172: {  	v45 =	vld [tilespmem:$0x1FE90];
	[tilespmem:v7+s25+$0x0] =	vst.idx.msk $0xffff, v5  }
0x173: {  	v7 =	vor.u32 v56, v1;
	v5 =	vld.idx.msk [tilespmem:v29+s14+$0x0], $0xffff  }
0x174: {  	v29 =	vor.u32 v56, v3;
	_ =	sdelay $0x2  }
0x175: {  	v45 =	vcombine.low v12, v45  }
0x176: {  	[tilespmem:v7+s25+$0x0] =	vst.idx.msk $0xffff, v5  }
0x177: {  	v7 =	vor.u32 v45, v1;
	v5 =	vld.idx.msk [tilespmem:v29+s17+$0x0], $0xffff  }
0x178: {  	v12 =	vor.u32 v57, v47;
	_ =	sdelay $0x3  }
0x179: {  	[tilespmem:v7+s25+$0x0] =	vst.idx.msk $0xffff, v5  }
0x17a: {  	v5 =	vld.idx.msk [tilespmem:v12+s14+$0x0], $0xffff  }
0x17b: {  	v12 =	vld [tilespmem:$0x1FEB0]  }
0x17c: {  	v7 =	vor.u32 v57, v1  }
0x17d: {  	v3 =	vor.u32 v57, v3;
	_ =	sdelay $0x2  }
0x17e: {  	v47 =	vcombine.low v21, v12  }
0x17f: {  	[tilespmem:v7+s25+$0x0] =	vst.idx.msk $0xffff, v5  }
0x180: {  	p0 =	sne.s32 s0, $0x70;
	v3 =	vld.idx.msk [tilespmem:v3+s17+$0x0], $0xffff;
	v1 =	vor.u32 v47, v1  }
.Ltmp0:
0x181: {  	_ = 	snop;
	(pc) =	sbr.rel @p0 .LBB2_2-.Ltmp0, $2  }
0x182: {  	_ =	sdelay $0x2  }
0x183: {  	s0 =	sadd.s32 $0x10, s0;
	[tilespmem:v1+s25+$0x0] =	vst.idx.msk $0xffff, v3  }
0x184: {  	s0 =	simm.s32 $0x0  }
0x185: {  	[hbm4b:s7+s0] =	stream.linear.scatter [tilespmem:s25], [sflag:$0x5], $0x4000, $0x38;
	[tilespmem:$0x18A00] =	vst v63  }
0x186: {  	_ =	swait.ge [sflag:s26], $0x4000  }
0x187: {  	[sflag:s26] =	ssyncset.done $0x0;
	v34 =	vld [tilespmem:$0x1FFE0]  }
0x188: {  	v17 =	vld [tilespmem:$0x1FCB0];
	[sflag:s26] =	ssyncadd.s32 $0xFFFFC000  }
.LBB2_4:
0x189: {  	v1 =	vor.u32 $0x80, v0  }
0x18a: {  	v1 =	vor.u32 s0, v1;
	_ =	sdelay $0x4  }
0x18b: {  	v3 =	vld.idx.msk [tilespmem:v1+s2+$0x0], $0xffff;
	_ =	sdelay $0x3  }
0x18c: {  	v5 =	vld.idx.msk [tilespmem:v1+s13+$0x0], $0xffff  }
0x18d: {  	v3 =	vshll.u32 v3, $0x7  }
0x18e: {  	v7 =	vor.u32 v0, v3;
	_ =	sdelay $0x1  }
0x18f: {  	v12 =	vmov s0;
	v1 =	vmul.u32 $0x80, v0  }
0x190: {  	v12 =	vshll.u32 v12, $0x7;
	v5 =	vshll.u32 v5, $0x5  }
0x191: {  	v21 =	vand.u32 $0x60, v5;
	v5 =	vor.u32 v1, v12  }
0x192: {  	v29 =	vor.u32 v0, v5;
	v12 =	vld.idx.msk [tilespmem:v7+s14+$0x0], $0xffff;
	v7 =	vor.u32 v5, v21  }
0x193: {  	v21 =	vor.u32 v0, v7;
	_ =	sdelay $0x3  }
0x194: {  	[tilespmem:v29+s28+$0x0] =	vst.idx.msk $0xffff, v12  }
0x195: {  	v12 =	vld.idx.msk [tilespmem:v21+s19+$0x0], $0xffff  }
0x196: {  	v21 =	vld [tilespmem:$0x1FC50];
	_ =	sdelay $0x4  }
0x197: {  	v21 =	vor.u32 v21, v5  }
0x198: {  	v29 =	vor.u32 v2, v3;
	_ =	sdelay $0x3  }
0x199: {  	[tilespmem:v21+s28+$0x0] =	vst.idx.msk $0xffff, v12  }
0x19a: {  	v21 =	vor.u32 v2, v5;
	v12 =	vld.idx.msk [tilespmem:v29+s14+$0x0], $0xffff;
	_ =	sdelay $0x4  }
0x19b: {  	v29 =	vor.u32 v2, v7;
	[tilespmem:v21+s28+$0x0] =	vst.idx.msk $0xffff, v12;
	v21 =	vld [tilespmem:$0x1FC60];
	_ =	sdelay $0x4  }
0x19c: {  	v12 =	vld.idx.msk [tilespmem:v29+s19+$0x0], $0xffff;
	v21 =	vor.u32 v21, v5  }
0x19d: {  	v29 =	vor.u32 v4, v3;
	_ =	sdelay $0x3  }
0x19e: {  	[tilespmem:v21+s28+$0x0] =	vst.idx.msk $0xffff, v12  }
0x19f: {  	v21 =	vor.u32 v4, v5;
	v12 =	vld.idx.msk [tilespmem:v29+s14+$0x0], $0xffff;
	_ =	sdelay $0x4  }
0x1a0: {  	v29 =	vor.u32 v4, v7;
	[tilespmem:v21+s28+$0x0] =	vst.idx.msk $0xffff, v12;
	v21 =	vld [tilespmem:$0x1FC70];
	_ =	sdelay $0x4  }
0x1a1: {  	v12 =	vld.idx.msk [tilespmem:v29+s19+$0x0], $0xffff;
	v21 =	vor.u32 v21, v5  }
0x1a2: {  	v29 =	vor.u32 v6, v3;
	_ =	sdelay $0x3  }
0x1a3: {  	[tilespmem:v21+s28+$0x0] =	vst.idx.msk $0xffff, v12  }
0x1a4: {  	v21 =	vor.u32 v6, v5;
	v12 =	vld.idx.msk [tilespmem:v29+s14+$0x0], $0xffff;
	_ =	sdelay $0x4  }
0x1a5: {  	v29 =	vor.u32 v6, v7;
	[tilespmem:v21+s28+$0x0] =	vst.idx.msk $0xffff, v12;
	v21 =	vld [tilespmem:$0x1FC80];
	_ =	sdelay $0x4  }
0x1a6: {  	v12 =	vld.idx.msk [tilespmem:v29+s19+$0x0], $0xffff;
	v21 =	vor.u32 v21, v5  }
0x1a7: {  	v29 =	vor.u32 v8, v3;
	_ =	sdelay $0x3  }
0x1a8: {  	[tilespmem:v21+s28+$0x0] =	vst.idx.msk $0xffff, v12  }
0x1a9: {  	v21 =	vor.u32 v8, v5;
	v12 =	vld.idx.msk [tilespmem:v29+s14+$0x0], $0xffff  }
0x1aa: {  	v29 =	vor.u32 v8, v7;
	_ =	sdelay $0x3  }
0x1ab: {  	[tilespmem:v21+s28+$0x0] =	vst.idx.msk $0xffff, v12  }
0x1ac: {  	v21 =	vor.u32 v34, v5;
	v12 =	vld.idx.msk [tilespmem:v29+s19+$0x0], $0xffff  }
0x1ad: {  	v29 =	vor.u32 v20, v3;
	_ =	sdelay $0x3  }
0x1ae: {  	[tilespmem:v21+s28+$0x0] =	vst.idx.msk $0xffff, v12  }
0x1af: {  	v21 =	vor.u32 v20, v5;
	v12 =	vld.idx.msk [tilespmem:v29+s14+$0x0], $0xffff;
	_ =	sdelay $0x4  }
0x1b0: {  	v29 =	vor.u32 v20, v7;
	[tilespmem:v21+s28+$0x0] =	vst.idx.msk $0xffff, v12;
	v21 =	vld [tilespmem:$0x1FEC0];
	_ =	sdelay $0x4  }
0x1b1: {  	v12 =	vld.idx.msk [tilespmem:v29+s19+$0x0], $0xffff;
	v21 =	vor.u32 v21, v5  }
0x1b2: {  	v29 =	vor.u32 v10, v3;
	_ =	sdelay $0x3  }
0x1b3: {  	[tilespmem:v21+s28+$0x0] =	vst.idx.msk $0xffff, v12  }
0x1b4: {  	v21 =	vor.u32 v10, v5;
	v12 =	vld.idx.msk [tilespmem:v29+s14+$0x0], $0xffff;
	_ =	sdelay $0x4  }
0x1b5: {  	v29 =	vor.u32 v10, v7;
	[tilespmem:v21+s28+$0x0] =	vst.idx.msk $0xffff, v12;
	v21 =	vld [tilespmem:$0x1FED0];
	_ =	sdelay $0x4  }
0x1b6: {  	v12 =	vld.idx.msk [tilespmem:v29+s19+$0x0], $0xffff;
	v21 =	vor.u32 v21, v5  }
0x1b7: {  	v29 =	vor.u32 v14, v3;
	_ =	sdelay $0x3  }
0x1b8: {  	[tilespmem:v21+s28+$0x0] =	vst.idx.msk $0xffff, v12  }
0x1b9: {  	v21 =	vor.u32 v14, v5;
	v12 =	vld.idx.msk [tilespmem:v29+s14+$0x0], $0xffff;
	_ =	sdelay $0x4  }
0x1ba: {  	v29 =	vor.u32 v14, v7;
	[tilespmem:v21+s28+$0x0] =	vst.idx.msk $0xffff, v12;
	v21 =	vld [tilespmem:$0x1FEE0];
	_ =	sdelay $0x4  }
0x1bb: {  	v12 =	vld.idx.msk [tilespmem:v29+s19+$0x0], $0xffff;
	v21 =	vor.u32 v21, v5  }
0x1bc: {  	v29 =	vor.u32 v16, v3;
	_ =	sdelay $0x3  }
0x1bd: {  	[tilespmem:v21+s28+$0x0] =	vst.idx.msk $0xffff, v12  }
0x1be: {  	v21 =	vor.u32 v16, v5;
	v12 =	vld.idx.msk [tilespmem:v29+s14+$0x0], $0xffff;
	_ =	sdelay $0x4  }
0x1bf: {  	v29 =	vor.u32 v16, v7;
	[tilespmem:v21+s28+$0x0] =	vst.idx.msk $0xffff, v12;
	v21 =	vld [tilespmem:$0x1FEF0];
	_ =	sdelay $0x4  }
0x1c0: {  	v12 =	vld.idx.msk [tilespmem:v29+s19+$0x0], $0xffff;
	v21 =	vor.u32 v21, v5  }
0x1c1: {  	v29 =	vor.u32 v18, v3;
	_ =	sdelay $0x3  }
0x1c2: {  	[tilespmem:v21+s28+$0x0] =	vst.idx.msk $0xffff, v12  }
0x1c3: {  	v21 =	vor.u32 v18, v5;
	v12 =	vld.idx.msk [tilespmem:v29+s14+$0x0], $0xffff  }
0x1c4: {  	v29 =	vor.u32 v18, v7;
	_ =	sdelay $0x3  }
0x1c5: {  	[tilespmem:v21+s28+$0x0] =	vst.idx.msk $0xffff, v12  }
0x1c6: {  	v21 =	vor.u32 v11, v5;
	v12 =	vld.idx.msk [tilespmem:v29+s19+$0x0], $0xffff  }
0x1c7: {  	v29 =	vor.u32 v23, v3;
	_ =	sdelay $0x3  }
0x1c8: {  	[tilespmem:v21+s28+$0x0] =	vst.idx.msk $0xffff, v12  }
0x1c9: {  	v21 =	vor.u32 v23, v5;
	v12 =	vld.idx.msk [tilespmem:v29+s14+$0x0], $0xffff  }
0x1ca: {  	v29 =	vor.u32 v23, v7;
	_ =	sdelay $0x3  }
0x1cb: {  	[tilespmem:v21+s28+$0x0] =	vst.idx.msk $0xffff, v12  }
0x1cc: {  	v21 =	vor.u32 v15, v5;
	v12 =	vld.idx.msk [tilespmem:v29+s19+$0x0], $0xffff  }
0x1cd: {  	v29 =	vor.u32 v25, v3;
	_ =	sdelay $0x3  }
0x1ce: {  	[tilespmem:v21+s28+$0x0] =	vst.idx.msk $0xffff, v12  }
0x1cf: {  	v21 =	vor.u32 v25, v5;
	v12 =	vld.idx.msk [tilespmem:v29+s14+$0x0], $0xffff  }
0x1d0: {  	v29 =	vor.u32 v25, v7;
	_ =	sdelay $0x3  }
0x1d1: {  	[tilespmem:v21+s28+$0x0] =	vst.idx.msk $0xffff, v12  }
0x1d2: {  	v21 =	vor.u32 v24, v5;
	v12 =	vld.idx.msk [tilespmem:v29+s19+$0x0], $0xffff  }
0x1d3: {  	v29 =	vor.u32 v27, v3;
	_ =	sdelay $0x3  }
0x1d4: {  	[tilespmem:v21+s28+$0x0] =	vst.idx.msk $0xffff, v12  }
0x1d5: {  	v21 =	vor.u32 v27, v5;
	v12 =	vld.idx.msk [tilespmem:v29+s14+$0x0], $0xffff  }
0x1d6: {  	v29 =	vor.u32 v27, v7;
	_ =	sdelay $0x3  }
0x1d7: {  	[tilespmem:v21+s28+$0x0] =	vst.idx.msk $0xffff, v12  }
0x1d8: {  	v21 =	vor.u32 v42, v5;
	v12 =	vld.idx.msk [tilespmem:v29+s19+$0x0], $0xffff  }
0x1d9: {  	v29 =	vor.u32 v31, v3;
	_ =	sdelay $0x3  }
0x1da: {  	[tilespmem:v21+s28+$0x0] =	vst.idx.msk $0xffff, v12  }
0x1db: {  	v21 =	vor.u32 v31, v5;
	v12 =	vld.idx.msk [tilespmem:v29+s14+$0x0], $0xffff  }
0x1dc: {  	v29 =	vor.u32 v31, v7;
	_ =	sdelay $0x3  }
0x1dd: {  	[tilespmem:v21+s28+$0x0] =	vst.idx.msk $0xffff, v12  }
0x1de: {  	v21 =	vor.u32 v36, v5;
	v12 =	vld.idx.msk [tilespmem:v29+s19+$0x0], $0xffff  }
0x1df: {  	v29 =	vor.u32 v33, v3;
	_ =	sdelay $0x3  }
0x1e0: {  	[tilespmem:v21+s28+$0x0] =	vst.idx.msk $0xffff, v12  }
0x1e1: {  	v21 =	vor.u32 v33, v5;
	v12 =	vld.idx.msk [tilespmem:v29+s14+$0x0], $0xffff  }
0x1e2: {  	v29 =	vor.u32 v33, v7;
	_ =	sdelay $0x3  }
0x1e3: {  	[tilespmem:v21+s28+$0x0] =	vst.idx.msk $0xffff, v12  }
0x1e4: {  	v21 =	vor.u32 v37, v5;
	v12 =	vld.idx.msk [tilespmem:v29+s19+$0x0], $0xffff  }
0x1e5: {  	v29 =	vor.u32 v35, v3;
	_ =	sdelay $0x3  }
0x1e6: {  	[tilespmem:v21+s28+$0x0] =	vst.idx.msk $0xffff, v12  }
0x1e7: {  	v21 =	vor.u32 v35, v5;
	v12 =	vld.idx.msk [tilespmem:v29+s14+$0x0], $0xffff  }
0x1e8: {  	v29 =	vor.u32 v35, v7;
	_ =	sdelay $0x3  }
0x1e9: {  	[tilespmem:v21+s28+$0x0] =	vst.idx.msk $0xffff, v12  }
0x1ea: {  	v21 =	vor.u32 v32, v5;
	v12 =	vld.idx.msk [tilespmem:v29+s19+$0x0], $0xffff  }
0x1eb: {  	v29 =	vor.u32 v39, v3;
	_ =	sdelay $0x3  }
0x1ec: {  	[tilespmem:v21+s28+$0x0] =	vst.idx.msk $0xffff, v12  }
0x1ed: {  	v21 =	vor.u32 v39, v5;
	v12 =	vld.idx.msk [tilespmem:v29+s14+$0x0], $0xffff  }
0x1ee: {  	v29 =	vor.u32 v39, v7;
	_ =	sdelay $0x3  }
0x1ef: {  	[tilespmem:v21+s28+$0x0] =	vst.idx.msk $0xffff, v12  }
0x1f0: {  	v21 =	vor.u32 v9, v5;
	v12 =	vld.idx.msk [tilespmem:v29+s19+$0x0], $0xffff  }
0x1f1: {  	v29 =	vor.u32 v13, v3;
	_ =	sdelay $0x3  }
0x1f2: {  	[tilespmem:v21+s28+$0x0] =	vst.idx.msk $0xffff, v12  }
0x1f3: {  	v21 =	vor.u32 v13, v5;
	v12 =	vld.idx.msk [tilespmem:v29+s14+$0x0], $0xffff  }
0x1f4: {  	v29 =	vor.u32 v13, v7;
	_ =	sdelay $0x3  }
0x1f5: {  	[tilespmem:v21+s28+$0x0] =	vst.idx.msk $0xffff, v12  }
0x1f6: {  	v21 =	vor.u32 v17, v5;
	v12 =	vld.idx.msk [tilespmem:v29+s19+$0x0], $0xffff  }
0x1f7: {  	v29 =	vor.u32 v22, v3;
	_ =	sdelay $0x3  }
0x1f8: {  	[tilespmem:v21+s28+$0x0] =	vst.idx.msk $0xffff, v12  }
0x1f9: {  	v21 =	vor.u32 v22, v5;
	v12 =	vld.idx.msk [tilespmem:v29+s14+$0x0], $0xffff;
	_ =	sdelay $0x4  }
0x1fa: {  	v29 =	vor.u32 v22, v7;
	[tilespmem:v21+s28+$0x0] =	vst.idx.msk $0xffff, v12;
	v21 =	vld [tilespmem:$0x1FCF0];
	_ =	sdelay $0x4  }
0x1fb: {  	v12 =	vld.idx.msk [tilespmem:v29+s19+$0x0], $0xffff;
	v21 =	vor.u32 v21, v5  }
0x1fc: {  	v29 =	vor.u32 v30, v3;
	_ =	sdelay $0x3  }
0x1fd: {  	[tilespmem:v21+s28+$0x0] =	vst.idx.msk $0xffff, v12  }
0x1fe: {  	v21 =	vor.u32 v30, v5;
	v12 =	vld.idx.msk [tilespmem:v29+s14+$0x0], $0xffff;
	_ =	sdelay $0x4  }
0x1ff: {  	v29 =	vor.u32 v30, v7;
	[tilespmem:v21+s28+$0x0] =	vst.idx.msk $0xffff, v12;
	v21 =	vld [tilespmem:$0x1FD70];
	_ =	sdelay $0x4  }
0x200: {  	v12 =	vld.idx.msk [tilespmem:v29+s19+$0x0], $0xffff;
	v21 =	vor.u32 v21, v5  }
0x201: {  	v29 =	vor.u32 v38, v3;
	_ =	sdelay $0x3  }
0x202: {  	[tilespmem:v21+s28+$0x0] =	vst.idx.msk $0xffff, v12  }
0x203: {  	v21 =	vor.u32 v38, v5;
	v12 =	vld.idx.msk [tilespmem:v29+s14+$0x0], $0xffff  }
0x204: {  	v29 =	vor.u32 v38, v7;
	_ =	sdelay $0x3  }
0x205: {  	[tilespmem:v21+s28+$0x0] =	vst.idx.msk $0xffff, v12  }
0x206: {  	v21 =	vor.u32 v44, v5;
	v12 =	vld.idx.msk [tilespmem:v29+s19+$0x0], $0xffff  }
0x207: {  	v29 =	vor.u32 v46, v3;
	_ =	sdelay $0x3  }
0x208: {  	[tilespmem:v21+s28+$0x0] =	vst.idx.msk $0xffff, v12  }
0x209: {  	v21 =	vor.u32 v46, v5;
	v12 =	vld.idx.msk [tilespmem:v29+s14+$0x0], $0xffff  }
0x20a: {  	v29 =	vor.u32 v46, v7;
	_ =	sdelay $0x3  }
0x20b: {  	[tilespmem:v21+s28+$0x0] =	vst.idx.msk $0xffff, v12  }
0x20c: {  	v21 =	vor.u32 v48, v5;
	v12 =	vld.idx.msk [tilespmem:v29+s19+$0x0], $0xffff  }
0x20d: {  	v29 =	vor.u32 v50, v3;
	_ =	sdelay $0x3  }
0x20e: {  	[tilespmem:v21+s28+$0x0] =	vst.idx.msk $0xffff, v12  }
0x20f: {  	v21 =	vor.u32 v50, v5;
	v12 =	vld.idx.msk [tilespmem:v29+s14+$0x0], $0xffff  }
0x210: {  	v29 =	vor.u32 v50, v7;
	_ =	sdelay $0x3  }
0x211: {  	[tilespmem:v21+s28+$0x0] =	vst.idx.msk $0xffff, v12  }
0x212: {  	v21 =	vor.u32 v52, v5;
	v12 =	vld.idx.msk [tilespmem:v29+s19+$0x0], $0xffff  }
0x213: {  	v29 =	vor.u32 v58, v3;
	_ =	sdelay $0x3  }
0x214: {  	[tilespmem:v21+s28+$0x0] =	vst.idx.msk $0xffff, v12  }
0x215: {  	v21 =	vor.u32 v58, v5;
	v12 =	vld.idx.msk [tilespmem:v29+s14+$0x0], $0xffff  }
0x216: {  	v29 =	vor.u32 v58, v7;
	_ =	sdelay $0x3  }
0x217: {  	[tilespmem:v21+s28+$0x0] =	vst.idx.msk $0xffff, v12  }
0x218: {  	v21 =	vor.u32 v59, v5;
	v12 =	vld.idx.msk [tilespmem:v29+s19+$0x0], $0xffff  }
0x219: {  	v29 =	vor.u32 v60, v3;
	_ =	sdelay $0x3  }
0x21a: {  	[tilespmem:v21+s28+$0x0] =	vst.idx.msk $0xffff, v12  }
0x21b: {  	v21 =	vor.u32 v60, v5;
	v12 =	vld.idx.msk [tilespmem:v29+s14+$0x0], $0xffff  }
0x21c: {  	v29 =	vor.u32 v60, v7;
	_ =	sdelay $0x3  }
0x21d: {  	[tilespmem:v21+s28+$0x0] =	vst.idx.msk $0xffff, v12  }
0x21e: {  	v21 =	vor.u32 v61, v5;
	v12 =	vld.idx.msk [tilespmem:v29+s19+$0x0], $0xffff  }
0x21f: {  	v29 =	vor.u32 v49, v3;
	_ =	sdelay $0x3  }
0x220: {  	[tilespmem:v21+s28+$0x0] =	vst.idx.msk $0xffff, v12  }
0x221: {  	v21 =	vor.u32 v49, v5;
	v12 =	vld.idx.msk [tilespmem:v29+s14+$0x0], $0xffff  }
0x222: {  	v29 =	vor.u32 v49, v7;
	_ =	sdelay $0x3  }
0x223: {  	[tilespmem:v21+s28+$0x0] =	vst.idx.msk $0xffff, v12  }
0x224: {  	v21 =	vor.u32 v62, v5;
	v12 =	vld.idx.msk [tilespmem:v29+s19+$0x0], $0xffff  }
0x225: {  	v29 =	vor.u32 v51, v3;
	_ =	sdelay $0x3  }
0x226: {  	[tilespmem:v21+s28+$0x0] =	vst.idx.msk $0xffff, v12  }
0x227: {  	v21 =	vor.u32 v51, v5;
	v12 =	vld.idx.msk [tilespmem:v29+s14+$0x0], $0xffff  }
0x228: {  	v29 =	vor.u32 v51, v7;
	_ =	sdelay $0x3  }
0x229: {  	[tilespmem:v21+s28+$0x0] =	vst.idx.msk $0xffff, v12  }
0x22a: {  	v21 =	vor.u32 v63, v5;
	v12 =	vld.idx.msk [tilespmem:v29+s19+$0x0], $0xffff  }
0x22b: {  	v29 =	vor.u32 v53, v3;
	_ =	sdelay $0x3  }
0x22c: {  	[tilespmem:v21+s28+$0x0] =	vst.idx.msk $0xffff, v12  }
0x22d: {  	v21 =	vor.u32 v53, v5;
	v12 =	vld.idx.msk [tilespmem:v29+s14+$0x0], $0xffff  }
0x22e: {  	v29 =	vor.u32 v53, v7;
	_ =	sdelay $0x3  }
0x22f: {  	[tilespmem:v21+s28+$0x0] =	vst.idx.msk $0xffff, v12  }
0x230: {  	v21 =	vor.u32 v40, v5;
	v12 =	vld.idx.msk [tilespmem:v29+s19+$0x0], $0xffff  }
0x231: {  	v29 =	vor.u32 v54, v3;
	_ =	sdelay $0x3  }
0x232: {  	[tilespmem:v21+s28+$0x0] =	vst.idx.msk $0xffff, v12  }
0x233: {  	v21 =	vor.u32 v54, v5;
	v12 =	vld.idx.msk [tilespmem:v29+s14+$0x0], $0xffff  }
0x234: {  	v29 =	vor.u32 v54, v7;
	_ =	sdelay $0x3  }
0x235: {  	[tilespmem:v21+s28+$0x0] =	vst.idx.msk $0xffff, v12  }
0x236: {  	v21 =	vor.u32 v41, v5;
	v12 =	vld.idx.msk [tilespmem:v29+s19+$0x0], $0xffff  }
0x237: {  	v29 =	vor.u32 v55, v3;
	_ =	sdelay $0x3  }
0x238: {  	[tilespmem:v21+s28+$0x0] =	vst.idx.msk $0xffff, v12  }
0x239: {  	v21 =	vor.u32 v55, v5;
	v12 =	vld.idx.msk [tilespmem:v29+s14+$0x0], $0xffff  }
0x23a: {  	v29 =	vor.u32 v55, v7;
	_ =	sdelay $0x3  }
0x23b: {  	[tilespmem:v21+s28+$0x0] =	vst.idx.msk $0xffff, v12  }
0x23c: {  	v21 =	vor.u32 v43, v5;
	v12 =	vld.idx.msk [tilespmem:v29+s19+$0x0], $0xffff  }
0x23d: {  	v29 =	vor.u32 v56, v3;
	_ =	sdelay $0x3  }
0x23e: {  	[tilespmem:v21+s28+$0x0] =	vst.idx.msk $0xffff, v12  }
0x23f: {  	v21 =	vor.u32 v56, v5;
	v12 =	vld.idx.msk [tilespmem:v29+s14+$0x0], $0xffff  }
0x240: {  	v29 =	vor.u32 v56, v7;
	_ =	sdelay $0x3  }
0x241: {  	[tilespmem:v21+s28+$0x0] =	vst.idx.msk $0xffff, v12  }
0x242: {  	v21 =	vor.u32 v45, v5;
	v12 =	vld.idx.msk [tilespmem:v29+s19+$0x0], $0xffff  }
0x243: {  	v3 =	vor.u32 v57, v3;
	_ =	sdelay $0x3  }
0x244: {  	[tilespmem:v21+s28+$0x0] =	vst.idx.msk $0xffff, v12  }
0x245: {  	v12 =	vor.u32 v57, v5;
	v3 =	vld.idx.msk [tilespmem:v3+s14+$0x0], $0xffff  }
0x246: {  	v7 =	vor.u32 v57, v7;
	_ =	sdelay $0x3  }
0x247: {  	[tilespmem:v12+s28+$0x0] =	vst.idx.msk $0xffff, v3  }
0x248: {  	p0 =	sne.s32 s0, $0x70;
	v5 =	vor.u32 v47, v5;
	v3 =	vld.idx.msk [tilespmem:v7+s19+$0x0], $0xffff  }
.Ltmp1:
0x249: {  	_ = 	snop;
	(pc) =	sbr.rel @p0 .LBB2_4-.Ltmp1, $2  }
0x24a: {  	_ =	sdelay $0x2  }
0x24b: {  	s0 =	sadd.s32 $0x10, s0;
	[tilespmem:v5+s28+$0x0] =	vst.idx.msk $0xffff, v3  }
0x24c: {  	s0 =	simm.s32 $0x0  }
0x24d: {  	[hbm4b:s8+s0] =	stream.linear.scatter [tilespmem:s28], [sflag:$0x6], $0x4000, $0x38;
	[tilespmem:$0x18A00] =	vst v63  }
0x24e: {  	_ =	swait.ge [sflag:s29], $0x4000  }
0x24f: {  	[sflag:s29] =	ssyncset.done $0x0  }
0x250: {  	[sflag:s29] =	ssyncadd.s32 $0xFFFFC000  }
0x251: {  	_ =	swait.ge [sflag:s30], $0x4000  }
0x252: {  	[sflag:s30] =	ssyncset.done $0x0  }
0x253: {  	[sflag:s30] =	ssyncadd.s32 $0xFFFFC000  }
.LBB2_6:
0x254: {  	v3 =	vor.u32 $0x100, v0  }
0x255: {  	v3 =	vor.u32 s0, v3;
	_ =	sdelay $0x4  }
0x256: {  	v5 =	vld.idx.msk [tilespmem:v3+s2+$0x0], $0xffff;
	_ =	sdelay $0x3  }
0x257: {  	v3 =	vld.idx.msk [tilespmem:v3+s13+$0x0], $0xffff  }
0x258: {  	v5 =	vshll.u32 v5, $0x7  }
0x259: {  	v7 =	vor.u32 v0, v5;
	_ =	sdelay $0x1  }
0x25a: {  	v12 =	vmov s0  }
0x25b: {  	v12 =	vshll.u32 v12, $0x7;
	v3 =	vshll.u32 v3, $0x5  }
0x25c: {  	v21 =	vand.u32 $0x60, v3;
	v3 =	vor.u32 v1, v12  }
0x25d: {  	v29 =	vor.u32 v0, v3;
	v12 =	vld.idx.msk [tilespmem:v7+s14+$0x0], $0xffff;
	v7 =	vor.u32 v3, v21  }
0x25e: {  	v21 =	vor.u32 v0, v7;
	_ =	sdelay $0x3  }
0x25f: {  	[tilespmem:v29+s25+$0x0] =	vst.idx.msk $0xffff, v12  }
0x260: {  	v12 =	vld.idx.msk [tilespmem:v21+s21+$0x0], $0xffff  }
0x261: {  	v21 =	vld [tilespmem:$0x1FC50];
	_ =	sdelay $0x4  }
0x262: {  	v21 =	vor.u32 v21, v3  }
0x263: {  	v29 =	vor.u32 v2, v5;
	_ =	sdelay $0x3  }
0x264: {  	[tilespmem:v21+s25+$0x0] =	vst.idx.msk $0xffff, v12  }
0x265: {  	v21 =	vor.u32 v2, v3;
	v12 =	vld.idx.msk [tilespmem:v29+s14+$0x0], $0xffff;
	_ =	sdelay $0x4  }
0x266: {  	v29 =	vor.u32 v2, v7;
	[tilespmem:v21+s25+$0x0] =	vst.idx.msk $0xffff, v12;
	v21 =	vld [tilespmem:$0x1FC60];
	_ =	sdelay $0x4  }
0x267: {  	v12 =	vld.idx.msk [tilespmem:v29+s21+$0x0], $0xffff;
	v21 =	vor.u32 v21, v3  }
0x268: {  	v29 =	vor.u32 v4, v5;
	_ =	sdelay $0x3  }
0x269: {  	[tilespmem:v21+s25+$0x0] =	vst.idx.msk $0xffff, v12  }
0x26a: {  	v21 =	vor.u32 v4, v3;
	v12 =	vld.idx.msk [tilespmem:v29+s14+$0x0], $0xffff;
	_ =	sdelay $0x4  }
0x26b: {  	v29 =	vor.u32 v4, v7;
	[tilespmem:v21+s25+$0x0] =	vst.idx.msk $0xffff, v12;
	v21 =	vld [tilespmem:$0x1FC70];
	_ =	sdelay $0x4  }
0x26c: {  	v12 =	vld.idx.msk [tilespmem:v29+s21+$0x0], $0xffff;
	v21 =	vor.u32 v21, v3  }
0x26d: {  	v29 =	vor.u32 v6, v5;
	_ =	sdelay $0x3  }
0x26e: {  	[tilespmem:v21+s25+$0x0] =	vst.idx.msk $0xffff, v12  }
0x26f: {  	v21 =	vor.u32 v6, v3;
	v12 =	vld.idx.msk [tilespmem:v29+s14+$0x0], $0xffff;
	_ =	sdelay $0x4  }
0x270: {  	v29 =	vor.u32 v6, v7;
	[tilespmem:v21+s25+$0x0] =	vst.idx.msk $0xffff, v12;
	v21 =	vld [tilespmem:$0x1FC80];
	_ =	sdelay $0x4  }
0x271: {  	v12 =	vld.idx.msk [tilespmem:v29+s21+$0x0], $0xffff;
	v21 =	vor.u32 v21, v3  }
0x272: {  	v29 =	vor.u32 v8, v5;
	_ =	sdelay $0x3  }
0x273: {  	[tilespmem:v21+s25+$0x0] =	vst.idx.msk $0xffff, v12  }
0x274: {  	v21 =	vor.u32 v8, v3;
	v12 =	vld.idx.msk [tilespmem:v29+s14+$0x0], $0xffff  }
0x275: {  	v29 =	vor.u32 v8, v7;
	_ =	sdelay $0x3  }
0x276: {  	[tilespmem:v21+s25+$0x0] =	vst.idx.msk $0xffff, v12  }
0x277: {  	v21 =	vor.u32 v34, v3;
	v12 =	vld.idx.msk [tilespmem:v29+s21+$0x0], $0xffff  }
0x278: {  	v29 =	vor.u32 v20, v5;
	_ =	sdelay $0x3  }
0x279: {  	[tilespmem:v21+s25+$0x0] =	vst.idx.msk $0xffff, v12  }
0x27a: {  	v21 =	vor.u32 v20, v3;
	v12 =	vld.idx.msk [tilespmem:v29+s14+$0x0], $0xffff;
	_ =	sdelay $0x4  }
0x27b: {  	v29 =	vor.u32 v20, v7;
	[tilespmem:v21+s25+$0x0] =	vst.idx.msk $0xffff, v12;
	v21 =	vld [tilespmem:$0x1FEC0];
	_ =	sdelay $0x4  }
0x27c: {  	v12 =	vld.idx.msk [tilespmem:v29+s21+$0x0], $0xffff;
	v21 =	vor.u32 v21, v3  }
0x27d: {  	v29 =	vor.u32 v10, v5;
	_ =	sdelay $0x3  }
0x27e: {  	[tilespmem:v21+s25+$0x0] =	vst.idx.msk $0xffff, v12  }
0x27f: {  	v21 =	vor.u32 v10, v3;
	v12 =	vld.idx.msk [tilespmem:v29+s14+$0x0], $0xffff;
	_ =	sdelay $0x4  }
0x280: {  	v29 =	vor.u32 v10, v7;
	[tilespmem:v21+s25+$0x0] =	vst.idx.msk $0xffff, v12;
	v21 =	vld [tilespmem:$0x1FED0];
	_ =	sdelay $0x4  }
0x281: {  	v12 =	vld.idx.msk [tilespmem:v29+s21+$0x0], $0xffff;
	v21 =	vor.u32 v21, v3  }
0x282: {  	v29 =	vor.u32 v14, v5;
	_ =	sdelay $0x3  }
0x283: {  	[tilespmem:v21+s25+$0x0] =	vst.idx.msk $0xffff, v12  }
0x284: {  	v21 =	vor.u32 v14, v3;
	v12 =	vld.idx.msk [tilespmem:v29+s14+$0x0], $0xffff;
	_ =	sdelay $0x4  }
0x285: {  	v29 =	vor.u32 v14, v7;
	[tilespmem:v21+s25+$0x0] =	vst.idx.msk $0xffff, v12;
	v21 =	vld [tilespmem:$0x1FEE0];
	_ =	sdelay $0x4  }
0x286: {  	v12 =	vld.idx.msk [tilespmem:v29+s21+$0x0], $0xffff;
	v21 =	vor.u32 v21, v3  }
0x287: {  	v29 =	vor.u32 v16, v5;
	_ =	sdelay $0x3  }
0x288: {  	[tilespmem:v21+s25+$0x0] =	vst.idx.msk $0xffff, v12  }
0x289: {  	v21 =	vor.u32 v16, v3;
	v12 =	vld.idx.msk [tilespmem:v29+s14+$0x0], $0xffff;
	_ =	sdelay $0x4  }
0x28a: {  	v29 =	vor.u32 v16, v7;
	[tilespmem:v21+s25+$0x0] =	vst.idx.msk $0xffff, v12;
	v21 =	vld [tilespmem:$0x1FEF0];
	_ =	sdelay $0x4  }
0x28b: {  	v12 =	vld.idx.msk [tilespmem:v29+s21+$0x0], $0xffff;
	v21 =	vor.u32 v21, v3  }
0x28c: {  	v29 =	vor.u32 v18, v5;
	_ =	sdelay $0x3  }
0x28d: {  	[tilespmem:v21+s25+$0x0] =	vst.idx.msk $0xffff, v12  }
0x28e: {  	v21 =	vor.u32 v18, v3;
	v12 =	vld.idx.msk [tilespmem:v29+s14+$0x0], $0xffff  }
0x28f: {  	v29 =	vor.u32 v18, v7;
	_ =	sdelay $0x3  }
0x290: {  	[tilespmem:v21+s25+$0x0] =	vst.idx.msk $0xffff, v12  }
0x291: {  	v21 =	vor.u32 v11, v3;
	v12 =	vld.idx.msk [tilespmem:v29+s21+$0x0], $0xffff  }
0x292: {  	v29 =	vor.u32 v23, v5;
	_ =	sdelay $0x3  }
0x293: {  	[tilespmem:v21+s25+$0x0] =	vst.idx.msk $0xffff, v12  }
0x294: {  	v21 =	vor.u32 v23, v3;
	v12 =	vld.idx.msk [tilespmem:v29+s14+$0x0], $0xffff  }
0x295: {  	v29 =	vor.u32 v23, v7;
	_ =	sdelay $0x3  }
0x296: {  	[tilespmem:v21+s25+$0x0] =	vst.idx.msk $0xffff, v12  }
0x297: {  	v21 =	vor.u32 v15, v3;
	v12 =	vld.idx.msk [tilespmem:v29+s21+$0x0], $0xffff  }
0x298: {  	v29 =	vor.u32 v25, v5;
	_ =	sdelay $0x3  }
0x299: {  	[tilespmem:v21+s25+$0x0] =	vst.idx.msk $0xffff, v12  }
0x29a: {  	v21 =	vor.u32 v25, v3;
	v12 =	vld.idx.msk [tilespmem:v29+s14+$0x0], $0xffff  }
0x29b: {  	v29 =	vor.u32 v25, v7;
	_ =	sdelay $0x3  }
0x29c: {  	[tilespmem:v21+s25+$0x0] =	vst.idx.msk $0xffff, v12  }
0x29d: {  	v21 =	vor.u32 v24, v3;
	v12 =	vld.idx.msk [tilespmem:v29+s21+$0x0], $0xffff  }
0x29e: {  	v29 =	vor.u32 v27, v5;
	_ =	sdelay $0x3  }
0x29f: {  	[tilespmem:v21+s25+$0x0] =	vst.idx.msk $0xffff, v12  }
0x2a0: {  	v21 =	vor.u32 v27, v3;
	v12 =	vld.idx.msk [tilespmem:v29+s14+$0x0], $0xffff  }
0x2a1: {  	v29 =	vor.u32 v27, v7;
	_ =	sdelay $0x3  }
0x2a2: {  	[tilespmem:v21+s25+$0x0] =	vst.idx.msk $0xffff, v12  }
0x2a3: {  	v21 =	vor.u32 v42, v3;
	v12 =	vld.idx.msk [tilespmem:v29+s21+$0x0], $0xffff  }
0x2a4: {  	v29 =	vor.u32 v31, v5;
	_ =	sdelay $0x3  }
0x2a5: {  	[tilespmem:v21+s25+$0x0] =	vst.idx.msk $0xffff, v12  }
0x2a6: {  	v21 =	vor.u32 v31, v3;
	v12 =	vld.idx.msk [tilespmem:v29+s14+$0x0], $0xffff  }
0x2a7: {  	v29 =	vor.u32 v31, v7;
	_ =	sdelay $0x3  }
0x2a8: {  	[tilespmem:v21+s25+$0x0] =	vst.idx.msk $0xffff, v12  }
0x2a9: {  	v21 =	vor.u32 v36, v3;
	v12 =	vld.idx.msk [tilespmem:v29+s21+$0x0], $0xffff  }
0x2aa: {  	v29 =	vor.u32 v33, v5;
	_ =	sdelay $0x3  }
0x2ab: {  	[tilespmem:v21+s25+$0x0] =	vst.idx.msk $0xffff, v12  }
0x2ac: {  	v21 =	vor.u32 v33, v3;
	v12 =	vld.idx.msk [tilespmem:v29+s14+$0x0], $0xffff  }
0x2ad: {  	v29 =	vor.u32 v33, v7;
	_ =	sdelay $0x3  }
0x2ae: {  	[tilespmem:v21+s25+$0x0] =	vst.idx.msk $0xffff, v12  }
0x2af: {  	v21 =	vor.u32 v37, v3;
	v12 =	vld.idx.msk [tilespmem:v29+s21+$0x0], $0xffff  }
0x2b0: {  	v29 =	vor.u32 v35, v5;
	_ =	sdelay $0x3  }
0x2b1: {  	[tilespmem:v21+s25+$0x0] =	vst.idx.msk $0xffff, v12  }
0x2b2: {  	v21 =	vor.u32 v35, v3;
	v12 =	vld.idx.msk [tilespmem:v29+s14+$0x0], $0xffff  }
0x2b3: {  	v29 =	vor.u32 v35, v7;
	_ =	sdelay $0x3  }
0x2b4: {  	[tilespmem:v21+s25+$0x0] =	vst.idx.msk $0xffff, v12  }
0x2b5: {  	v21 =	vor.u32 v32, v3;
	v12 =	vld.idx.msk [tilespmem:v29+s21+$0x0], $0xffff  }
0x2b6: {  	v29 =	vor.u32 v39, v5;
	_ =	sdelay $0x3  }
0x2b7: {  	[tilespmem:v21+s25+$0x0] =	vst.idx.msk $0xffff, v12  }
0x2b8: {  	v21 =	vor.u32 v39, v3;
	v12 =	vld.idx.msk [tilespmem:v29+s14+$0x0], $0xffff  }
0x2b9: {  	v29 =	vor.u32 v39, v7;
	_ =	sdelay $0x3  }
0x2ba: {  	[tilespmem:v21+s25+$0x0] =	vst.idx.msk $0xffff, v12  }
0x2bb: {  	v21 =	vor.u32 v9, v3;
	v12 =	vld.idx.msk [tilespmem:v29+s21+$0x0], $0xffff  }
0x2bc: {  	v29 =	vor.u32 v13, v5;
	_ =	sdelay $0x3  }
0x2bd: {  	[tilespmem:v21+s25+$0x0] =	vst.idx.msk $0xffff, v12  }
0x2be: {  	v21 =	vor.u32 v13, v3;
	v12 =	vld.idx.msk [tilespmem:v29+s14+$0x0], $0xffff  }
0x2bf: {  	v29 =	vor.u32 v13, v7;
	_ =	sdelay $0x3  }
0x2c0: {  	[tilespmem:v21+s25+$0x0] =	vst.idx.msk $0xffff, v12  }
0x2c1: {  	v21 =	vor.u32 v17, v3;
	v12 =	vld.idx.msk [tilespmem:v29+s21+$0x0], $0xffff  }
0x2c2: {  	v29 =	vor.u32 v22, v5;
	_ =	sdelay $0x3  }
0x2c3: {  	[tilespmem:v21+s25+$0x0] =	vst.idx.msk $0xffff, v12  }
0x2c4: {  	v21 =	vor.u32 v22, v3;
	v12 =	vld.idx.msk [tilespmem:v29+s14+$0x0], $0xffff;
	_ =	sdelay $0x4  }
0x2c5: {  	v29 =	vor.u32 v22, v7;
	[tilespmem:v21+s25+$0x0] =	vst.idx.msk $0xffff, v12;
	v21 =	vld [tilespmem:$0x1FCF0];
	_ =	sdelay $0x4  }
0x2c6: {  	v12 =	vld.idx.msk [tilespmem:v29+s21+$0x0], $0xffff;
	v21 =	vor.u32 v21, v3  }
0x2c7: {  	v29 =	vor.u32 v30, v5;
	_ =	sdelay $0x3  }
0x2c8: {  	[tilespmem:v21+s25+$0x0] =	vst.idx.msk $0xffff, v12  }
0x2c9: {  	v21 =	vor.u32 v30, v3;
	v12 =	vld.idx.msk [tilespmem:v29+s14+$0x0], $0xffff;
	_ =	sdelay $0x4  }
0x2ca: {  	v29 =	vor.u32 v30, v7;
	[tilespmem:v21+s25+$0x0] =	vst.idx.msk $0xffff, v12;
	v21 =	vld [tilespmem:$0x1FD70];
	_ =	sdelay $0x4  }
0x2cb: {  	v12 =	vld.idx.msk [tilespmem:v29+s21+$0x0], $0xffff;
	v21 =	vor.u32 v21, v3  }
0x2cc: {  	v29 =	vor.u32 v38, v5;
	_ =	sdelay $0x3  }
0x2cd: {  	[tilespmem:v21+s25+$0x0] =	vst.idx.msk $0xffff, v12  }
0x2ce: {  	v21 =	vor.u32 v38, v3;
	v12 =	vld.idx.msk [tilespmem:v29+s14+$0x0], $0xffff  }
0x2cf: {  	v29 =	vor.u32 v38, v7;
	_ =	sdelay $0x3  }
0x2d0: {  	[tilespmem:v21+s25+$0x0] =	vst.idx.msk $0xffff, v12  }
0x2d1: {  	v21 =	vor.u32 v44, v3;
	v12 =	vld.idx.msk [tilespmem:v29+s21+$0x0], $0xffff  }
0x2d2: {  	v29 =	vor.u32 v46, v5;
	_ =	sdelay $0x3  }
0x2d3: {  	[tilespmem:v21+s25+$0x0] =	vst.idx.msk $0xffff, v12  }
0x2d4: {  	v21 =	vor.u32 v46, v3;
	v12 =	vld.idx.msk [tilespmem:v29+s14+$0x0], $0xffff  }
0x2d5: {  	v29 =	vor.u32 v46, v7;
	_ =	sdelay $0x3  }
0x2d6: {  	[tilespmem:v21+s25+$0x0] =	vst.idx.msk $0xffff, v12  }
0x2d7: {  	v21 =	vor.u32 v48, v3;
	v12 =	vld.idx.msk [tilespmem:v29+s21+$0x0], $0xffff  }
0x2d8: {  	v29 =	vor.u32 v50, v5;
	_ =	sdelay $0x3  }
0x2d9: {  	[tilespmem:v21+s25+$0x0] =	vst.idx.msk $0xffff, v12  }
0x2da: {  	v21 =	vor.u32 v50, v3;
	v12 =	vld.idx.msk [tilespmem:v29+s14+$0x0], $0xffff  }
0x2db: {  	v29 =	vor.u32 v50, v7;
	_ =	sdelay $0x3  }
0x2dc: {  	[tilespmem:v21+s25+$0x0] =	vst.idx.msk $0xffff, v12  }
0x2dd: {  	v21 =	vor.u32 v52, v3;
	v12 =	vld.idx.msk [tilespmem:v29+s21+$0x0], $0xffff  }
0x2de: {  	v29 =	vor.u32 v58, v5;
	_ =	sdelay $0x3  }
0x2df: {  	[tilespmem:v21+s25+$0x0] =	vst.idx.msk $0xffff, v12  }
0x2e0: {  	v21 =	vor.u32 v58, v3;
	v12 =	vld.idx.msk [tilespmem:v29+s14+$0x0], $0xffff  }
0x2e1: {  	v29 =	vor.u32 v58, v7;
	_ =	sdelay $0x3  }
0x2e2: {  	[tilespmem:v21+s25+$0x0] =	vst.idx.msk $0xffff, v12  }
0x2e3: {  	v21 =	vor.u32 v59, v3;
	v12 =	vld.idx.msk [tilespmem:v29+s21+$0x0], $0xffff  }
0x2e4: {  	v29 =	vor.u32 v60, v5;
	_ =	sdelay $0x3  }
0x2e5: {  	[tilespmem:v21+s25+$0x0] =	vst.idx.msk $0xffff, v12  }
0x2e6: {  	v21 =	vor.u32 v60, v3;
	v12 =	vld.idx.msk [tilespmem:v29+s14+$0x0], $0xffff  }
0x2e7: {  	v29 =	vor.u32 v60, v7;
	_ =	sdelay $0x3  }
0x2e8: {  	[tilespmem:v21+s25+$0x0] =	vst.idx.msk $0xffff, v12  }
0x2e9: {  	v21 =	vor.u32 v61, v3;
	v12 =	vld.idx.msk [tilespmem:v29+s21+$0x0], $0xffff  }
0x2ea: {  	v29 =	vor.u32 v49, v5;
	_ =	sdelay $0x3  }
0x2eb: {  	[tilespmem:v21+s25+$0x0] =	vst.idx.msk $0xffff, v12  }
0x2ec: {  	v21 =	vor.u32 v49, v3;
	v12 =	vld.idx.msk [tilespmem:v29+s14+$0x0], $0xffff  }
0x2ed: {  	v29 =	vor.u32 v49, v7;
	_ =	sdelay $0x3  }
0x2ee: {  	[tilespmem:v21+s25+$0x0] =	vst.idx.msk $0xffff, v12  }
0x2ef: {  	v21 =	vor.u32 v62, v3;
	v12 =	vld.idx.msk [tilespmem:v29+s21+$0x0], $0xffff  }
0x2f0: {  	v29 =	vor.u32 v51, v5;
	_ =	sdelay $0x3  }
0x2f1: {  	[tilespmem:v21+s25+$0x0] =	vst.idx.msk $0xffff, v12  }
0x2f2: {  	v21 =	vor.u32 v51, v3;
	v12 =	vld.idx.msk [tilespmem:v29+s14+$0x0], $0xffff  }
0x2f3: {  	v29 =	vor.u32 v51, v7;
	_ =	sdelay $0x3  }
0x2f4: {  	[tilespmem:v21+s25+$0x0] =	vst.idx.msk $0xffff, v12  }
0x2f5: {  	v21 =	vor.u32 v63, v3;
	v12 =	vld.idx.msk [tilespmem:v29+s21+$0x0], $0xffff  }
0x2f6: {  	v29 =	vor.u32 v53, v5;
	_ =	sdelay $0x3  }
0x2f7: {  	[tilespmem:v21+s25+$0x0] =	vst.idx.msk $0xffff, v12  }
0x2f8: {  	v21 =	vor.u32 v53, v3;
	v12 =	vld.idx.msk [tilespmem:v29+s14+$0x0], $0xffff  }
0x2f9: {  	v29 =	vor.u32 v53, v7;
	_ =	sdelay $0x3  }
0x2fa: {  	[tilespmem:v21+s25+$0x0] =	vst.idx.msk $0xffff, v12  }
0x2fb: {  	v21 =	vor.u32 v40, v3;
	v12 =	vld.idx.msk [tilespmem:v29+s21+$0x0], $0xffff  }
0x2fc: {  	v29 =	vor.u32 v54, v5;
	_ =	sdelay $0x3  }
0x2fd: {  	[tilespmem:v21+s25+$0x0] =	vst.idx.msk $0xffff, v12  }
0x2fe: {  	v21 =	vor.u32 v54, v3;
	v12 =	vld.idx.msk [tilespmem:v29+s14+$0x0], $0xffff  }
0x2ff: {  	v29 =	vor.u32 v54, v7;
	_ =	sdelay $0x3  }
0x300: {  	[tilespmem:v21+s25+$0x0] =	vst.idx.msk $0xffff, v12  }
0x301: {  	v21 =	vor.u32 v41, v3;
	v12 =	vld.idx.msk [tilespmem:v29+s21+$0x0], $0xffff  }
0x302: {  	v29 =	vor.u32 v55, v5;
	_ =	sdelay $0x3  }
0x303: {  	[tilespmem:v21+s25+$0x0] =	vst.idx.msk $0xffff, v12  }
0x304: {  	v21 =	vor.u32 v55, v3;
	v12 =	vld.idx.msk [tilespmem:v29+s14+$0x0], $0xffff  }
0x305: {  	v29 =	vor.u32 v55, v7;
	_ =	sdelay $0x3  }
0x306: {  	[tilespmem:v21+s25+$0x0] =	vst.idx.msk $0xffff, v12  }
0x307: {  	v21 =	vor.u32 v43, v3;
	v12 =	vld.idx.msk [tilespmem:v29+s21+$0x0], $0xffff  }
0x308: {  	v29 =	vor.u32 v56, v5;
	_ =	sdelay $0x3  }
0x309: {  	[tilespmem:v21+s25+$0x0] =	vst.idx.msk $0xffff, v12  }
0x30a: {  	v21 =	vor.u32 v56, v3;
	v12 =	vld.idx.msk [tilespmem:v29+s14+$0x0], $0xffff  }
0x30b: {  	v29 =	vor.u32 v56, v7;
	_ =	sdelay $0x3  }
0x30c: {  	[tilespmem:v21+s25+$0x0] =	vst.idx.msk $0xffff, v12  }
0x30d: {  	v21 =	vor.u32 v45, v3;
	v12 =	vld.idx.msk [tilespmem:v29+s21+$0x0], $0xffff  }
0x30e: {  	v5 =	vor.u32 v57, v5;
	_ =	sdelay $0x3  }
0x30f: {  	[tilespmem:v21+s25+$0x0] =	vst.idx.msk $0xffff, v12  }
0x310: {  	v12 =	vor.u32 v57, v3;
	v5 =	vld.idx.msk [tilespmem:v5+s14+$0x0], $0xffff  }
0x311: {  	v7 =	vor.u32 v57, v7;
	_ =	sdelay $0x3  }
0x312: {  	[tilespmem:v12+s25+$0x0] =	vst.idx.msk $0xffff, v5  }
0x313: {  	p0 =	sne.s32 s0, $0x70;
	v3 =	vor.u32 v47, v3;
	v5 =	vld.idx.msk [tilespmem:v7+s21+$0x0], $0xffff  }
.Ltmp2:
0x314: {  	_ = 	snop;
	(pc) =	sbr.rel @p0 .LBB2_6-.Ltmp2, $2  }
0x315: {  	_ =	sdelay $0x2  }
0x316: {  	s0 =	sadd.s32 $0x10, s0;
	[tilespmem:v3+s25+$0x0] =	vst.idx.msk $0xffff, v5  }
0x317: {  	s0 =	simm.s32 $0x0  }
0x318: {  	[hbm4b:s9+s0] =	stream.linear.scatter [tilespmem:s25], [sflag:$0x5], $0x4000, $0x38;
	[tilespmem:$0x18A00] =	vst v63  }
0x319: {  	_ =	swait.ge [sflag:s31], $0x4000  }
0x31a: {  	[sflag:s31] =	ssyncset.done $0x0  }
0x31b: {  	[sflag:s31] =	ssyncadd.s32 $0xFFFFC000  }
0x31c: {  	_ =	swait.ge [sflag:s1], $0x4000  }
0x31d: {  	[sflag:s1] =	ssyncset.done $0x0  }
0x31e: {  	[sflag:s1] =	ssyncadd.s32 $0xFFFFC000  }
.LBB2_8:
0x31f: {  	v3 =	vor.u32 $0x180, v0  }
0x320: {  	v3 =	vor.u32 s0, v3;
	_ =	sdelay $0x4  }
0x321: {  	v5 =	vld.idx.msk [tilespmem:v3+s2+$0x0], $0xffff;
	_ =	sdelay $0x3  }
0x322: {  	v3 =	vld.idx.msk [tilespmem:v3+s13+$0x0], $0xffff  }
0x323: {  	v5 =	vshll.u32 v5, $0x7  }
0x324: {  	v7 =	vor.u32 v0, v5;
	_ =	sdelay $0x1  }
0x325: {  	v12 =	vmov s0  }
0x326: {  	v12 =	vshll.u32 v12, $0x7;
	v3 =	vshll.u32 v3, $0x5  }
0x327: {  	v21 =	vand.u32 $0x60, v3;
	v3 =	vor.u32 v1, v12  }
0x328: {  	v29 =	vor.u32 v0, v3;
	v12 =	vld.idx.msk [tilespmem:v7+s14+$0x0], $0xffff;
	v7 =	vor.u32 v3, v21  }
0x329: {  	v21 =	vor.u32 v0, v7;
	_ =	sdelay $0x3  }
0x32a: {  	[tilespmem:v29+s28+$0x0] =	vst.idx.msk $0xffff, v12  }
0x32b: {  	v12 =	vld.idx.msk [tilespmem:v21+s23+$0x0], $0xffff  }
0x32c: {  	v21 =	vld [tilespmem:$0x1FC50];
	_ =	sdelay $0x4  }
0x32d: {  	v21 =	vor.u32 v21, v3  }
0x32e: {  	v29 =	vor.u32 v2, v5;
	_ =	sdelay $0x3  }
0x32f: {  	[tilespmem:v21+s28+$0x0] =	vst.idx.msk $0xffff, v12  }
0x330: {  	v21 =	vor.u32 v2, v3;
	v12 =	vld.idx.msk [tilespmem:v29+s14+$0x0], $0xffff;
	_ =	sdelay $0x4  }
0x331: {  	v29 =	vor.u32 v2, v7;
	[tilespmem:v21+s28+$0x0] =	vst.idx.msk $0xffff, v12;
	v21 =	vld [tilespmem:$0x1FC60];
	_ =	sdelay $0x4  }
0x332: {  	v12 =	vld.idx.msk [tilespmem:v29+s23+$0x0], $0xffff;
	v21 =	vor.u32 v21, v3  }
0x333: {  	v29 =	vor.u32 v4, v5;
	_ =	sdelay $0x3  }
0x334: {  	[tilespmem:v21+s28+$0x0] =	vst.idx.msk $0xffff, v12  }
0x335: {  	v21 =	vor.u32 v4, v3;
	v12 =	vld.idx.msk [tilespmem:v29+s14+$0x0], $0xffff;
	_ =	sdelay $0x4  }
0x336: {  	v29 =	vor.u32 v4, v7;
	[tilespmem:v21+s28+$0x0] =	vst.idx.msk $0xffff, v12;
	v21 =	vld [tilespmem:$0x1FC70];
	_ =	sdelay $0x4  }
0x337: {  	v12 =	vld.idx.msk [tilespmem:v29+s23+$0x0], $0xffff;
	v21 =	vor.u32 v21, v3  }
0x338: {  	v29 =	vor.u32 v6, v5;
	_ =	sdelay $0x3  }
0x339: {  	[tilespmem:v21+s28+$0x0] =	vst.idx.msk $0xffff, v12  }
0x33a: {  	v21 =	vor.u32 v6, v3;
	v12 =	vld.idx.msk [tilespmem:v29+s14+$0x0], $0xffff;
	_ =	sdelay $0x4  }
0x33b: {  	v29 =	vor.u32 v6, v7;
	[tilespmem:v21+s28+$0x0] =	vst.idx.msk $0xffff, v12;
	v21 =	vld [tilespmem:$0x1FC80];
	_ =	sdelay $0x4  }
0x33c: {  	v12 =	vld.idx.msk [tilespmem:v29+s23+$0x0], $0xffff;
	v21 =	vor.u32 v21, v3  }
0x33d: {  	v29 =	vor.u32 v8, v5;
	_ =	sdelay $0x3  }
0x33e: {  	[tilespmem:v21+s28+$0x0] =	vst.idx.msk $0xffff, v12  }
0x33f: {  	v21 =	vor.u32 v8, v3;
	v12 =	vld.idx.msk [tilespmem:v29+s14+$0x0], $0xffff  }
0x340: {  	v29 =	vor.u32 v8, v7;
	_ =	sdelay $0x3  }
0x341: {  	[tilespmem:v21+s28+$0x0] =	vst.idx.msk $0xffff, v12  }
0x342: {  	v21 =	vor.u32 v34, v3;
	v12 =	vld.idx.msk [tilespmem:v29+s23+$0x0], $0xffff  }
0x343: {  	v29 =	vor.u32 v20, v5;
	_ =	sdelay $0x3  }
0x344: {  	[tilespmem:v21+s28+$0x0] =	vst.idx.msk $0xffff, v12  }
0x345: {  	v21 =	vor.u32 v20, v3;
	v12 =	vld.idx.msk [tilespmem:v29+s14+$0x0], $0xffff;
	_ =	sdelay $0x4  }
0x346: {  	v29 =	vor.u32 v20, v7;
	[tilespmem:v21+s28+$0x0] =	vst.idx.msk $0xffff, v12;
	v21 =	vld [tilespmem:$0x1FEC0];
	_ =	sdelay $0x4  }
0x347: {  	v12 =	vld.idx.msk [tilespmem:v29+s23+$0x0], $0xffff;
	v21 =	vor.u32 v21, v3  }
0x348: {  	v29 =	vor.u32 v10, v5;
	_ =	sdelay $0x3  }
0x349: {  	[tilespmem:v21+s28+$0x0] =	vst.idx.msk $0xffff, v12  }
0x34a: {  	v21 =	vor.u32 v10, v3;
	v12 =	vld.idx.msk [tilespmem:v29+s14+$0x0], $0xffff;
	_ =	sdelay $0x4  }
0x34b: {  	v29 =	vor.u32 v10, v7;
	[tilespmem:v21+s28+$0x0] =	vst.idx.msk $0xffff, v12;
	v21 =	vld [tilespmem:$0x1FED0];
	_ =	sdelay $0x4  }
0x34c: {  	v12 =	vld.idx.msk [tilespmem:v29+s23+$0x0], $0xffff;
	v21 =	vor.u32 v21, v3  }
0x34d: {  	v29 =	vor.u32 v14, v5;
	_ =	sdelay $0x3  }
0x34e: {  	[tilespmem:v21+s28+$0x0] =	vst.idx.msk $0xffff, v12  }
0x34f: {  	v21 =	vor.u32 v14, v3;
	v12 =	vld.idx.msk [tilespmem:v29+s14+$0x0], $0xffff;
	_ =	sdelay $0x4  }
0x350: {  	v29 =	vor.u32 v14, v7;
	[tilespmem:v21+s28+$0x0] =	vst.idx.msk $0xffff, v12;
	v21 =	vld [tilespmem:$0x1FEE0];
	_ =	sdelay $0x4  }
0x351: {  	v12 =	vld.idx.msk [tilespmem:v29+s23+$0x0], $0xffff;
	v21 =	vor.u32 v21, v3  }
0x352: {  	v29 =	vor.u32 v16, v5;
	_ =	sdelay $0x3  }
0x353: {  	[tilespmem:v21+s28+$0x0] =	vst.idx.msk $0xffff, v12  }
0x354: {  	v21 =	vor.u32 v16, v3;
	v12 =	vld.idx.msk [tilespmem:v29+s14+$0x0], $0xffff;
	_ =	sdelay $0x4  }
0x355: {  	v29 =	vor.u32 v16, v7;
	[tilespmem:v21+s28+$0x0] =	vst.idx.msk $0xffff, v12;
	v21 =	vld [tilespmem:$0x1FEF0];
	_ =	sdelay $0x4  }
0x356: {  	v12 =	vld.idx.msk [tilespmem:v29+s23+$0x0], $0xffff;
	v21 =	vor.u32 v21, v3  }
0x357: {  	v29 =	vor.u32 v18, v5;
	_ =	sdelay $0x3  }
0x358: {  	[tilespmem:v21+s28+$0x0] =	vst.idx.msk $0xffff, v12  }
0x359: {  	v21 =	vor.u32 v18, v3;
	v12 =	vld.idx.msk [tilespmem:v29+s14+$0x0], $0xffff  }
0x35a: {  	v29 =	vor.u32 v18, v7;
	_ =	sdelay $0x3  }
0x35b: {  	[tilespmem:v21+s28+$0x0] =	vst.idx.msk $0xffff, v12  }
0x35c: {  	v21 =	vor.u32 v11, v3;
	v12 =	vld.idx.msk [tilespmem:v29+s23+$0x0], $0xffff  }
0x35d: {  	v29 =	vor.u32 v23, v5;
	_ =	sdelay $0x3  }
0x35e: {  	[tilespmem:v21+s28+$0x0] =	vst.idx.msk $0xffff, v12  }
0x35f: {  	v21 =	vor.u32 v23, v3;
	v12 =	vld.idx.msk [tilespmem:v29+s14+$0x0], $0xffff  }
0x360: {  	v29 =	vor.u32 v23, v7;
	_ =	sdelay $0x3  }
0x361: {  	[tilespmem:v21+s28+$0x0] =	vst.idx.msk $0xffff, v12  }
0x362: {  	v21 =	vor.u32 v15, v3;
	v12 =	vld.idx.msk [tilespmem:v29+s23+$0x0], $0xffff  }
0x363: {  	v29 =	vor.u32 v25, v5;
	_ =	sdelay $0x3  }
0x364: {  	[tilespmem:v21+s28+$0x0] =	vst.idx.msk $0xffff, v12  }
0x365: {  	v21 =	vor.u32 v25, v3;
	v12 =	vld.idx.msk [tilespmem:v29+s14+$0x0], $0xffff  }
0x366: {  	v29 =	vor.u32 v25, v7;
	_ =	sdelay $0x3  }
0x367: {  	[tilespmem:v21+s28+$0x0] =	vst.idx.msk $0xffff, v12  }
0x368: {  	v21 =	vor.u32 v24, v3;
	v12 =	vld.idx.msk [tilespmem:v29+s23+$0x0], $0xffff  }
0x369: {  	v29 =	vor.u32 v27, v5;
	_ =	sdelay $0x3  }
0x36a: {  	[tilespmem:v21+s28+$0x0] =	vst.idx.msk $0xffff, v12  }
0x36b: {  	v21 =	vor.u32 v27, v3;
	v12 =	vld.idx.msk [tilespmem:v29+s14+$0x0], $0xffff  }
0x36c: {  	v29 =	vor.u32 v27, v7;
	_ =	sdelay $0x3  }
0x36d: {  	[tilespmem:v21+s28+$0x0] =	vst.idx.msk $0xffff, v12  }
0x36e: {  	v21 =	vor.u32 v42, v3;
	v12 =	vld.idx.msk [tilespmem:v29+s23+$0x0], $0xffff  }
0x36f: {  	v29 =	vor.u32 v31, v5;
	_ =	sdelay $0x3  }
0x370: {  	[tilespmem:v21+s28+$0x0] =	vst.idx.msk $0xffff, v12  }
0x371: {  	v21 =	vor.u32 v31, v3;
	v12 =	vld.idx.msk [tilespmem:v29+s14+$0x0], $0xffff  }
0x372: {  	v29 =	vor.u32 v31, v7;
	_ =	sdelay $0x3  }
0x373: {  	[tilespmem:v21+s28+$0x0] =	vst.idx.msk $0xffff, v12  }
0x374: {  	v21 =	vor.u32 v36, v3;
	v12 =	vld.idx.msk [tilespmem:v29+s23+$0x0], $0xffff  }
0x375: {  	v29 =	vor.u32 v33, v5;
	_ =	sdelay $0x3  }
0x376: {  	[tilespmem:v21+s28+$0x0] =	vst.idx.msk $0xffff, v12  }
0x377: {  	v21 =	vor.u32 v33, v3;
	v12 =	vld.idx.msk [tilespmem:v29+s14+$0x0], $0xffff  }
0x378: {  	v29 =	vor.u32 v33, v7;
	_ =	sdelay $0x3  }
0x379: {  	[tilespmem:v21+s28+$0x0] =	vst.idx.msk $0xffff, v12  }
0x37a: {  	v21 =	vor.u32 v37, v3;
	v12 =	vld.idx.msk [tilespmem:v29+s23+$0x0], $0xffff  }
0x37b: {  	v29 =	vor.u32 v35, v5;
	_ =	sdelay $0x3  }
0x37c: {  	[tilespmem:v21+s28+$0x0] =	vst.idx.msk $0xffff, v12  }
0x37d: {  	v21 =	vor.u32 v35, v3;
	v12 =	vld.idx.msk [tilespmem:v29+s14+$0x0], $0xffff  }
0x37e: {  	v29 =	vor.u32 v35, v7;
	_ =	sdelay $0x3  }
0x37f: {  	[tilespmem:v21+s28+$0x0] =	vst.idx.msk $0xffff, v12  }
0x380: {  	v21 =	vor.u32 v32, v3;
	v12 =	vld.idx.msk [tilespmem:v29+s23+$0x0], $0xffff  }
0x381: {  	v29 =	vor.u32 v39, v5;
	_ =	sdelay $0x3  }
0x382: {  	[tilespmem:v21+s28+$0x0] =	vst.idx.msk $0xffff, v12  }
0x383: {  	v21 =	vor.u32 v39, v3;
	v12 =	vld.idx.msk [tilespmem:v29+s14+$0x0], $0xffff  }
0x384: {  	v29 =	vor.u32 v39, v7;
	_ =	sdelay $0x3  }
0x385: {  	[tilespmem:v21+s28+$0x0] =	vst.idx.msk $0xffff, v12  }
0x386: {  	v21 =	vor.u32 v9, v3;
	v12 =	vld.idx.msk [tilespmem:v29+s23+$0x0], $0xffff  }
0x387: {  	v29 =	vor.u32 v13, v5;
	_ =	sdelay $0x3  }
0x388: {  	[tilespmem:v21+s28+$0x0] =	vst.idx.msk $0xffff, v12  }
0x389: {  	v21 =	vor.u32 v13, v3;
	v12 =	vld.idx.msk [tilespmem:v29+s14+$0x0], $0xffff  }
0x38a: {  	v29 =	vor.u32 v13, v7;
	_ =	sdelay $0x3  }
0x38b: {  	[tilespmem:v21+s28+$0x0] =	vst.idx.msk $0xffff, v12  }
0x38c: {  	v21 =	vor.u32 v17, v3;
	v12 =	vld.idx.msk [tilespmem:v29+s23+$0x0], $0xffff  }
0x38d: {  	v29 =	vor.u32 v22, v5;
	_ =	sdelay $0x3  }
0x38e: {  	[tilespmem:v21+s28+$0x0] =	vst.idx.msk $0xffff, v12  }
0x38f: {  	v21 =	vor.u32 v22, v3;
	v12 =	vld.idx.msk [tilespmem:v29+s14+$0x0], $0xffff;
	_ =	sdelay $0x4  }
0x390: {  	v29 =	vor.u32 v22, v7;
	[tilespmem:v21+s28+$0x0] =	vst.idx.msk $0xffff, v12;
	v21 =	vld [tilespmem:$0x1FCF0];
	_ =	sdelay $0x4  }
0x391: {  	v12 =	vld.idx.msk [tilespmem:v29+s23+$0x0], $0xffff;
	v21 =	vor.u32 v21, v3  }
0x392: {  	v29 =	vor.u32 v30, v5;
	_ =	sdelay $0x3  }
0x393: {  	[tilespmem:v21+s28+$0x0] =	vst.idx.msk $0xffff, v12  }
0x394: {  	v21 =	vor.u32 v30, v3;
	v12 =	vld.idx.msk [tilespmem:v29+s14+$0x0], $0xffff;
	_ =	sdelay $0x4  }
0x395: {  	v29 =	vor.u32 v30, v7;
	[tilespmem:v21+s28+$0x0] =	vst.idx.msk $0xffff, v12;
	v21 =	vld [tilespmem:$0x1FD70];
	_ =	sdelay $0x4  }
0x396: {  	v12 =	vld.idx.msk [tilespmem:v29+s23+$0x0], $0xffff;
	v21 =	vor.u32 v21, v3  }
0x397: {  	v29 =	vor.u32 v38, v5;
	_ =	sdelay $0x3  }
0x398: {  	[tilespmem:v21+s28+$0x0] =	vst.idx.msk $0xffff, v12  }
0x399: {  	v21 =	vor.u32 v38, v3;
	v12 =	vld.idx.msk [tilespmem:v29+s14+$0x0], $0xffff  }
0x39a: {  	v29 =	vor.u32 v38, v7;
	_ =	sdelay $0x3  }
0x39b: {  	[tilespmem:v21+s28+$0x0] =	vst.idx.msk $0xffff, v12  }
0x39c: {  	v21 =	vor.u32 v44, v3;
	v12 =	vld.idx.msk [tilespmem:v29+s23+$0x0], $0xffff  }
0x39d: {  	v29 =	vor.u32 v46, v5;
	_ =	sdelay $0x3  }
0x39e: {  	[tilespmem:v21+s28+$0x0] =	vst.idx.msk $0xffff, v12  }
0x39f: {  	v21 =	vor.u32 v46, v3;
	v12 =	vld.idx.msk [tilespmem:v29+s14+$0x0], $0xffff  }
0x3a0: {  	v29 =	vor.u32 v46, v7;
	_ =	sdelay $0x3  }
0x3a1: {  	[tilespmem:v21+s28+$0x0] =	vst.idx.msk $0xffff, v12  }
0x3a2: {  	v21 =	vor.u32 v48, v3;
	v12 =	vld.idx.msk [tilespmem:v29+s23+$0x0], $0xffff  }
0x3a3: {  	v29 =	vor.u32 v50, v5;
	_ =	sdelay $0x3  }
0x3a4: {  	[tilespmem:v21+s28+$0x0] =	vst.idx.msk $0xffff, v12  }
0x3a5: {  	v21 =	vor.u32 v50, v3;
	v12 =	vld.idx.msk [tilespmem:v29+s14+$0x0], $0xffff  }
0x3a6: {  	v29 =	vor.u32 v50, v7;
	_ =	sdelay $0x3  }
0x3a7: {  	[tilespmem:v21+s28+$0x0] =	vst.idx.msk $0xffff, v12  }
0x3a8: {  	v21 =	vor.u32 v52, v3;
	v12 =	vld.idx.msk [tilespmem:v29+s23+$0x0], $0xffff  }
0x3a9: {  	v29 =	vor.u32 v58, v5;
	_ =	sdelay $0x3  }
0x3aa: {  	[tilespmem:v21+s28+$0x0] =	vst.idx.msk $0xffff, v12  }
0x3ab: {  	v21 =	vor.u32 v58, v3;
	v12 =	vld.idx.msk [tilespmem:v29+s14+$0x0], $0xffff  }
0x3ac: {  	v29 =	vor.u32 v58, v7;
	_ =	sdelay $0x3  }
0x3ad: {  	[tilespmem:v21+s28+$0x0] =	vst.idx.msk $0xffff, v12  }
0x3ae: {  	v21 =	vor.u32 v59, v3;
	v12 =	vld.idx.msk [tilespmem:v29+s23+$0x0], $0xffff  }
0x3af: {  	v29 =	vor.u32 v60, v5;
	_ =	sdelay $0x3  }
0x3b0: {  	[tilespmem:v21+s28+$0x0] =	vst.idx.msk $0xffff, v12  }
0x3b1: {  	v21 =	vor.u32 v60, v3;
	v12 =	vld.idx.msk [tilespmem:v29+s14+$0x0], $0xffff  }
0x3b2: {  	v29 =	vor.u32 v60, v7;
	_ =	sdelay $0x3  }
0x3b3: {  	[tilespmem:v21+s28+$0x0] =	vst.idx.msk $0xffff, v12  }
0x3b4: {  	v21 =	vor.u32 v61, v3;
	v12 =	vld.idx.msk [tilespmem:v29+s23+$0x0], $0xffff  }
0x3b5: {  	v29 =	vor.u32 v49, v5;
	_ =	sdelay $0x3  }
0x3b6: {  	[tilespmem:v21+s28+$0x0] =	vst.idx.msk $0xffff, v12  }
0x3b7: {  	v21 =	vor.u32 v49, v3;
	v12 =	vld.idx.msk [tilespmem:v29+s14+$0x0], $0xffff  }
0x3b8: {  	v29 =	vor.u32 v49, v7;
	_ =	sdelay $0x3  }
0x3b9: {  	[tilespmem:v21+s28+$0x0] =	vst.idx.msk $0xffff, v12  }
0x3ba: {  	v21 =	vor.u32 v62, v3;
	v12 =	vld.idx.msk [tilespmem:v29+s23+$0x0], $0xffff  }
0x3bb: {  	v29 =	vor.u32 v51, v5;
	_ =	sdelay $0x3  }
0x3bc: {  	[tilespmem:v21+s28+$0x0] =	vst.idx.msk $0xffff, v12  }
0x3bd: {  	v21 =	vor.u32 v51, v3;
	v12 =	vld.idx.msk [tilespmem:v29+s14+$0x0], $0xffff  }
0x3be: {  	v29 =	vor.u32 v51, v7;
	_ =	sdelay $0x3  }
0x3bf: {  	[tilespmem:v21+s28+$0x0] =	vst.idx.msk $0xffff, v12  }
0x3c0: {  	v21 =	vor.u32 v63, v3;
	v12 =	vld.idx.msk [tilespmem:v29+s23+$0x0], $0xffff  }
0x3c1: {  	v29 =	vor.u32 v53, v5;
	_ =	sdelay $0x3  }
0x3c2: {  	[tilespmem:v21+s28+$0x0] =	vst.idx.msk $0xffff, v12  }
0x3c3: {  	v21 =	vor.u32 v53, v3;
	v12 =	vld.idx.msk [tilespmem:v29+s14+$0x0], $0xffff  }
0x3c4: {  	v29 =	vor.u32 v53, v7;
	_ =	sdelay $0x3  }
0x3c5: {  	[tilespmem:v21+s28+$0x0] =	vst.idx.msk $0xffff, v12  }
0x3c6: {  	v21 =	vor.u32 v40, v3;
	v12 =	vld.idx.msk [tilespmem:v29+s23+$0x0], $0xffff  }
0x3c7: {  	v29 =	vor.u32 v54, v5;
	_ =	sdelay $0x3  }
0x3c8: {  	[tilespmem:v21+s28+$0x0] =	vst.idx.msk $0xffff, v12  }
0x3c9: {  	v21 =	vor.u32 v54, v3;
	v12 =	vld.idx.msk [tilespmem:v29+s14+$0x0], $0xffff  }
0x3ca: {  	v29 =	vor.u32 v54, v7;
	_ =	sdelay $0x3  }
0x3cb: {  	[tilespmem:v21+s28+$0x0] =	vst.idx.msk $0xffff, v12  }
0x3cc: {  	v21 =	vor.u32 v41, v3;
	v12 =	vld.idx.msk [tilespmem:v29+s23+$0x0], $0xffff  }
0x3cd: {  	v29 =	vor.u32 v55, v5;
	_ =	sdelay $0x3  }
0x3ce: {  	[tilespmem:v21+s28+$0x0] =	vst.idx.msk $0xffff, v12  }
0x3cf: {  	v21 =	vor.u32 v55, v3;
	v12 =	vld.idx.msk [tilespmem:v29+s14+$0x0], $0xffff  }
0x3d0: {  	v29 =	vor.u32 v55, v7;
	_ =	sdelay $0x3  }
0x3d1: {  	[tilespmem:v21+s28+$0x0] =	vst.idx.msk $0xffff, v12  }
0x3d2: {  	v21 =	vor.u32 v43, v3;
	v12 =	vld.idx.msk [tilespmem:v29+s23+$0x0], $0xffff  }
0x3d3: {  	v29 =	vor.u32 v56, v5;
	_ =	sdelay $0x3  }
0x3d4: {  	[tilespmem:v21+s28+$0x0] =	vst.idx.msk $0xffff, v12  }
0x3d5: {  	v21 =	vor.u32 v56, v3;
	v12 =	vld.idx.msk [tilespmem:v29+s14+$0x0], $0xffff  }
0x3d6: {  	v29 =	vor.u32 v56, v7;
	_ =	sdelay $0x3  }
0x3d7: {  	[tilespmem:v21+s28+$0x0] =	vst.idx.msk $0xffff, v12  }
0x3d8: {  	v21 =	vor.u32 v45, v3;
	v12 =	vld.idx.msk [tilespmem:v29+s23+$0x0], $0xffff  }
0x3d9: {  	v5 =	vor.u32 v57, v5;
	_ =	sdelay $0x3  }
0x3da: {  	[tilespmem:v21+s28+$0x0] =	vst.idx.msk $0xffff, v12  }
0x3db: {  	v12 =	vor.u32 v57, v3;
	v5 =	vld.idx.msk [tilespmem:v5+s14+$0x0], $0xffff  }
0x3dc: {  	v7 =	vor.u32 v57, v7;
	_ =	sdelay $0x3  }
0x3dd: {  	[tilespmem:v12+s28+$0x0] =	vst.idx.msk $0xffff, v5  }
0x3de: {  	p0 =	sne.s32 s0, $0x70;
	v3 =	vor.u32 v47, v3;
	v5 =	vld.idx.msk [tilespmem:v7+s23+$0x0], $0xffff  }
.Ltmp3:
0x3df: {  	_ = 	snop;
	(pc) =	sbr.rel @p0 .LBB2_8-.Ltmp3, $2  }
0x3e0: {  	_ =	sdelay $0x2  }
0x3e1: {  	s0 =	sadd.s32 $0x10, s0;
	[tilespmem:v3+s28+$0x0] =	vst.idx.msk $0xffff, v5  }
0x3e2: {  	[hbm4b:s10+s2] =	stream.linear.scatter [tilespmem:s28], [sflag:$0x6], $0x4000, $0x38;
	[tilespmem:$0x18A00] =	vst v63  }
0x3e3: {  	s3 =	sadd.s32 $0x1, s3  }
0x3e4: {  	_ =	swait.ge [sflag:s30], $0x4000;
	p0 =	sne.s32 s3, s11  }
.Ltmp4:
0x3e5: {  	[sflag:s30] =	ssyncset.done $0x0;
	(pc) =	sbr.rel @p0 .LBB2_1-.Ltmp4, $4  }
0x3e6: {  	[sflag:s30] =	ssyncadd.s32 $0xFFFFC000  }
0x3e7: {  	_ =	swait.ge [sflag:s1], $0x4000  }
0x3e8: {  	[sflag:s1] =	ssyncset.done $0x0  }
0x3e9: {  	[sflag:s1] =	ssyncadd.s32 $0xFFFFC000  }
0x3ea: {  	_ =	sfence.sel $0x180000  }
0x3eb: {  	[bflag:$0x0] =	sbarrier.arrive $0xFFFF  }
0x3ec: {  	_ =	strace $0x90000047  }
0x3ed: {  	s0 =	stileid.u32;
	[bflag:$0x2] =	sbarrier.arrive $0xFFFF  }
0x3ee: {  	p0 =	sne.s32 s0, $0x0;
	s0 =	rddreg [dreg:$0x4]  }
0x3ef: {  	s0 =	sadd.s32 @!p0 $0x100000, s0  }
0x3f0: {  	[sflag:s0] =	ssyncadd.tile.s32 @!p0 $0x1;
	_ =	shalt  }
.Lfunc_end2:
_tile_overlayer_lowered:
.L_overlay_start_2:
0x3f1: {  	(tag) =	ssettag $0x2  }
0x3f2: {  	s0 =	rddreg [dreg:$0x0];
	s2 =	stileid.u32  }
0x3f3: {  	s1 =	rddreg [dreg:$0x1];
	p0 =	sne.s32 s2, $0x0  }
0x3f4: {  	s3 =	rddreg [dreg:$0x2];
	[bflag:$0x3] =	sbarrier.arrive $0xFFFF;
	s2 =	simm.s32 @!p0 $0x1C07  }
0x3f5: {  	[timem:s3], [sflag:s2] =	dma.local @!p0 [hbm:s0], s1  }
0x3f6: {  	s0 =	simm.s32 @!p0 $0x7  }
0x3f7: {  	_ =	swait.ge @!p0 [sflag:s0], s1  }
0x3f8: {  	s1 =	ssub.s32 @!p0 $0x0, s1;
	[sflag:s0] =	ssyncset.done @!p0 $0x0  }
0x3f9: {  	[sflag:s0] =	ssyncadd.s32 @!p0 s1  }
0x3fa: {  	[bflag:$0x3] =	sbarrier.arrive $0xFFFF  }
0x3fb: {  	_ =	shalt  }

</sc_bundles>
